<compile_context>
chip_gen: v7x
topology: tpu7x:2x2x1
jax: 0.10.2.dev20260603
libtpu: 0.0.44.dev20260713+nightly
codegen_flags: <defaults>
</compile_context>

<pallas_src>
import math

import jax
import jax.numpy as jnp
from jax import lax
from jax.experimental import pallas as pl
from jax.experimental.pallas import tpu as pltpu
from jax.experimental.pallas import tpu_sc as plsc

B, N, C = 16, 8192, 512
K = math.ceil(N * 0.6)
NK = N - K

NW = 32
CH = 64
BLKS = B * K // 8
BLK_BIG = BLKS // NW + 1
BLK_SMALL = BLKS // NW
BIGW = BLKS - BLK_SMALL * NW
ROWS_BIG = BLK_BIG * 8
ROWS_SMALL = BLK_SMALL * 8
KC_FULL = 38
KT_BIG = ROWS_BIG - KC_FULL * CH
KT_SMALL = ROWS_SMALL - KC_FULL * CH
KC = KC_FULL + 1
NH = NK // 2
NC_ = (NH + CH - 1) // CH
NHP = NC_ * CH
CV = C // 16


def _sc_body(tokens_hbm, kidx_hbm, nidx_hbm, w_hbm, ax_hbm, ay_hbm,
             cutf_hbm, icut_hbm,
             sel_out, extra_out, mask_out,
             kidx_v, nidx_v, w_v, buf, acc_v, maskbuf, sv_a, sv_b,
             cutf_v, icut_v, shacc, in_sem, out_sem):
    c = lax.axis_index("c")
    s = lax.axis_index("s")
    w = c * 16 + s
    b = c * 8 + s // 2
    r = s % 2
    zero16 = jnp.zeros((16,), jnp.int32)
    iota16 = lax.iota(jnp.int32, 16)

    pltpu.sync_copy(kidx_hbm.at[w], kidx_v)
    pltpu.sync_copy(nidx_hbm.at[b, r], nidx_v)
    pltpu.sync_copy(w_hbm.at[b, r], w_v)
    pltpu.sync_copy(cutf_hbm.at[b], cutf_v)
    pltpu.sync_copy(icut_hbm.at[b], icut_v)

    pltpu.sync_copy(ax_hbm.at[b, r], sv_a)
    pltpu.sync_copy(ay_hbm.at[b, r], sv_b)
    t = cutf_v[0]
    ic = icut_v[0]
    col0 = r * 4096

    def mrow(v, carry):
        off = pl.multiple_of(v * 16, 16)
        sc = sv_a[0, pl.ds(off, 16)] + sv_b[0, pl.ds(off, 16)]
        idx = iota16 + (col0 + v * 16)
        keep = (sc > t) | ((sc == t) & (idx >= ic))
        maskbuf[0, pl.ds(off, 16)] = jnp.where(keep, jnp.float32(1.0),
                                               jnp.float32(0.0))
        return carry
    lax.fori_loop(0, 4096 // 16, mrow, 0)
    pltpu.sync_copy(maskbuf, mask_out.at[b, r])

    def wait_in():
        pltpu.make_async_copy(tokens_hbm.at[pl.ds(0, CH)], buf.at[0],
                              in_sem).wait()

    def wait_out():
        pltpu.make_async_copy(buf.at[0], sel_out.at[pl.ds(0, CH)],
                              out_sem).wait()

    start = pl.multiple_of(
        8 * jnp.where(w < BIGW, BLK_BIG * w,
                      BLK_BIG * BIGW + BLK_SMALL * (w - BIGW)), 8)
    pltpu.async_copy(tokens_hbm.at[kidx_v.at[0]], buf.at[0], in_sem)

    def kbody(j, carry):
        jj = j & 1
        wait_in()

        @pl.when(j >= 1)
        def _():
            wait_out()

        @pl.when(j + 1 < KC)
        def _():
            pltpu.async_copy(tokens_hbm.at[kidx_v.at[j + 1]],
                             buf.at[1 - jj], in_sem)
        off = pl.multiple_of(start + j * CH, 8)
        pltpu.async_copy(buf.at[jj], sel_out.at[pl.ds(off, CH)], out_sem)
        return carry
    lax.fori_loop(0, KC_FULL, kbody, 0)
    wait_in()
    wait_out()
    tail = KC_FULL & 1
    toff = pl.multiple_of(start + KC_FULL * CH, 8)

    @pl.when(w < BIGW)
    def _():
        pltpu.sync_copy(buf.at[tail, pl.ds(0, KT_BIG)],
                        sel_out.at[pl.ds(toff, KT_BIG)])

    @pl.when(w >= BIGW)
    def _():
        pltpu.sync_copy(buf.at[tail, pl.ds(0, KT_SMALL)],
                        sel_out.at[pl.ds(toff, KT_SMALL)])

    for v in range(CV):
        acc_v[0, pl.ds(v * 16, 16)] = jnp.zeros((16,), jnp.float32)
    pltpu.async_copy(tokens_hbm.at[nidx_v.at[0]], buf.at[0], in_sem)

    def nbody(j, carry):
        jj = j & 1
        wait_in()

        @pl.when(j + 1 < NC_)
        def _():
            pltpu.async_copy(tokens_hbm.at[nidx_v.at[j + 1]],
                             buf.at[1 - jj], in_sem)

        def rbody(rr, carry2):
            wv = plsc.load_gather(w_v, [zero16 + j, zero16 + rr])
            for v in range(CV):
                row = buf[jj, rr, pl.ds(v * 16, 16)]
                plsc.addupdate(acc_v.at[0, pl.ds(v * 16, 16)], row * wv)
            return carry2
        lax.fori_loop(0, CH, rbody, 0)
        return carry
    lax.fori_loop(0, NC_, nbody, 0)

    pltpu.sync_copy(acc_v, shacc.at[s])
    plsc.subcore_barrier()

    @pl.when(r == 0)
    def _():
        pltpu.sync_copy(shacc.at[s + 1], maskbuf.at[pl.ds(0, 1), pl.ds(0, C)])
        for v in range(CV):
            acc_v[0, pl.ds(v * 16, 16)] = (acc_v[0, pl.ds(v * 16, 16)]
                                           + maskbuf[0, pl.ds(v * 16, 16)])
        pltpu.sync_copy(acc_v, extra_out.at[b])


_mesh = plsc.VectorSubcoreMesh(core_axis_name="c", subcore_axis_name="s")

_sc_call = pl.kernel(
    _sc_body, mesh=_mesh,
    out_type=[jax.ShapeDtypeStruct((B * K, C), jnp.float32),
              jax.ShapeDtypeStruct((B, 1, C), jnp.float32),
              jax.ShapeDtypeStruct((B, 2, 1, 4096), jnp.float32)],
    scratch_types=[pltpu.VMEM((KC, CH), jnp.int32),
                   pltpu.VMEM((NC_, CH), jnp.int32),
                   pltpu.VMEM((NC_, CH), jnp.float32),
                   pltpu.VMEM((2, CH, C), jnp.float32),
                   pltpu.VMEM((1, C), jnp.float32),
                   pltpu.VMEM((1, 4096), jnp.float32),
                   pltpu.VMEM((1, 4096), jnp.float32),
                   pltpu.VMEM((1, 4096), jnp.float32),
                   pltpu.VMEM((1, 16), jnp.float32),
                   pltpu.VMEM((1, 16), jnp.int32),
                   pltpu.VMEM_SHARED((16, 1, C), jnp.float32),
                   pltpu.SemaphoreType.DMA,
                   pltpu.SemaphoreType.DMA],
    compiler_params=pltpu.CompilerParams(needs_layout_passes=False),
)


def kernel(tokens, attention_x, attention_y):
    score = attention_x + attention_y
    order = jnp.argsort(score, axis=1)[:, ::-1]
    score_sort = jnp.take_along_axis(score, order, axis=1)
    w = jax.nn.softmax(score_sort[:, K:], axis=1)

    base = (jnp.arange(B, dtype=jnp.int32) * N)[:, None]

    gflat = (order[:, :K].astype(jnp.int32) + base).reshape(B * K)
    pieces = []
    start = 0
    for wid in range(NW):
        rows = ROWS_BIG if wid < BIGW else ROWS_SMALL
        pad = KC * CH - rows
        pieces.append(jnp.concatenate(
            [gflat[start:start + rows],
             jnp.arange(pad, dtype=jnp.int32) + (wid * 97 % N)], axis=0))
        start += rows
    kidx = jnp.stack(pieces).reshape(NW, KC, CH)

    norder = order[:, K:].astype(jnp.int32) + base
    npad = jnp.broadcast_to(base + jnp.arange(NHP - NH, dtype=jnp.int32)[None],
                            (B, NHP - NH))
    n0 = jnp.concatenate([norder[:, :NH], npad], axis=1)
    n1 = jnp.concatenate([norder[:, NH:], npad], axis=1)
    nidx = jnp.stack([n0, n1], axis=1).reshape(B, 2, NC_, CH)

    wz = jnp.zeros((B, NHP - NH), jnp.float32)
    wsp = jnp.stack(
        [jnp.concatenate([w[:, :NH], wz], axis=1),
         jnp.concatenate([w[:, NH:], wz], axis=1)],
        axis=1).reshape(B, 2, NC_, CH)

    cutf = jnp.broadcast_to(score_sort[:, K - 1:K], (B, 16)).reshape(B, 1, 16)
    icut = jnp.broadcast_to(order[:, K - 1:K].astype(jnp.int32),
                            (B, 16)).reshape(B, 1, 16)

    sel, extra, mask = _sc_call(
        tokens.reshape(B * N, C), kidx, nidx, wsp,
        attention_x.reshape(B, 2, 1, 4096), attention_y.reshape(B, 2, 1, 4096),
        cutf, icut)
    return (sel.reshape(B, K, C), extra.reshape(B, 1, C), mask.reshape(B, N))

# --- scband reference (transcript-rebuilt; emitter-appended) ---
"""Pipeline reference for scband-token-sparse-979252544024 (READ-ONLY COPY).

The authoritative reference and input builder live on the scoring server;
editing this copy changes nothing except your own understanding.
"""

import jax, jax.numpy as jnp
import numpy as np
import math

B, N, C = 16, 8192, 512
SPARSE_RATIO = 0.6

def setup_inputs(seed: int = 0) -> dict:
    key = jax.random.key(seed)
    k1, k2, k3 = jax.random.split(key, 3)
    tokens = jax.random.normal(k1, (B, N, C), dtype=jnp.float32)
    attention_x = jax.random.uniform(k2, (B, N), dtype=jnp.float32)
    attention_y = jax.random.uniform(k3, (B, N), dtype=jnp.float32)
    return {"tokens": tokens, "attention_x": attention_x, "attention_y": attention_y}

def reference(tokens, attention_x, attention_y):
    Bv, Lv, Cc = tokens.shape
    score = attention_x + attention_y
    num_keep_token = math.ceil(Lv * SPARSE_RATIO)
    # torch.sort(..., descending=True)
    order = jnp.argsort(score, axis=1)[:, ::-1]
    score_sort = jnp.take_along_axis(score, order, axis=1)
    keep_policy = order[:, :num_keep_token]
    b_idx = jnp.arange(Bv)[:, None]
    score_mask = jnp.zeros_like(score).at[b_idx, keep_policy].set(1.0)
    select_tokens = jnp.take_along_axis(tokens, keep_policy[:, :, None], axis=1)
    non_keep_policy = order[:, num_keep_token:]
    non_tokens = jnp.take_along_axis(tokens, non_keep_policy[:, :, None], axis=1)
    non_keep_score = jax.nn.softmax(score_sort[:, num_keep_token:], axis=1)[:, :, None]
    extra_token = jnp.sum(non_tokens * non_keep_score, axis=1, keepdims=True)
    return (select_tokens, extra_token, score_mask)

if __name__ == "__main__":
    import jax
    _d = setup_inputs()
    print(jax.jit(kernel)(*tuple(_d.values())))

</pallas_src>

<mosaic_0001>
#map = affine_map<(d0, d1) -> (0, 0)>
#map1 = affine_map<(d0, d1) -> (0, 0, 0)>
#map2 = affine_map<(d0, d1) -> (0, 0, 0, 0)>
module attributes {stable_mosaic.version = 14 : i64} {
  func.func @_sc_body(%arg0: i32, %arg1: i32, %arg2: memref<131072x512xf32, #tpu.memory_space<hbm>>, %arg3: memref<32x39x64xi32, #tpu.memory_space<hbm>>, %arg4: memref<16x2x26x64xi32, #tpu.memory_space<hbm>>, %arg5: memref<16x2x26x64xf32, #tpu.memory_space<hbm>>, %arg6: memref<16x2x1x4096xf32, #tpu.memory_space<hbm>>, %arg7: memref<16x2x1x4096xf32, #tpu.memory_space<hbm>>, %arg8: memref<16x1x16xf32, #tpu.memory_space<hbm>>, %arg9: memref<16x1x16xi32, #tpu.memory_space<hbm>>, %arg10: memref<78656x512xf32, #tpu.memory_space<hbm>>, %arg11: memref<16x1x512xf32, #tpu.memory_space<hbm>>, %arg12: memref<16x2x1x4096xf32, #tpu.memory_space<hbm>>, %arg13: memref<39x64xi32, #tpu.memory_space<vmem>>, %arg14: memref<26x64xi32, #tpu.memory_space<vmem>>, %arg15: memref<26x64xf32, #tpu.memory_space<vmem>>, %arg16: memref<2x64x512xf32, #tpu.memory_space<vmem>>, %arg17: memref<1x512xf32, #tpu.memory_space<vmem>>, %arg18: memref<1x4096xf32, #tpu.memory_space<vmem>>, %arg19: memref<1x4096xf32, #tpu.memory_space<vmem>>, %arg20: memref<1x4096xf32, #tpu.memory_space<vmem>>, %arg21: memref<1x16xf32, #tpu.memory_space<vmem>>, %arg22: memref<1x16xi32, #tpu.memory_space<vmem>>, %arg23: memref<16x1x512xf32, #tpu.memory_space<vmem_shared>>, %arg24: memref<!tpu.dma_semaphore, #tpu.memory_space<semaphore_mem>>, %arg25: memref<!tpu.dma_semaphore, #tpu.memory_space<semaphore_mem>>) attributes {dimension_semantics = [#tpu.dimension_semantics<core_parallel>, #tpu.dimension_semantics<subcore_parallel>], iteration_bounds = array<i64: 2, 16>, scalar_prefetch = 0 : i64, scratch_operands = 13 : i64, tpu.core_type = #tpu.core_type<sc_vector_subcore>, window_params = [{transform_indices = #map}, {transform_indices = #map1}, {transform_indices = #map2}, {transform_indices = #map2}, {transform_indices = #map2}, {transform_indices = #map2}, {transform_indices = #map1}, {transform_indices = #map1}, {transform_indices = #map}, {transform_indices = #map1}, {transform_indices = #map2}]} {
    %mul3A = arith.constant 16 : i32
    %mul3A_0 = arith.muli %arg0, %mul3A : i32
    %add3A = arith.addi %mul3A_0, %arg1 : i32
    %mul3A_1 = arith.constant 8 : i32
    %mul3A_2 = arith.muli %arg0, %mul3A_1 : i32
    %jit3A = arith.constant 2 : i32
    %div3A = arith.divsi %arg1, %jit3A : i32
    %sign3A = arith.constant 0 : i32
    %sign3A_3 = arith.cmpi sgt, %arg1, %sign3A : i32
    %sign3A_4 = arith.extui %sign3A_3 : i1 to i32
    %sign3A_5 = arith.constant 0 : i32
    %sign3A_6 = arith.cmpi slt, %arg1, %sign3A_5 : i32
    %sign3A_7 = arith.extui %sign3A_6 : i1 to i32
    %sign3A_8 = arith.subi %sign3A_4, %sign3A_7 : i32
    %sign3A_9 = arith.constant 0 : i32
    %sign3A_10 = arith.cmpi sgt, %jit3A, %sign3A_9 : i32
    %sign3A_11 = arith.extui %sign3A_10 : i1 to i32
    %sign3A_12 = arith.constant 0 : i32
    %sign3A_13 = arith.cmpi slt, %jit3A, %sign3A_12 : i32
    %sign3A_14 = arith.extui %sign3A_13 : i1 to i32
    %sign3A_15 = arith.subi %sign3A_11, %sign3A_14 : i32
    %ne3A = arith.cmpi ne, %sign3A_8, %sign3A_15 : i32
    %rem3A = arith.remsi %arg1, %jit3A : i32
    %ne3A_16 = arith.constant 0 : i32
    %ne3A_17 = arith.cmpi ne, %rem3A, %ne3A_16 : i32
    %and3A = arith.andi %ne3A, %ne3A_17 : i1
    %sub3A = arith.constant 1 : i32
    %sub3A_18 = arith.subi %div3A, %sub3A : i32
    %select_n3A = arith.select %and3A, %sub3A_18, %div3A : i32
    %add3A_19 = arith.addi %mul3A_2, %select_n3A : i32
    %jit3A_20 = arith.constant 2 : i32
    %eq3A = arith.constant 0 : i32
    %eq3A_21 = arith.cmpi eq, %jit3A_20, %eq3A : i32
    %jit3A_22 = arith.constant 1 : i32
    %select_n3A_23 = arith.select %eq3A_21, %jit3A_22, %jit3A_20 : i32
    %rem3A_24 = arith.remsi %arg1, %select_n3A_23 : i32
    %ne3A_25 = arith.constant 0 : i32
    %ne3A_26 = arith.cmpi ne, %rem3A_24, %ne3A_25 : i32
    %lt3A = arith.constant 0 : i32
    %lt3A_27 = arith.cmpi slt, %rem3A_24, %lt3A : i32
    %lt3A_28 = arith.constant 0 : i32
    %lt3A_29 = arith.cmpi slt, %select_n3A_23, %lt3A_28 : i32
    %ne3A_30 = arith.xori %lt3A_27, %lt3A_29 : i1
    %and3A_31 = arith.andi %ne3A_30, %ne3A_26 : i1
    %add3A_32 = arith.addi %rem3A_24, %select_n3A_23 : i32
    %select_n3A_33 = arith.select %and3A_31, %add3A_32, %rem3A_24 : i32
    %broadcast_in_dim3A = arith.constant 0 : i32
    %broadcast_in_dim3A_34 = vector.broadcast %broadcast_in_dim3A : i32 to vector<16xi32>
    %iota3A = tpu.iota {dimensions = array<i32: 0>} : vector<16xi32>
    "tpu.region"() ({
      %run_scoped3A = tpu.sem_alloc : memref<!tpu.dma_semaphore, #tpu.memory_space<semaphore_mem>>
      %dma_start3A_332 = arith.constant 0 : i32
      %dma_start3A_333 = arith.constant 0 : i32
      %dma_start3A_334 = tpu.memref_slice %arg3[%add3A, %dma_start3A_332, %dma_start3A_333] : memref<32x39x64xi32, #tpu.memory_space<hbm>> -> memref<1x39x64xi32, #tpu.memory_space<hbm>>
      %dma_start3A_335 = tpu.memref_squeeze %dma_start3A_334 : memref<1x39x64xi32, #tpu.memory_space<hbm>> -> memref<39x64xi32, #tpu.memory_space<hbm>>
      %dma_start3A_336 = arith.constant 0 : i32
      %dma_start3A_337 = arith.constant 0 : i32
      %dma_start3A_338 = tpu.memref_slice %arg3[%add3A, %dma_start3A_336, %dma_start3A_337] : memref<32x39x64xi32, #tpu.memory_space<hbm>> -> memref<1x39x64xi32, #tpu.memory_space<hbm>>
      %dma_start3A_339 = tpu.memref_squeeze %dma_start3A_338 : memref<1x39x64xi32, #tpu.memory_space<hbm>> -> memref<39x64xi32, #tpu.memory_space<hbm>>
      tpu.enqueue_dma source(%dma_start3A_339 : memref<39x64xi32, #tpu.memory_space<hbm>>) target(%arg13 : memref<39x64xi32, #tpu.memory_space<vmem>>) target_semaphore(%run_scoped3A : memref<!tpu.dma_semaphore, #tpu.memory_space<semaphore_mem>>)
      %dma_wait3A_340 = arith.constant 0 : i32
      %dma_wait3A_341 = arith.constant 0 : i32
      %dma_wait3A_342 = tpu.memref_slice %arg3[%add3A, %dma_wait3A_340, %dma_wait3A_341] : memref<32x39x64xi32, #tpu.memory_space<hbm>> -> memref<1x39x64xi32, #tpu.memory_space<hbm>>
      %dma_wait3A_343 = tpu.memref_squeeze %dma_wait3A_342 : memref<1x39x64xi32, #tpu.memory_space<hbm>> -> memref<39x64xi32, #tpu.memory_space<hbm>>
      %dma_wait3A_344 = arith.constant 0 : i32
      %dma_wait3A_345 = arith.constant 0 : i32
      %dma_wait3A_346 = tpu.memref_slice %arg3[%add3A, %dma_wait3A_344, %dma_wait3A_345] : memref<32x39x64xi32, #tpu.memory_space<hbm>> -> memref<1x39x64xi32, #tpu.memory_space<hbm>>
      %dma_wait3A_347 = tpu.memref_squeeze %dma_wait3A_346 : memref<1x39x64xi32, #tpu.memory_space<hbm>> -> memref<39x64xi32, #tpu.memory_space<hbm>>
      tpu.wait_dma2 semaphore(%run_scoped3A : memref<!tpu.dma_semaphore, #tpu.memory_space<semaphore_mem>>) src(%dma_wait3A_347 : memref<39x64xi32, #tpu.memory_space<hbm>>) dst(%arg13 : memref<39x64xi32, #tpu.memory_space<vmem>>)
      tpu.yield
    }) : () -> ()
    "tpu.region"() ({
      %run_scoped3A = tpu.sem_alloc : memref<!tpu.dma_semaphore, #tpu.memory_space<semaphore_mem>>
      %dma_start3A_332 = arith.constant 0 : i32
      %dma_start3A_333 = arith.constant 0 : i32
      %dma_start3A_334 = tpu.memref_slice %arg4[%add3A_19, %select_n3A_33, %dma_start3A_332, %dma_start3A_333] : memref<16x2x26x64xi32, #tpu.memory_space<hbm>> -> memref<1x1x26x64xi32, #tpu.memory_space<hbm>>
      %dma_start3A_335 = tpu.memref_squeeze %dma_start3A_334 : memref<1x1x26x64xi32, #tpu.memory_space<hbm>> -> memref<26x64xi32, #tpu.memory_space<hbm>>
      %dma_start3A_336 = arith.constant 0 : i32
      %dma_start3A_337 = arith.constant 0 : i32
      %dma_start3A_338 = tpu.memref_slice %arg4[%add3A_19, %select_n3A_33, %dma_start3A_336, %dma_start3A_337] : memref<16x2x26x64xi32, #tpu.memory_space<hbm>> -> memref<1x1x26x64xi32, #tpu.memory_space<hbm>>
      %dma_start3A_339 = tpu.memref_squeeze %dma_start3A_338 : memref<1x1x26x64xi32, #tpu.memory_space<hbm>> -> memref<26x64xi32, #tpu.memory_space<hbm>>
      tpu.enqueue_dma source(%dma_start3A_339 : memref<26x64xi32, #tpu.memory_space<hbm>>) target(%arg14 : memref<26x64xi32, #tpu.memory_space<vmem>>) target_semaphore(%run_scoped3A : memref<!tpu.dma_semaphore, #tpu.memory_space<semaphore_mem>>)
      %dma_wait3A_340 = arith.constant 0 : i32
      %dma_wait3A_341 = arith.constant 0 : i32
      %dma_wait3A_342 = tpu.memref_slice %arg4[%add3A_19, %select_n3A_33, %dma_wait3A_340, %dma_wait3A_341] : memref<16x2x26x64xi32, #tpu.memory_space<hbm>> -> memref<1x1x26x64xi32, #tpu.memory_space<hbm>>
      %dma_wait3A_343 = tpu.memref_squeeze %dma_wait3A_342 : memref<1x1x26x64xi32, #tpu.memory_space<hbm>> -> memref<26x64xi32, #tpu.memory_space<hbm>>
      %dma_wait3A_344 = arith.constant 0 : i32
      %dma_wait3A_345 = arith.constant 0 : i32
      %dma_wait3A_346 = tpu.memref_slice %arg4[%add3A_19, %select_n3A_33, %dma_wait3A_344, %dma_wait3A_345] : memref<16x2x26x64xi32, #tpu.memory_space<hbm>> -> memref<1x1x26x64xi32, #tpu.memory_space<hbm>>
      %dma_wait3A_347 = tpu.memref_squeeze %dma_wait3A_346 : memref<1x1x26x64xi32, #tpu.memory_space<hbm>> -> memref<26x64xi32, #tpu.memory_space<hbm>>
      tpu.wait_dma2 semaphore(%run_scoped3A : memref<!tpu.dma_semaphore, #tpu.memory_space<semaphore_mem>>) src(%dma_wait3A_347 : memref<26x64xi32, #tpu.memory_space<hbm>>) dst(%arg14 : memref<26x64xi32, #tpu.memory_space<vmem>>)
      tpu.yield
    }) : () -> ()
    "tpu.region"() ({
      %run_scoped3A = tpu.sem_alloc : memref<!tpu.dma_semaphore, #tpu.memory_space<semaphore_mem>>
      %dma_start3A_332 = arith.constant 0 : i32
      %dma_start3A_333 = arith.constant 0 : i32
      %dma_start3A_334 = tpu.memref_slice %arg5[%add3A_19, %select_n3A_33, %dma_start3A_332, %dma_start3A_333] : memref<16x2x26x64xf32, #tpu.memory_space<hbm>> -> memref<1x1x26x64xf32, #tpu.memory_space<hbm>>
      %dma_start3A_335 = tpu.memref_squeeze %dma_start3A_334 : memref<1x1x26x64xf32, #tpu.memory_space<hbm>> -> memref<26x64xf32, #tpu.memory_space<hbm>>
      %dma_start3A_336 = arith.constant 0 : i32
      %dma_start3A_337 = arith.constant 0 : i32
      %dma_start3A_338 = tpu.memref_slice %arg5[%add3A_19, %select_n3A_33, %dma_start3A_336, %dma_start3A_337] : memref<16x2x26x64xf32, #tpu.memory_space<hbm>> -> memref<1x1x26x64xf32, #tpu.memory_space<hbm>>
      %dma_start3A_339 = tpu.memref_squeeze %dma_start3A_338 : memref<1x1x26x64xf32, #tpu.memory_space<hbm>> -> memref<26x64xf32, #tpu.memory_space<hbm>>
      tpu.enqueue_dma source(%dma_start3A_339 : memref<26x64xf32, #tpu.memory_space<hbm>>) target(%arg15 : memref<26x64xf32, #tpu.memory_space<vmem>>) target_semaphore(%run_scoped3A : memref<!tpu.dma_semaphore, #tpu.memory_space<semaphore_mem>>)
      %dma_wait3A_340 = arith.constant 0 : i32
      %dma_wait3A_341 = arith.constant 0 : i32
      %dma_wait3A_342 = tpu.memref_slice %arg5[%add3A_19, %select_n3A_33, %dma_wait3A_340, %dma_wait3A_341] : memref<16x2x26x64xf32, #tpu.memory_space<hbm>> -> memref<1x1x26x64xf32, #tpu.memory_space<hbm>>
      %dma_wait3A_343 = tpu.memref_squeeze %dma_wait3A_342 : memref<1x1x26x64xf32, #tpu.memory_space<hbm>> -> memref<26x64xf32, #tpu.memory_space<hbm>>
      %dma_wait3A_344 = arith.constant 0 : i32
      %dma_wait3A_345 = arith.constant 0 : i32
      %dma_wait3A_346 = tpu.memref_slice %arg5[%add3A_19, %select_n3A_33, %dma_wait3A_344, %dma_wait3A_345] : memref<16x2x26x64xf32, #tpu.memory_space<hbm>> -> memref<1x1x26x64xf32, #tpu.memory_space<hbm>>
      %dma_wait3A_347 = tpu.memref_squeeze %dma_wait3A_346 : memref<1x1x26x64xf32, #tpu.memory_space<hbm>> -> memref<26x64xf32, #tpu.memory_space<hbm>>
      tpu.wait_dma2 semaphore(%run_scoped3A : memref<!tpu.dma_semaphore, #tpu.memory_space<semaphore_mem>>) src(%dma_wait3A_347 : memref<26x64xf32, #tpu.memory_space<hbm>>) dst(%arg15 : memref<26x64xf32, #tpu.memory_space<vmem>>)
      tpu.yield
    }) : () -> ()
    "tpu.region"() ({
      %run_scoped3A = tpu.sem_alloc : memref<!tpu.dma_semaphore, #tpu.memory_space<semaphore_mem>>
      %dma_start3A_332 = arith.constant 0 : i32
      %dma_start3A_333 = arith.constant 0 : i32
      %dma_start3A_334 = tpu.memref_slice %arg8[%add3A_19, %dma_start3A_332, %dma_start3A_333] : memref<16x1x16xf32, #tpu.memory_space<hbm>> -> memref<1x1x16xf32, #tpu.memory_space<hbm>>
      %dma_start3A_335 = tpu.memref_squeeze %dma_start3A_334 : memref<1x1x16xf32, #tpu.memory_space<hbm>> -> memref<1x16xf32, #tpu.memory_space<hbm>>
      %dma_start3A_336 = arith.constant 0 : i32
      %dma_start3A_337 = arith.constant 0 : i32
      %dma_start3A_338 = tpu.memref_slice %arg8[%add3A_19, %dma_start3A_336, %dma_start3A_337] : memref<16x1x16xf32, #tpu.memory_space<hbm>> -> memref<1x1x16xf32, #tpu.memory_space<hbm>>
      %dma_start3A_339 = tpu.memref_squeeze %dma_start3A_338 : memref<1x1x16xf32, #tpu.memory_space<hbm>> -> memref<1x16xf32, #tpu.memory_space<hbm>>
      tpu.enqueue_dma source(%dma_start3A_339 : memref<1x16xf32, #tpu.memory_space<hbm>>) target(%arg21 : memref<1x16xf32, #tpu.memory_space<vmem>>) target_semaphore(%run_scoped3A : memref<!tpu.dma_semaphore, #tpu.memory_space<semaphore_mem>>)
      %dma_wait3A_340 = arith.constant 0 : i32
      %dma_wait3A_341 = arith.constant 0 : i32
      %dma_wait3A_342 = tpu.memref_slice %arg8[%add3A_19, %dma_wait3A_340, %dma_wait3A_341] : memref<16x1x16xf32, #tpu.memory_space<hbm>> -> memref<1x1x16xf32, #tpu.memory_space<hbm>>
      %dma_wait3A_343 = tpu.memref_squeeze %dma_wait3A_342 : memref<1x1x16xf32, #tpu.memory_space<hbm>> -> memref<1x16xf32, #tpu.memory_space<hbm>>
      %dma_wait3A_344 = arith.constant 0 : i32
      %dma_wait3A_345 = arith.constant 0 : i32
      %dma_wait3A_346 = tpu.memref_slice %arg8[%add3A_19, %dma_wait3A_344, %dma_wait3A_345] : memref<16x1x16xf32, #tpu.memory_space<hbm>> -> memref<1x1x16xf32, #tpu.memory_space<hbm>>
      %dma_wait3A_347 = tpu.memref_squeeze %dma_wait3A_346 : memref<1x1x16xf32, #tpu.memory_space<hbm>> -> memref<1x16xf32, #tpu.memory_space<hbm>>
      tpu.wait_dma2 semaphore(%run_scoped3A : memref<!tpu.dma_semaphore, #tpu.memory_space<semaphore_mem>>) src(%dma_wait3A_347 : memref<1x16xf32, #tpu.memory_space<hbm>>) dst(%arg21 : memref<1x16xf32, #tpu.memory_space<vmem>>)
      tpu.yield
    }) : () -> ()
    "tpu.region"() ({
      %run_scoped3A = tpu.sem_alloc : memref<!tpu.dma_semaphore, #tpu.memory_space<semaphore_mem>>
      %dma_start3A_332 = arith.constant 0 : i32
      %dma_start3A_333 = arith.constant 0 : i32
      %dma_start3A_334 = tpu.memref_slice %arg9[%add3A_19, %dma_start3A_332, %dma_start3A_333] : memref<16x1x16xi32, #tpu.memory_space<hbm>> -> memref<1x1x16xi32, #tpu.memory_space<hbm>>
      %dma_start3A_335 = tpu.memref_squeeze %dma_start3A_334 : memref<1x1x16xi32, #tpu.memory_space<hbm>> -> memref<1x16xi32, #tpu.memory_space<hbm>>
      %dma_start3A_336 = arith.constant 0 : i32
      %dma_start3A_337 = arith.constant 0 : i32
      %dma_start3A_338 = tpu.memref_slice %arg9[%add3A_19, %dma_start3A_336, %dma_start3A_337] : memref<16x1x16xi32, #tpu.memory_space<hbm>> -> memref<1x1x16xi32, #tpu.memory_space<hbm>>
      %dma_start3A_339 = tpu.memref_squeeze %dma_start3A_338 : memref<1x1x16xi32, #tpu.memory_space<hbm>> -> memref<1x16xi32, #tpu.memory_space<hbm>>
      tpu.enqueue_dma source(%dma_start3A_339 : memref<1x16xi32, #tpu.memory_space<hbm>>) target(%arg22 : memref<1x16xi32, #tpu.memory_space<vmem>>) target_semaphore(%run_scoped3A : memref<!tpu.dma_semaphore, #tpu.memory_space<semaphore_mem>>)
      %dma_wait3A_340 = arith.constant 0 : i32
      %dma_wait3A_341 = arith.constant 0 : i32
      %dma_wait3A_342 = tpu.memref_slice %arg9[%add3A_19, %dma_wait3A_340, %dma_wait3A_341] : memref<16x1x16xi32, #tpu.memory_space<hbm>> -> memref<1x1x16xi32, #tpu.memory_space<hbm>>
      %dma_wait3A_343 = tpu.memref_squeeze %dma_wait3A_342 : memref<1x1x16xi32, #tpu.memory_space<hbm>> -> memref<1x16xi32, #tpu.memory_space<hbm>>
      %dma_wait3A_344 = arith.constant 0 : i32
      %dma_wait3A_345 = arith.constant 0 : i32
      %dma_wait3A_346 = tpu.memref_slice %arg9[%add3A_19, %dma_wait3A_344, %dma_wait3A_345] : memref<16x1x16xi32, #tpu.memory_space<hbm>> -> memref<1x1x16xi32, #tpu.memory_space<hbm>>
      %dma_wait3A_347 = tpu.memref_squeeze %dma_wait3A_346 : memref<1x1x16xi32, #tpu.memory_space<hbm>> -> memref<1x16xi32, #tpu.memory_space<hbm>>
      tpu.wait_dma2 semaphore(%run_scoped3A : memref<!tpu.dma_semaphore, #tpu.memory_space<semaphore_mem>>) src(%dma_wait3A_347 : memref<1x16xi32, #tpu.memory_space<hbm>>) dst(%arg22 : memref<1x16xi32, #tpu.memory_space<vmem>>)
      tpu.yield
    }) : () -> ()
    "tpu.region"() ({
      %run_scoped3A = tpu.sem_alloc : memref<!tpu.dma_semaphore, #tpu.memory_space<semaphore_mem>>
      %dma_start3A_332 = arith.constant 0 : i32
      %dma_start3A_333 = arith.constant 0 : i32
      %dma_start3A_334 = tpu.memref_slice %arg6[%add3A_19, %select_n3A_33, %dma_start3A_332, %dma_start3A_333] : memref<16x2x1x4096xf32, #tpu.memory_space<hbm>> -> memref<1x1x1x4096xf32, #tpu.memory_space<hbm>>
      %dma_start3A_335 = tpu.memref_squeeze %dma_start3A_334 : memref<1x1x1x4096xf32, #tpu.memory_space<hbm>> -> memref<1x4096xf32, #tpu.memory_space<hbm>>
      %dma_start3A_336 = arith.constant 0 : i32
      %dma_start3A_337 = arith.constant 0 : i32
      %dma_start3A_338 = tpu.memref_slice %arg6[%add3A_19, %select_n3A_33, %dma_start3A_336, %dma_start3A_337] : memref<16x2x1x4096xf32, #tpu.memory_space<hbm>> -> memref<1x1x1x4096xf32, #tpu.memory_space<hbm>>
      %dma_start3A_339 = tpu.memref_squeeze %dma_start3A_338 : memref<1x1x1x4096xf32, #tpu.memory_space<hbm>> -> memref<1x4096xf32, #tpu.memory_space<hbm>>
      tpu.enqueue_dma source(%dma_start3A_339 : memref<1x4096xf32, #tpu.memory_space<hbm>>) target(%arg19 : memref<1x4096xf32, #tpu.memory_space<vmem>>) target_semaphore(%run_scoped3A : memref<!tpu.dma_semaphore, #tpu.memory_space<semaphore_mem>>)
      %dma_wait3A_340 = arith.constant 0 : i32
      %dma_wait3A_341 = arith.constant 0 : i32
      %dma_wait3A_342 = tpu.memref_slice %arg6[%add3A_19, %select_n3A_33, %dma_wait3A_340, %dma_wait3A_341] : memref<16x2x1x4096xf32, #tpu.memory_space<hbm>> -> memref<1x1x1x4096xf32, #tpu.memory_space<hbm>>
      %dma_wait3A_343 = tpu.memref_squeeze %dma_wait3A_342 : memref<1x1x1x4096xf32, #tpu.memory_space<hbm>> -> memref<1x4096xf32, #tpu.memory_space<hbm>>
      %dma_wait3A_344 = arith.constant 0 : i32
      %dma_wait3A_345 = arith.constant 0 : i32
      %dma_wait3A_346 = tpu.memref_slice %arg6[%add3A_19, %select_n3A_33, %dma_wait3A_344, %dma_wait3A_345] : memref<16x2x1x4096xf32, #tpu.memory_space<hbm>> -> memref<1x1x1x4096xf32, #tpu.memory_space<hbm>>
      %dma_wait3A_347 = tpu.memref_squeeze %dma_wait3A_346 : memref<1x1x1x4096xf32, #tpu.memory_space<hbm>> -> memref<1x4096xf32, #tpu.memory_space<hbm>>
      tpu.wait_dma2 semaphore(%run_scoped3A : memref<!tpu.dma_semaphore, #tpu.memory_space<semaphore_mem>>) src(%dma_wait3A_347 : memref<1x4096xf32, #tpu.memory_space<hbm>>) dst(%arg19 : memref<1x4096xf32, #tpu.memory_space<vmem>>)
      tpu.yield
    }) : () -> ()
    "tpu.region"() ({
      %run_scoped3A = tpu.sem_alloc : memref<!tpu.dma_semaphore, #tpu.memory_space<semaphore_mem>>
      %dma_start3A_332 = arith.constant 0 : i32
      %dma_start3A_333 = arith.constant 0 : i32
      %dma_start3A_334 = tpu.memref_slice %arg7[%add3A_19, %select_n3A_33, %dma_start3A_332, %dma_start3A_333] : memref<16x2x1x4096xf32, #tpu.memory_space<hbm>> -> memref<1x1x1x4096xf32, #tpu.memory_space<hbm>>
      %dma_start3A_335 = tpu.memref_squeeze %dma_start3A_334 : memref<1x1x1x4096xf32, #tpu.memory_space<hbm>> -> memref<1x4096xf32, #tpu.memory_space<hbm>>
      %dma_start3A_336 = arith.constant 0 : i32
      %dma_start3A_337 = arith.constant 0 : i32
      %dma_start3A_338 = tpu.memref_slice %arg7[%add3A_19, %select_n3A_33, %dma_start3A_336, %dma_start3A_337] : memref<16x2x1x4096xf32, #tpu.memory_space<hbm>> -> memref<1x1x1x4096xf32, #tpu.memory_space<hbm>>
      %dma_start3A_339 = tpu.memref_squeeze %dma_start3A_338 : memref<1x1x1x4096xf32, #tpu.memory_space<hbm>> -> memref<1x4096xf32, #tpu.memory_space<hbm>>
      tpu.enqueue_dma source(%dma_start3A_339 : memref<1x4096xf32, #tpu.memory_space<hbm>>) target(%arg20 : memref<1x4096xf32, #tpu.memory_space<vmem>>) target_semaphore(%run_scoped3A : memref<!tpu.dma_semaphore, #tpu.memory_space<semaphore_mem>>)
      %dma_wait3A_340 = arith.constant 0 : i32
      %dma_wait3A_341 = arith.constant 0 : i32
      %dma_wait3A_342 = tpu.memref_slice %arg7[%add3A_19, %select_n3A_33, %dma_wait3A_340, %dma_wait3A_341] : memref<16x2x1x4096xf32, #tpu.memory_space<hbm>> -> memref<1x1x1x4096xf32, #tpu.memory_space<hbm>>
      %dma_wait3A_343 = tpu.memref_squeeze %dma_wait3A_342 : memref<1x1x1x4096xf32, #tpu.memory_space<hbm>> -> memref<1x4096xf32, #tpu.memory_space<hbm>>
      %dma_wait3A_344 = arith.constant 0 : i32
      %dma_wait3A_345 = arith.constant 0 : i32
      %dma_wait3A_346 = tpu.memref_slice %arg7[%add3A_19, %select_n3A_33, %dma_wait3A_344, %dma_wait3A_345] : memref<16x2x1x4096xf32, #tpu.memory_space<hbm>> -> memref<1x1x1x4096xf32, #tpu.memory_space<hbm>>
      %dma_wait3A_347 = tpu.memref_squeeze %dma_wait3A_346 : memref<1x1x1x4096xf32, #tpu.memory_space<hbm>> -> memref<1x4096xf32, #tpu.memory_space<hbm>>
      tpu.wait_dma2 semaphore(%run_scoped3A : memref<!tpu.dma_semaphore, #tpu.memory_space<semaphore_mem>>) src(%dma_wait3A_347 : memref<1x4096xf32, #tpu.memory_space<hbm>>) dst(%arg20 : memref<1x4096xf32, #tpu.memory_space<vmem>>)
      tpu.yield
    }) : () -> ()
    %get3A = arith.constant 0 : i32
    %get3A_35 = arith.index_cast %get3A : i32 to index
    %get3A_36 = arith.constant 0 : index
    %get3A_37 = tpu.vector_load %arg21[%get3A_35, %get3A_36] {strides = array<i32>} : memref<1x16xf32, #tpu.memory_space<vmem>>, vector<16xf32>,
    %get3A_38 = arith.constant 0 : i32
    %get3A_39 = arith.index_cast %get3A_38 : i32 to index
    %get3A_40 = arith.constant 0 : index
    %get3A_41 = tpu.vector_load %arg22[%get3A_39, %get3A_40] {strides = array<i32>} : memref<1x16xi32, #tpu.memory_space<vmem>>, vector<16xi32>,
    %mul3A_42 = arith.constant 4096 : i32
    %mul3A_43 = arith.muli %select_n3A_33, %mul3A_42 : i32
    %scan3A = arith.constant 0 : i32
    %scan3A_44 = arith.constant 0 : i32
    %scan3A_45 = arith.constant 256 : i32
    %scan3A_46 = arith.addi %scan3A_44, %scan3A_45 : i32
    %scan3A_47 = arith.constant 1 : i32
    scf.for %scan3A_332 = %scan3A_44 to %scan3A_46 step %scan3A_47  : i32 {
      %mul3A_333 = arith.constant 16 : i32
      %mul3A_334 = arith.muli %scan3A_332, %mul3A_333 : i32
      %multiple_of3A_335 = tpu.assume_multiple %mul3A_334, 16 : i32
      %get3A_336 = arith.constant 0 : i32
      %get3A_337 = arith.index_cast %get3A_336 : i32 to index
      %get3A_338 = arith.index_cast %multiple_of3A_335 : i32 to index
      %get3A_339 = tpu.vector_load %arg19[%get3A_337, %get3A_338] {strides = array<i32>} : memref<1x4096xf32, #tpu.memory_space<vmem>>, vector<16xf32>,
      %get3A_340 = arith.constant 0 : i32
      %get3A_341 = arith.index_cast %get3A_340 : i32 to index
      %get3A_342 = arith.index_cast %multiple_of3A_335 : i32 to index
      %get3A_343 = tpu.vector_load %arg20[%get3A_341, %get3A_342] {strides = array<i32>} : memref<1x4096xf32, #tpu.memory_space<vmem>>, vector<16xf32>,
      %add3A_344 = arith.addf %get3A_339, %get3A_343 : vector<16xf32>
      %mul3A_345 = arith.constant 16 : i32
      %mul3A_346 = arith.muli %scan3A_332, %mul3A_345 : i32
      %add3A_347 = arith.addi %mul3A_43, %mul3A_346 : i32
      %add3A_348 = vector.broadcast %add3A_347 : i32 to vector<16xi32>
      %add3A_349 = arith.addi %iota3A, %add3A_348 : vector<16xi32>
      %gt3A = arith.cmpf ogt, %add3A_344, %get3A_37 : vector<16xf32>
      %eq3A_350 = arith.cmpf oeq, %add3A_344, %get3A_37 : vector<16xf32>
      %ge3A_351 = arith.cmpi sge, %add3A_349, %get3A_41 : vector<16xi32>
      %and3A_352 = arith.andi %eq3A_350, %ge3A_351 : vector<16xi1>
      %or3A = arith.ori %gt3A, %and3A_352 : vector<16xi1>
      %jit3A_353 = arith.constant 1.000000e+00 : f32
      %jit3A_354 = arith.constant 0.000000e+00 : f32
      %broadcast_in_dim3A_355 = vector.broadcast %jit3A_353 : f32 to vector<16xf32>
      %broadcast_in_dim3A_356 = vector.broadcast %jit3A_354 : f32 to vector<16xf32>
      %select_n3A_357 = arith.select %or3A, %broadcast_in_dim3A_355, %broadcast_in_dim3A_356 : vector<16xi1>, vector<16xf32>
      %swap3A_358 = arith.constant 0 : i32
      %swap3A_359 = arith.index_cast %swap3A_358 : i32 to index
      %swap3A_360 = arith.index_cast %multiple_of3A_335 : i32 to index
      %swap3A_361 = tpu.vector_load %arg18[%swap3A_359, %swap3A_360] {strides = array<i32>} : memref<1x4096xf32, #tpu.memory_space<vmem>>, vector<16xf32>,
      tpu.vector_store %arg18[%swap3A_359, %swap3A_360], %select_n3A_357 {strides = array<i32>} : memref<1x4096xf32, #tpu.memory_space<vmem>>, vector<16xf32>,
    }
    %scan3A_48 = arith.constant 256 : i32
    "tpu.region"() ({
      %run_scoped3A = tpu.sem_alloc : memref<!tpu.dma_semaphore, #tpu.memory_space<semaphore_mem>>
      %dma_start3A_332 = arith.constant 0 : i32
      %dma_start3A_333 = arith.constant 0 : i32
      %dma_start3A_334 = tpu.memref_slice %arg12[%add3A_19, %select_n3A_33, %dma_start3A_332, %dma_start3A_333] : memref<16x2x1x4096xf32, #tpu.memory_space<hbm>> -> memref<1x1x1x4096xf32, #tpu.memory_space<hbm>>
      %dma_start3A_335 = tpu.memref_squeeze %dma_start3A_334 : memref<1x1x1x4096xf32, #tpu.memory_space<hbm>> -> memref<1x4096xf32, #tpu.memory_space<hbm>>
      %dma_start3A_336 = arith.constant 0 : i32
      %dma_start3A_337 = arith.constant 0 : i32
      %dma_start3A_338 = tpu.memref_slice %arg12[%add3A_19, %select_n3A_33, %dma_start3A_336, %dma_start3A_337] : memref<16x2x1x4096xf32, #tpu.memory_space<hbm>> -> memref<1x1x1x4096xf32, #tpu.memory_space<hbm>>
      %dma_start3A_339 = tpu.memref_squeeze %dma_start3A_338 : memref<1x1x1x4096xf32, #tpu.memory_space<hbm>> -> memref<1x4096xf32, #tpu.memory_space<hbm>>
      tpu.enqueue_dma source(%arg18 : memref<1x4096xf32, #tpu.memory_space<vmem>>) target(%dma_start3A_339 : memref<1x4096xf32, #tpu.memory_space<hbm>>) target_semaphore(%run_scoped3A : memref<!tpu.dma_semaphore, #tpu.memory_space<semaphore_mem>>)
      %dma_wait3A_340 = arith.constant 0 : i32
      %dma_wait3A_341 = arith.constant 0 : i32
      %dma_wait3A_342 = tpu.memref_slice %arg12[%add3A_19, %select_n3A_33, %dma_wait3A_340, %dma_wait3A_341] : memref<16x2x1x4096xf32, #tpu.memory_space<hbm>> -> memref<1x1x1x4096xf32, #tpu.memory_space<hbm>>
      %dma_wait3A_343 = tpu.memref_squeeze %dma_wait3A_342 : memref<1x1x1x4096xf32, #tpu.memory_space<hbm>> -> memref<1x4096xf32, #tpu.memory_space<hbm>>
      %dma_wait3A_344 = arith.constant 0 : i32
      %dma_wait3A_345 = arith.constant 0 : i32
      %dma_wait3A_346 = tpu.memref_slice %arg12[%add3A_19, %select_n3A_33, %dma_wait3A_344, %dma_wait3A_345] : memref<16x2x1x4096xf32, #tpu.memory_space<hbm>> -> memref<1x1x1x4096xf32, #tpu.memory_space<hbm>>
      %dma_wait3A_347 = tpu.memref_squeeze %dma_wait3A_346 : memref<1x1x1x4096xf32, #tpu.memory_space<hbm>> -> memref<1x4096xf32, #tpu.memory_space<hbm>>
      tpu.wait_dma2 semaphore(%run_scoped3A : memref<!tpu.dma_semaphore, #tpu.memory_space<semaphore_mem>>) src(%arg18 : memref<1x4096xf32, #tpu.memory_space<vmem>>) dst(%dma_wait3A_347 : memref<1x4096xf32, #tpu.memory_space<hbm>>)
      tpu.yield
    }) : () -> ()
    %lt3A_49 = arith.constant 8 : i32
    %lt3A_50 = arith.cmpi slt, %add3A, %lt3A_49 : i32
    %mul3A_51 = arith.constant 308 : i32
    %mul3A_52 = arith.muli %mul3A_51, %add3A : i32
    %sub3A_53 = arith.constant 8 : i32
    %sub3A_54 = arith.subi %add3A, %sub3A_53 : i32
    %mul3A_55 = arith.constant 307 : i32
    %mul3A_56 = arith.muli %mul3A_55, %sub3A_54 : i32
    %add3A_57 = arith.constant 2464 : i32
    %add3A_58 = arith.addi %add3A_57, %mul3A_56 : i32
    %select_n3A_59 = arith.select %lt3A_50, %mul3A_52, %add3A_58 : i32
    %mul3A_60 = arith.constant 8 : i32
    %mul3A_61 = arith.muli %mul3A_60, %select_n3A_59 : i32
    %multiple_of3A = tpu.assume_multiple %mul3A_61, 8 : i32
    %dma_start3A = arith.constant 0 : i32
    %dma_start3A_62 = arith.constant 0 : i32
    %dma_start3A_63 = arith.constant 0 : i32
    %dma_start3A_64 = arith.constant 0 : i32
    %dma_start3A_65 = tpu.memref_slice %arg16[%dma_start3A_62, %dma_start3A_63, %dma_start3A_64] : memref<2x64x512xf32, #tpu.memory_space<vmem>> -> memref<1x64x512xf32, #tpu.memory_space<vmem>>
    %dma_start3A_66 = tpu.memref_squeeze %dma_start3A_65 : memref<1x64x512xf32, #tpu.memory_space<vmem>> -> memref<64x512xf32, #tpu.memory_space<vmem>>
    %dma_start3A_67 = arith.constant 0 : i32
    %dma_start3A_68 = tpu.memref_slice %arg13[%dma_start3A, %dma_start3A_67] : memref<39x64xi32, #tpu.memory_space<vmem>> -> memref<1x64xi32, #tpu.memory_space<vmem>>
    %dma_start3A_69 = tpu.memref_squeeze %dma_start3A_68 : memref<1x64xi32, #tpu.memory_space<vmem>> -> memref<64xi32, #tpu.memory_space<vmem>>
    %dma_start3A_70 = arith.constant 0 : i32
    %dma_start3A_71 = arith.constant 0 : i32
    %dma_start3A_72 = tpu.memref_slice %arg2[%dma_start3A_70, %dma_start3A_71] : memref<131072x512xf32, #tpu.memory_space<hbm>> -> memref<131072x512xf32, #tpu.memory_space<hbm>>
    tpu.enqueue_indirect_dma source(%dma_start3A_72 : memref<131072x512xf32, #tpu.memory_space<hbm>>) target(%dma_start3A_66 : memref<64x512xf32, #tpu.memory_space<vmem>>) offsets(%dma_start3A_69 : memref<64xi32, #tpu.memory_space<vmem>>) semaphore(%arg24 : memref<!tpu.dma_semaphore, #tpu.memory_space<semaphore_mem>>)
    %scan3A_73 = arith.constant 0 : i32
    %scan3A_74 = arith.constant 0 : i32
    %scan3A_75 = arith.constant 38 : i32
    %scan3A_76 = arith.addi %scan3A_74, %scan3A_75 : i32
    %scan3A_77 = arith.constant 1 : i32
    scf.for %scan3A_332 = %scan3A_74 to %scan3A_76 step %scan3A_77  : i32 {
      %and3A_333 = arith.constant 1 : i32
      %and3A_334 = arith.andi %scan3A_332, %and3A_333 : i32
      %dma_wait3A_335 = arith.constant 0 : i32
      %dma_wait3A_336 = arith.constant 0 : i32
      %dma_wait3A_337 = arith.constant 0 : i32
      %dma_wait3A_338 = tpu.memref_slice %arg16[%dma_wait3A_335, %dma_wait3A_336, %dma_wait3A_337] : memref<2x64x512xf32, #tpu.memory_space<vmem>> -> memref<1x64x512xf32, #tpu.memory_space<vmem>>
      %dma_wait3A_339 = tpu.memref_squeeze %dma_wait3A_338 : memref<1x64x512xf32, #tpu.memory_space<vmem>> -> memref<64x512xf32, #tpu.memory_space<vmem>>
      %dma_wait3A_340 = arith.constant 0 : i32
      %dma_wait3A_341 = arith.constant 0 : i32
      %dma_wait3A_342 = tpu.memref_slice %arg2[%dma_wait3A_340, %dma_wait3A_341] : memref<131072x512xf32, #tpu.memory_space<hbm>> -> memref<64x512xf32, #tpu.memory_space<hbm>>
      %dma_wait3A_343 = arith.constant 0 : i32
      %dma_wait3A_344 = arith.constant 0 : i32
      %dma_wait3A_345 = tpu.memref_slice %arg16[%dma_wait3A_335, %dma_wait3A_343, %dma_wait3A_344] : memref<2x64x512xf32, #tpu.memory_space<vmem>> -> memref<1x64x512xf32, #tpu.memory_space<vmem>>
      %dma_wait3A_346 = tpu.memref_squeeze %dma_wait3A_345 : memref<1x64x512xf32, #tpu.memory_space<vmem>> -> memref<64x512xf32, #tpu.memory_space<vmem>>
      %dma_wait3A_347 = arith.constant 0 : i32
      %dma_wait3A_348 = arith.constant 0 : i32
      %dma_wait3A_349 = tpu.memref_slice %arg2[%dma_wait3A_347, %dma_wait3A_348] : memref<131072x512xf32, #tpu.memory_space<hbm>> -> memref<64x512xf32, #tpu.memory_space<hbm>>
      tpu.wait_dma2 semaphore(%arg24 : memref<!tpu.dma_semaphore, #tpu.memory_space<semaphore_mem>>) src(%dma_wait3A_349 : memref<64x512xf32, #tpu.memory_space<hbm>>) dst(%dma_wait3A_346 : memref<64x512xf32, #tpu.memory_space<vmem>>)
      %ge3A_350 = arith.constant 1 : i32
      %ge3A_351 = arith.cmpi sge, %scan3A_332, %ge3A_350 : i32
      %convert_element_type3A_352 = arith.extui %ge3A_351 : i1 to i32
      %cond3A_353 = arith.constant 0 : i32
      %cond3A_354 = arith.cmpi ne, %convert_element_type3A_352, %cond3A_353 : i32
      scf.if %cond3A_354 {
        %dma_wait3A_378 = arith.constant 0 : i32
        %dma_wait3A_379 = arith.constant 0 : i32
        %dma_wait3A_380 = arith.constant 0 : i32
        %dma_wait3A_381 = tpu.memref_slice %arg16[%dma_wait3A_378, %dma_wait3A_379, %dma_wait3A_380] : memref<2x64x512xf32, #tpu.memory_space<vmem>> -> memref<1x64x512xf32, #tpu.memory_space<vmem>>
        %dma_wait3A_382 = tpu.memref_squeeze %dma_wait3A_381 : memref<1x64x512xf32, #tpu.memory_space<vmem>> -> memref<64x512xf32, #tpu.memory_space<vmem>>
        %dma_wait3A_383 = arith.constant 0 : i32
        %dma_wait3A_384 = arith.constant 0 : i32
        %dma_wait3A_385 = tpu.memref_slice %arg10[%dma_wait3A_383, %dma_wait3A_384] : memref<78656x512xf32, #tpu.memory_space<hbm>> -> memref<64x512xf32, #tpu.memory_space<hbm>>
        %dma_wait3A_386 = arith.constant 0 : i32
        %dma_wait3A_387 = arith.constant 0 : i32
        %dma_wait3A_388 = tpu.memref_slice %arg10[%dma_wait3A_386, %dma_wait3A_387] : memref<78656x512xf32, #tpu.memory_space<hbm>> -> memref<64x512xf32, #tpu.memory_space<hbm>>
        %dma_wait3A_389 = arith.constant 0 : i32
        %dma_wait3A_390 = arith.constant 0 : i32
        %dma_wait3A_391 = tpu.memref_slice %arg16[%dma_wait3A_378, %dma_wait3A_389, %dma_wait3A_390] : memref<2x64x512xf32, #tpu.memory_space<vmem>> -> memref<1x64x512xf32, #tpu.memory_space<vmem>>
        %dma_wait3A_392 = tpu.memref_squeeze %dma_wait3A_391 : memref<1x64x512xf32, #tpu.memory_space<vmem>> -> memref<64x512xf32, #tpu.memory_space<vmem>>
        tpu.wait_dma2 semaphore(%arg25 : memref<!tpu.dma_semaphore, #tpu.memory_space<semaphore_mem>>) src(%dma_wait3A_392 : memref<64x512xf32, #tpu.memory_space<vmem>>) dst(%dma_wait3A_388 : memref<64x512xf32, #tpu.memory_space<hbm>>)
      } else {
      }
      %add3A_355 = arith.constant 1 : i32
      %add3A_356 = arith.addi %scan3A_332, %add3A_355 : i32
      %lt3A_357 = arith.constant 39 : i32
      %lt3A_358 = arith.cmpi slt, %add3A_356, %lt3A_357 : i32
      %convert_element_type3A_359 = arith.extui %lt3A_358 : i1 to i32
      %cond3A_360 = arith.constant 0 : i32
      %cond3A_361 = arith.cmpi ne, %convert_element_type3A_359, %cond3A_360 : i32
      scf.if %cond3A_361 {
        %add3A_378 = arith.constant 1 : i32
        %add3A_379 = arith.addi %scan3A_332, %add3A_378 : i32
        %sub3A_380 = arith.constant 1 : i32
        %sub3A_381 = arith.subi %sub3A_380, %and3A_334 : i32
        %dma_start3A_382 = arith.constant 0 : i32
        %dma_start3A_383 = arith.constant 0 : i32
        %dma_start3A_384 = tpu.memref_slice %arg16[%sub3A_381, %dma_start3A_382, %dma_start3A_383] : memref<2x64x512xf32, #tpu.memory_space<vmem>> -> memref<1x64x512xf32, #tpu.memory_space<vmem>>
        %dma_start3A_385 = tpu.memref_squeeze %dma_start3A_384 : memref<1x64x512xf32, #tpu.memory_space<vmem>> -> memref<64x512xf32, #tpu.memory_space<vmem>>
        %dma_start3A_386 = arith.constant 0 : i32
        %dma_start3A_387 = tpu.memref_slice %arg13[%add3A_379, %dma_start3A_386] : memref<39x64xi32, #tpu.memory_space<vmem>> -> memref<1x64xi32, #tpu.memory_space<vmem>>
        %dma_start3A_388 = tpu.memref_squeeze %dma_start3A_387 : memref<1x64xi32, #tpu.memory_space<vmem>> -> memref<64xi32, #tpu.memory_space<vmem>>
        %dma_start3A_389 = arith.constant 0 : i32
        %dma_start3A_390 = arith.constant 0 : i32
        %dma_start3A_391 = tpu.memref_slice %arg2[%dma_start3A_389, %dma_start3A_390] : memref<131072x512xf32, #tpu.memory_space<hbm>> -> memref<131072x512xf32, #tpu.memory_space<hbm>>
        tpu.enqueue_indirect_dma source(%dma_start3A_391 : memref<131072x512xf32, #tpu.memory_space<hbm>>) target(%dma_start3A_385 : memref<64x512xf32, #tpu.memory_space<vmem>>) offsets(%dma_start3A_388 : memref<64xi32, #tpu.memory_space<vmem>>) semaphore(%arg24 : memref<!tpu.dma_semaphore, #tpu.memory_space<semaphore_mem>>)
      } else {
      }
      %mul3A_362 = arith.constant 64 : i32
      %mul3A_363 = arith.muli %scan3A_332, %mul3A_362 : i32
      %add3A_364 = arith.addi %multiple_of3A, %mul3A_363 : i32
      %multiple_of3A_365 = tpu.assume_multiple %add3A_364, 8 : i32
      %dma_start3A_366 = arith.constant 0 : i32
      %dma_start3A_367 = arith.constant 0 : i32
      %dma_start3A_368 = tpu.memref_slice %arg16[%and3A_334, %dma_start3A_366, %dma_start3A_367] : memref<2x64x512xf32, #tpu.memory_space<vmem>> -> memref<1x64x512xf32, #tpu.memory_space<vmem>>
      %dma_start3A_369 = tpu.memref_squeeze %dma_start3A_368 : memref<1x64x512xf32, #tpu.memory_space<vmem>> -> memref<64x512xf32, #tpu.memory_space<vmem>>
      %dma_start3A_370 = arith.constant 0 : i32
      %dma_start3A_371 = tpu.memref_slice %arg10[%multiple_of3A_365, %dma_start3A_370] : memref<78656x512xf32, #tpu.memory_space<hbm>> -> memref<64x512xf32, #tpu.memory_space<hbm>>
      %dma_start3A_372 = arith.constant 0 : i32
      %dma_start3A_373 = tpu.memref_slice %arg10[%multiple_of3A_365, %dma_start3A_372] : memref<78656x512xf32, #tpu.memory_space<hbm>> -> memref<64x512xf32, #tpu.memory_space<hbm>>
      %dma_start3A_374 = arith.constant 0 : i32
      %dma_start3A_375 = arith.constant 0 : i32
      %dma_start3A_376 = tpu.memref_slice %arg16[%and3A_334, %dma_start3A_374, %dma_start3A_375] : memref<2x64x512xf32, #tpu.memory_space<vmem>> -> memref<1x64x512xf32, #tpu.memory_space<vmem>>
      %dma_start3A_377 = tpu.memref_squeeze %dma_start3A_376 : memref<1x64x512xf32, #tpu.memory_space<vmem>> -> memref<64x512xf32, #tpu.memory_space<vmem>>
      tpu.enqueue_dma source(%dma_start3A_377 : memref<64x512xf32, #tpu.memory_space<vmem>>) target(%dma_start3A_373 : memref<64x512xf32, #tpu.memory_space<hbm>>) target_semaphore(%arg25 : memref<!tpu.dma_semaphore, #tpu.memory_space<semaphore_mem>>)
    }
    %scan3A_78 = arith.constant 38 : i32
    %dma_wait3A = arith.constant 0 : i32
    %dma_wait3A_79 = arith.constant 0 : i32
    %dma_wait3A_80 = arith.constant 0 : i32
    %dma_wait3A_81 = tpu.memref_slice %arg16[%dma_wait3A, %dma_wait3A_79, %dma_wait3A_80] : memref<2x64x512xf32, #tpu.memory_space<vmem>> -> memref<1x64x512xf32, #tpu.memory_space<vmem>>
    %dma_wait3A_82 = tpu.memref_squeeze %dma_wait3A_81 : memref<1x64x512xf32, #tpu.memory_space<vmem>> -> memref<64x512xf32, #tpu.memory_space<vmem>>
    %dma_wait3A_83 = arith.constant 0 : i32
    %dma_wait3A_84 = arith.constant 0 : i32
    %dma_wait3A_85 = tpu.memref_slice %arg2[%dma_wait3A_83, %dma_wait3A_84] : memref<131072x512xf32, #tpu.memory_space<hbm>> -> memref<64x512xf32, #tpu.memory_space<hbm>>
    %dma_wait3A_86 = arith.constant 0 : i32
    %dma_wait3A_87 = arith.constant 0 : i32
    %dma_wait3A_88 = tpu.memref_slice %arg16[%dma_wait3A, %dma_wait3A_86, %dma_wait3A_87] : memref<2x64x512xf32, #tpu.memory_space<vmem>> -> memref<1x64x512xf32, #tpu.memory_space<vmem>>
    %dma_wait3A_89 = tpu.memref_squeeze %dma_wait3A_88 : memref<1x64x512xf32, #tpu.memory_space<vmem>> -> memref<64x512xf32, #tpu.memory_space<vmem>>
    %dma_wait3A_90 = arith.constant 0 : i32
    %dma_wait3A_91 = arith.constant 0 : i32
    %dma_wait3A_92 = tpu.memref_slice %arg2[%dma_wait3A_90, %dma_wait3A_91] : memref<131072x512xf32, #tpu.memory_space<hbm>> -> memref<64x512xf32, #tpu.memory_space<hbm>>
    tpu.wait_dma2 semaphore(%arg24 : memref<!tpu.dma_semaphore, #tpu.memory_space<semaphore_mem>>) src(%dma_wait3A_92 : memref<64x512xf32, #tpu.memory_space<hbm>>) dst(%dma_wait3A_89 : memref<64x512xf32, #tpu.memory_space<vmem>>)
    %dma_wait3A_93 = arith.constant 0 : i32
    %dma_wait3A_94 = arith.constant 0 : i32
    %dma_wait3A_95 = arith.constant 0 : i32
    %dma_wait3A_96 = tpu.memref_slice %arg16[%dma_wait3A_93, %dma_wait3A_94, %dma_wait3A_95] : memref<2x64x512xf32, #tpu.memory_space<vmem>> -> memref<1x64x512xf32, #tpu.memory_space<vmem>>
    %dma_wait3A_97 = tpu.memref_squeeze %dma_wait3A_96 : memref<1x64x512xf32, #tpu.memory_space<vmem>> -> memref<64x512xf32, #tpu.memory_space<vmem>>
    %dma_wait3A_98 = arith.constant 0 : i32
    %dma_wait3A_99 = arith.constant 0 : i32
    %dma_wait3A_100 = tpu.memref_slice %arg10[%dma_wait3A_98, %dma_wait3A_99] : memref<78656x512xf32, #tpu.memory_space<hbm>> -> memref<64x512xf32, #tpu.memory_space<hbm>>
    %dma_wait3A_101 = arith.constant 0 : i32
    %dma_wait3A_102 = arith.constant 0 : i32
    %dma_wait3A_103 = tpu.memref_slice %arg10[%dma_wait3A_101, %dma_wait3A_102] : memref<78656x512xf32, #tpu.memory_space<hbm>> -> memref<64x512xf32, #tpu.memory_space<hbm>>
    %dma_wait3A_104 = arith.constant 0 : i32
    %dma_wait3A_105 = arith.constant 0 : i32
    %dma_wait3A_106 = tpu.memref_slice %arg16[%dma_wait3A_93, %dma_wait3A_104, %dma_wait3A_105] : memref<2x64x512xf32, #tpu.memory_space<vmem>> -> memref<1x64x512xf32, #tpu.memory_space<vmem>>
    %dma_wait3A_107 = tpu.memref_squeeze %dma_wait3A_106 : memref<1x64x512xf32, #tpu.memory_space<vmem>> -> memref<64x512xf32, #tpu.memory_space<vmem>>
    tpu.wait_dma2 semaphore(%arg25 : memref<!tpu.dma_semaphore, #tpu.memory_space<semaphore_mem>>) src(%dma_wait3A_107 : memref<64x512xf32, #tpu.memory_space<vmem>>) dst(%dma_wait3A_103 : memref<64x512xf32, #tpu.memory_space<hbm>>)
    %add3A_108 = arith.constant 2432 : i32
    %add3A_109 = arith.addi %multiple_of3A, %add3A_108 : i32
    %multiple_of3A_110 = tpu.assume_multiple %add3A_109, 8 : i32
    %lt3A_111 = arith.constant 8 : i32
    %lt3A_112 = arith.cmpi slt, %add3A, %lt3A_111 : i32
    %convert_element_type3A = arith.extui %lt3A_112 : i1 to i32
    %cond3A = arith.constant 0 : i32
    %cond3A_113 = arith.cmpi ne, %convert_element_type3A, %cond3A : i32
    scf.if %cond3A_113 {
      %run_scoped3A = arith.constant 0 : i32
      "tpu.region"() ({
        %run_scoped3A_332 = tpu.sem_alloc : memref<!tpu.dma_semaphore, #tpu.memory_space<semaphore_mem>>
        %dma_start3A_333 = arith.constant 0 : i32
        %dma_start3A_334 = arith.constant 0 : i32
        %dma_start3A_335 = tpu.memref_slice %arg16[%run_scoped3A, %dma_start3A_333, %dma_start3A_334] : memref<2x64x512xf32, #tpu.memory_space<vmem>> -> memref<1x32x512xf32, #tpu.memory_space<vmem>>
        %dma_start3A_336 = tpu.memref_squeeze %dma_start3A_335 : memref<1x32x512xf32, #tpu.memory_space<vmem>> -> memref<32x512xf32, #tpu.memory_space<vmem>>
        %dma_start3A_337 = arith.constant 0 : i32
        %dma_start3A_338 = tpu.memref_slice %arg10[%multiple_of3A_110, %dma_start3A_337] : memref<78656x512xf32, #tpu.memory_space<hbm>> -> memref<32x512xf32, #tpu.memory_space<hbm>>
        %dma_start3A_339 = arith.constant 0 : i32
        %dma_start3A_340 = tpu.memref_slice %arg10[%multiple_of3A_110, %dma_start3A_339] : memref<78656x512xf32, #tpu.memory_space<hbm>> -> memref<32x512xf32, #tpu.memory_space<hbm>>
        %dma_start3A_341 = arith.constant 0 : i32
        %dma_start3A_342 = arith.constant 0 : i32
        %dma_start3A_343 = tpu.memref_slice %arg16[%run_scoped3A, %dma_start3A_341, %dma_start3A_342] : memref<2x64x512xf32, #tpu.memory_space<vmem>> -> memref<1x32x512xf32, #tpu.memory_space<vmem>>
        %dma_start3A_344 = tpu.memref_squeeze %dma_start3A_343 : memref<1x32x512xf32, #tpu.memory_space<vmem>> -> memref<32x512xf32, #tpu.memory_space<vmem>>
        tpu.enqueue_dma source(%dma_start3A_344 : memref<32x512xf32, #tpu.memory_space<vmem>>) target(%dma_start3A_340 : memref<32x512xf32, #tpu.memory_space<hbm>>) target_semaphore(%run_scoped3A_332 : memref<!tpu.dma_semaphore, #tpu.memory_space<semaphore_mem>>)
        %dma_wait3A_345 = arith.constant 0 : i32
        %dma_wait3A_346 = arith.constant 0 : i32
        %dma_wait3A_347 = tpu.memref_slice %arg16[%run_scoped3A, %dma_wait3A_345, %dma_wait3A_346] : memref<2x64x512xf32, #tpu.memory_space<vmem>> -> memref<1x32x512xf32, #tpu.memory_space<vmem>>
        %dma_wait3A_348 = tpu.memref_squeeze %dma_wait3A_347 : memref<1x32x512xf32, #tpu.memory_space<vmem>> -> memref<32x512xf32, #tpu.memory_space<vmem>>
        %dma_wait3A_349 = arith.constant 0 : i32
        %dma_wait3A_350 = tpu.memref_slice %arg10[%multiple_of3A_110, %dma_wait3A_349] : memref<78656x512xf32, #tpu.memory_space<hbm>> -> memref<32x512xf32, #tpu.memory_space<hbm>>
        %dma_wait3A_351 = arith.constant 0 : i32
        %dma_wait3A_352 = tpu.memref_slice %arg10[%multiple_of3A_110, %dma_wait3A_351] : memref<78656x512xf32, #tpu.memory_space<hbm>> -> memref<32x512xf32, #tpu.memory_space<hbm>>
        %dma_wait3A_353 = arith.constant 0 : i32
        %dma_wait3A_354 = arith.constant 0 : i32
        %dma_wait3A_355 = tpu.memref_slice %arg16[%run_scoped3A, %dma_wait3A_353, %dma_wait3A_354] : memref<2x64x512xf32, #tpu.memory_space<vmem>> -> memref<1x32x512xf32, #tpu.memory_space<vmem>>
        %dma_wait3A_356 = tpu.memref_squeeze %dma_wait3A_355 : memref<1x32x512xf32, #tpu.memory_space<vmem>> -> memref<32x512xf32, #tpu.memory_space<vmem>>
        tpu.wait_dma2 semaphore(%run_scoped3A_332 : memref<!tpu.dma_semaphore, #tpu.memory_space<semaphore_mem>>) src(%dma_wait3A_356 : memref<32x512xf32, #tpu.memory_space<vmem>>) dst(%dma_wait3A_352 : memref<32x512xf32, #tpu.memory_space<hbm>>)
        tpu.yield
      }) : () -> ()
    } else {
    }
    %ge3A = arith.constant 8 : i32
    %ge3A_114 = arith.cmpi sge, %add3A, %ge3A : i32
    %convert_element_type3A_115 = arith.extui %ge3A_114 : i1 to i32
    %cond3A_116 = arith.constant 0 : i32
    %cond3A_117 = arith.cmpi ne, %convert_element_type3A_115, %cond3A_116 : i32
    scf.if %cond3A_117 {
      %run_scoped3A = arith.constant 0 : i32
      "tpu.region"() ({
        %run_scoped3A_332 = tpu.sem_alloc : memref<!tpu.dma_semaphore, #tpu.memory_space<semaphore_mem>>
        %dma_start3A_333 = arith.constant 0 : i32
        %dma_start3A_334 = arith.constant 0 : i32
        %dma_start3A_335 = tpu.memref_slice %arg16[%run_scoped3A, %dma_start3A_333, %dma_start3A_334] : memref<2x64x512xf32, #tpu.memory_space<vmem>> -> memref<1x24x512xf32, #tpu.memory_space<vmem>>
        %dma_start3A_336 = tpu.memref_squeeze %dma_start3A_335 : memref<1x24x512xf32, #tpu.memory_space<vmem>> -> memref<24x512xf32, #tpu.memory_space<vmem>>
        %dma_start3A_337 = arith.constant 0 : i32
        %dma_start3A_338 = tpu.memref_slice %arg10[%multiple_of3A_110, %dma_start3A_337] : memref<78656x512xf32, #tpu.memory_space<hbm>> -> memref<24x512xf32, #tpu.memory_space<hbm>>
        %dma_start3A_339 = arith.constant 0 : i32
        %dma_start3A_340 = tpu.memref_slice %arg10[%multiple_of3A_110, %dma_start3A_339] : memref<78656x512xf32, #tpu.memory_space<hbm>> -> memref<24x512xf32, #tpu.memory_space<hbm>>
        %dma_start3A_341 = arith.constant 0 : i32
        %dma_start3A_342 = arith.constant 0 : i32
        %dma_start3A_343 = tpu.memref_slice %arg16[%run_scoped3A, %dma_start3A_341, %dma_start3A_342] : memref<2x64x512xf32, #tpu.memory_space<vmem>> -> memref<1x24x512xf32, #tpu.memory_space<vmem>>
        %dma_start3A_344 = tpu.memref_squeeze %dma_start3A_343 : memref<1x24x512xf32, #tpu.memory_space<vmem>> -> memref<24x512xf32, #tpu.memory_space<vmem>>
        tpu.enqueue_dma source(%dma_start3A_344 : memref<24x512xf32, #tpu.memory_space<vmem>>) target(%dma_start3A_340 : memref<24x512xf32, #tpu.memory_space<hbm>>) target_semaphore(%run_scoped3A_332 : memref<!tpu.dma_semaphore, #tpu.memory_space<semaphore_mem>>)
        %dma_wait3A_345 = arith.constant 0 : i32
        %dma_wait3A_346 = arith.constant 0 : i32
        %dma_wait3A_347 = tpu.memref_slice %arg16[%run_scoped3A, %dma_wait3A_345, %dma_wait3A_346] : memref<2x64x512xf32, #tpu.memory_space<vmem>> -> memref<1x24x512xf32, #tpu.memory_space<vmem>>
        %dma_wait3A_348 = tpu.memref_squeeze %dma_wait3A_347 : memref<1x24x512xf32, #tpu.memory_space<vmem>> -> memref<24x512xf32, #tpu.memory_space<vmem>>
        %dma_wait3A_349 = arith.constant 0 : i32
        %dma_wait3A_350 = tpu.memref_slice %arg10[%multiple_of3A_110, %dma_wait3A_349] : memref<78656x512xf32, #tpu.memory_space<hbm>> -> memref<24x512xf32, #tpu.memory_space<hbm>>
        %dma_wait3A_351 = arith.constant 0 : i32
        %dma_wait3A_352 = tpu.memref_slice %arg10[%multiple_of3A_110, %dma_wait3A_351] : memref<78656x512xf32, #tpu.memory_space<hbm>> -> memref<24x512xf32, #tpu.memory_space<hbm>>
        %dma_wait3A_353 = arith.constant 0 : i32
        %dma_wait3A_354 = arith.constant 0 : i32
        %dma_wait3A_355 = tpu.memref_slice %arg16[%run_scoped3A, %dma_wait3A_353, %dma_wait3A_354] : memref<2x64x512xf32, #tpu.memory_space<vmem>> -> memref<1x24x512xf32, #tpu.memory_space<vmem>>
        %dma_wait3A_356 = tpu.memref_squeeze %dma_wait3A_355 : memref<1x24x512xf32, #tpu.memory_space<vmem>> -> memref<24x512xf32, #tpu.memory_space<vmem>>
        tpu.wait_dma2 semaphore(%run_scoped3A_332 : memref<!tpu.dma_semaphore, #tpu.memory_space<semaphore_mem>>) src(%dma_wait3A_356 : memref<24x512xf32, #tpu.memory_space<vmem>>) dst(%dma_wait3A_352 : memref<24x512xf32, #tpu.memory_space<hbm>>)
        tpu.yield
      }) : () -> ()
    } else {
    }
    %broadcast_in_dim3A_118 = arith.constant 0.000000e+00 : f32
    %broadcast_in_dim3A_119 = vector.broadcast %broadcast_in_dim3A_118 : f32 to vector<16xf32>
    %swap3A = arith.constant 0 : i32
    %swap3A_120 = arith.index_cast %swap3A : i32 to index
    %swap3A_121 = arith.constant 0 : index
    %swap3A_122 = tpu.vector_load %arg17[%swap3A_120, %swap3A_121] {strides = array<i32>} : memref<1x512xf32, #tpu.memory_space<vmem>>, vector<16xf32>,
    tpu.vector_store %arg17[%swap3A_120, %swap3A_121], %broadcast_in_dim3A_119 {strides = array<i32>} : memref<1x512xf32, #tpu.memory_space<vmem>>, vector<16xf32>,
    %broadcast_in_dim3A_123 = arith.constant 0.000000e+00 : f32
    %broadcast_in_dim3A_124 = vector.broadcast %broadcast_in_dim3A_123 : f32 to vector<16xf32>
    %swap3A_125 = arith.constant 0 : i32
    %swap3A_126 = arith.index_cast %swap3A_125 : i32 to index
    %swap3A_127 = arith.constant 16 : index
    %swap3A_128 = tpu.vector_load %arg17[%swap3A_126, %swap3A_127] {strides = array<i32>} : memref<1x512xf32, #tpu.memory_space<vmem>>, vector<16xf32>,
    tpu.vector_store %arg17[%swap3A_126, %swap3A_127], %broadcast_in_dim3A_124 {strides = array<i32>} : memref<1x512xf32, #tpu.memory_space<vmem>>, vector<16xf32>,
    %broadcast_in_dim3A_129 = arith.constant 0.000000e+00 : f32
    %broadcast_in_dim3A_130 = vector.broadcast %broadcast_in_dim3A_129 : f32 to vector<16xf32>
    %swap3A_131 = arith.constant 0 : i32
    %swap3A_132 = arith.index_cast %swap3A_131 : i32 to index
    %swap3A_133 = arith.constant 32 : index
    %swap3A_134 = tpu.vector_load %arg17[%swap3A_132, %swap3A_133] {strides = array<i32>} : memref<1x512xf32, #tpu.memory_space<vmem>>, vector<16xf32>,
    tpu.vector_store %arg17[%swap3A_132, %swap3A_133], %broadcast_in_dim3A_130 {strides = array<i32>} : memref<1x512xf32, #tpu.memory_space<vmem>>, vector<16xf32>,
    %broadcast_in_dim3A_135 = arith.constant 0.000000e+00 : f32
    %broadcast_in_dim3A_136 = vector.broadcast %broadcast_in_dim3A_135 : f32 to vector<16xf32>
    %swap3A_137 = arith.constant 0 : i32
    %swap3A_138 = arith.index_cast %swap3A_137 : i32 to index
    %swap3A_139 = arith.constant 48 : index
    %swap3A_140 = tpu.vector_load %arg17[%swap3A_138, %swap3A_139] {strides = array<i32>} : memref<1x512xf32, #tpu.memory_space<vmem>>, vector<16xf32>,
    tpu.vector_store %arg17[%swap3A_138, %swap3A_139], %broadcast_in_dim3A_136 {strides = array<i32>} : memref<1x512xf32, #tpu.memory_space<vmem>>, vector<16xf32>,
    %broadcast_in_dim3A_141 = arith.constant 0.000000e+00 : f32
    %broadcast_in_dim3A_142 = vector.broadcast %broadcast_in_dim3A_141 : f32 to vector<16xf32>
    %swap3A_143 = arith.constant 0 : i32
    %swap3A_144 = arith.index_cast %swap3A_143 : i32 to index
    %swap3A_145 = arith.constant 64 : index
    %swap3A_146 = tpu.vector_load %arg17[%swap3A_144, %swap3A_145] {strides = array<i32>} : memref<1x512xf32, #tpu.memory_space<vmem>>, vector<16xf32>,
    tpu.vector_store %arg17[%swap3A_144, %swap3A_145], %broadcast_in_dim3A_142 {strides = array<i32>} : memref<1x512xf32, #tpu.memory_space<vmem>>, vector<16xf32>,
    %broadcast_in_dim3A_147 = arith.constant 0.000000e+00 : f32
    %broadcast_in_dim3A_148 = vector.broadcast %broadcast_in_dim3A_147 : f32 to vector<16xf32>
    %swap3A_149 = arith.constant 0 : i32
    %swap3A_150 = arith.index_cast %swap3A_149 : i32 to index
    %swap3A_151 = arith.constant 80 : index
    %swap3A_152 = tpu.vector_load %arg17[%swap3A_150, %swap3A_151] {strides = array<i32>} : memref<1x512xf32, #tpu.memory_space<vmem>>, vector<16xf32>,
    tpu.vector_store %arg17[%swap3A_150, %swap3A_151], %broadcast_in_dim3A_148 {strides = array<i32>} : memref<1x512xf32, #tpu.memory_space<vmem>>, vector<16xf32>,
    %broadcast_in_dim3A_153 = arith.constant 0.000000e+00 : f32
    %broadcast_in_dim3A_154 = vector.broadcast %broadcast_in_dim3A_153 : f32 to vector<16xf32>
    %swap3A_155 = arith.constant 0 : i32
    %swap3A_156 = arith.index_cast %swap3A_155 : i32 to index
    %swap3A_157 = arith.constant 96 : index
    %swap3A_158 = tpu.vector_load %arg17[%swap3A_156, %swap3A_157] {strides = array<i32>} : memref<1x512xf32, #tpu.memory_space<vmem>>, vector<16xf32>,
    tpu.vector_store %arg17[%swap3A_156, %swap3A_157], %broadcast_in_dim3A_154 {strides = array<i32>} : memref<1x512xf32, #tpu.memory_space<vmem>>, vector<16xf32>,
    %broadcast_in_dim3A_159 = arith.constant 0.000000e+00 : f32
    %broadcast_in_dim3A_160 = vector.broadcast %broadcast_in_dim3A_159 : f32 to vector<16xf32>
    %swap3A_161 = arith.constant 0 : i32
    %swap3A_162 = arith.index_cast %swap3A_161 : i32 to index
    %swap3A_163 = arith.constant 112 : index
    %swap3A_164 = tpu.vector_load %arg17[%swap3A_162, %swap3A_163] {strides = array<i32>} : memref<1x512xf32, #tpu.memory_space<vmem>>, vector<16xf32>,
    tpu.vector_store %arg17[%swap3A_162, %swap3A_163], %broadcast_in_dim3A_160 {strides = array<i32>} : memref<1x512xf32, #tpu.memory_space<vmem>>, vector<16xf32>,
    %broadcast_in_dim3A_165 = arith.constant 0.000000e+00 : f32
    %broadcast_in_dim3A_166 = vector.broadcast %broadcast_in_dim3A_165 : f32 to vector<16xf32>
    %swap3A_167 = arith.constant 0 : i32
    %swap3A_168 = arith.index_cast %swap3A_167 : i32 to index
    %swap3A_169 = arith.constant 128 : index
    %swap3A_170 = tpu.vector_load %arg17[%swap3A_168, %swap3A_169] {strides = array<i32>} : memref<1x512xf32, #tpu.memory_space<vmem>>, vector<16xf32>,
    tpu.vector_store %arg17[%swap3A_168, %swap3A_169], %broadcast_in_dim3A_166 {strides = array<i32>} : memref<1x512xf32, #tpu.memory_space<vmem>>, vector<16xf32>,
    %broadcast_in_dim3A_171 = arith.constant 0.000000e+00 : f32
    %broadcast_in_dim3A_172 = vector.broadcast %broadcast_in_dim3A_171 : f32 to vector<16xf32>
    %swap3A_173 = arith.constant 0 : i32
    %swap3A_174 = arith.index_cast %swap3A_173 : i32 to index
    %swap3A_175 = arith.constant 144 : index
    %swap3A_176 = tpu.vector_load %arg17[%swap3A_174, %swap3A_175] {strides = array<i32>} : memref<1x512xf32, #tpu.memory_space<vmem>>, vector<16xf32>,
    tpu.vector_store %arg17[%swap3A_174, %swap3A_175], %broadcast_in_dim3A_172 {strides = array<i32>} : memref<1x512xf32, #tpu.memory_space<vmem>>, vector<16xf32>,
    %broadcast_in_dim3A_177 = arith.constant 0.000000e+00 : f32
    %broadcast_in_dim3A_178 = vector.broadcast %broadcast_in_dim3A_177 : f32 to vector<16xf32>
    %swap3A_179 = arith.constant 0 : i32
    %swap3A_180 = arith.index_cast %swap3A_179 : i32 to index
    %swap3A_181 = arith.constant 160 : index
    %swap3A_182 = tpu.vector_load %arg17[%swap3A_180, %swap3A_181] {strides = array<i32>} : memref<1x512xf32, #tpu.memory_space<vmem>>, vector<16xf32>,
    tpu.vector_store %arg17[%swap3A_180, %swap3A_181], %broadcast_in_dim3A_178 {strides = array<i32>} : memref<1x512xf32, #tpu.memory_space<vmem>>, vector<16xf32>,
    %broadcast_in_dim3A_183 = arith.constant 0.000000e+00 : f32
    %broadcast_in_dim3A_184 = vector.broadcast %broadcast_in_dim3A_183 : f32 to vector<16xf32>
    %swap3A_185 = arith.constant 0 : i32
    %swap3A_186 = arith.index_cast %swap3A_185 : i32 to index
    %swap3A_187 = arith.constant 176 : index
    %swap3A_188 = tpu.vector_load %arg17[%swap3A_186, %swap3A_187] {strides = array<i32>} : memref<1x512xf32, #tpu.memory_space<vmem>>, vector<16xf32>,
    tpu.vector_store %arg17[%swap3A_186, %swap3A_187], %broadcast_in_dim3A_184 {strides = array<i32>} : memref<1x512xf32, #tpu.memory_space<vmem>>, vector<16xf32>,
    %broadcast_in_dim3A_189 = arith.constant 0.000000e+00 : f32
    %broadcast_in_dim3A_190 = vector.broadcast %broadcast_in_dim3A_189 : f32 to vector<16xf32>
    %swap3A_191 = arith.constant 0 : i32
    %swap3A_192 = arith.index_cast %swap3A_191 : i32 to index
    %swap3A_193 = arith.constant 192 : index
    %swap3A_194 = tpu.vector_load %arg17[%swap3A_192, %swap3A_193] {strides = array<i32>} : memref<1x512xf32, #tpu.memory_space<vmem>>, vector<16xf32>,
    tpu.vector_store %arg17[%swap3A_192, %swap3A_193], %broadcast_in_dim3A_190 {strides = array<i32>} : memref<1x512xf32, #tpu.memory_space<vmem>>, vector<16xf32>,
    %broadcast_in_dim3A_195 = arith.constant 0.000000e+00 : f32
    %broadcast_in_dim3A_196 = vector.broadcast %broadcast_in_dim3A_195 : f32 to vector<16xf32>
    %swap3A_197 = arith.constant 0 : i32
    %swap3A_198 = arith.index_cast %swap3A_197 : i32 to index
    %swap3A_199 = arith.constant 208 : index
    %swap3A_200 = tpu.vector_load %arg17[%swap3A_198, %swap3A_199] {strides = array<i32>} : memref<1x512xf32, #tpu.memory_space<vmem>>, vector<16xf32>,
    tpu.vector_store %arg17[%swap3A_198, %swap3A_199], %broadcast_in_dim3A_196 {strides = array<i32>} : memref<1x512xf32, #tpu.memory_space<vmem>>, vector<16xf32>,
    %broadcast_in_dim3A_201 = arith.constant 0.000000e+00 : f32
    %broadcast_in_dim3A_202 = vector.broadcast %broadcast_in_dim3A_201 : f32 to vector<16xf32>
    %swap3A_203 = arith.constant 0 : i32
    %swap3A_204 = arith.index_cast %swap3A_203 : i32 to index
    %swap3A_205 = arith.constant 224 : index
    %swap3A_206 = tpu.vector_load %arg17[%swap3A_204, %swap3A_205] {strides = array<i32>} : memref<1x512xf32, #tpu.memory_space<vmem>>, vector<16xf32>,
    tpu.vector_store %arg17[%swap3A_204, %swap3A_205], %broadcast_in_dim3A_202 {strides = array<i32>} : memref<1x512xf32, #tpu.memory_space<vmem>>, vector<16xf32>,
    %broadcast_in_dim3A_207 = arith.constant 0.000000e+00 : f32
    %broadcast_in_dim3A_208 = vector.broadcast %broadcast_in_dim3A_207 : f32 to vector<16xf32>
    %swap3A_209 = arith.constant 0 : i32
    %swap3A_210 = arith.index_cast %swap3A_209 : i32 to index
    %swap3A_211 = arith.constant 240 : index
    %swap3A_212 = tpu.vector_load %arg17[%swap3A_210, %swap3A_211] {strides = array<i32>} : memref<1x512xf32, #tpu.memory_space<vmem>>, vector<16xf32>,
    tpu.vector_store %arg17[%swap3A_210, %swap3A_211], %broadcast_in_dim3A_208 {strides = array<i32>} : memref<1x512xf32, #tpu.memory_space<vmem>>, vector<16xf32>,
    %broadcast_in_dim3A_213 = arith.constant 0.000000e+00 : f32
    %broadcast_in_dim3A_214 = vector.broadcast %broadcast_in_dim3A_213 : f32 to vector<16xf32>
    %swap3A_215 = arith.constant 0 : i32
    %swap3A_216 = arith.index_cast %swap3A_215 : i32 to index
    %swap3A_217 = arith.constant 256 : index
    %swap3A_218 = tpu.vector_load %arg17[%swap3A_216, %swap3A_217] {strides = array<i32>} : memref<1x512xf32, #tpu.memory_space<vmem>>, vector<16xf32>,
    tpu.vector_store %arg17[%swap3A_216, %swap3A_217], %broadcast_in_dim3A_214 {strides = array<i32>} : memref<1x512xf32, #tpu.memory_space<vmem>>, vector<16xf32>,
    %broadcast_in_dim3A_219 = arith.constant 0.000000e+00 : f32
    %broadcast_in_dim3A_220 = vector.broadcast %broadcast_in_dim3A_219 : f32 to vector<16xf32>
    %swap3A_221 = arith.constant 0 : i32
    %swap3A_222 = arith.index_cast %swap3A_221 : i32 to index
    %swap3A_223 = arith.constant 272 : index
    %swap3A_224 = tpu.vector_load %arg17[%swap3A_222, %swap3A_223] {strides = array<i32>} : memref<1x512xf32, #tpu.memory_space<vmem>>, vector<16xf32>,
    tpu.vector_store %arg17[%swap3A_222, %swap3A_223], %broadcast_in_dim3A_220 {strides = array<i32>} : memref<1x512xf32, #tpu.memory_space<vmem>>, vector<16xf32>,
    %broadcast_in_dim3A_225 = arith.constant 0.000000e+00 : f32
    %broadcast_in_dim3A_226 = vector.broadcast %broadcast_in_dim3A_225 : f32 to vector<16xf32>
    %swap3A_227 = arith.constant 0 : i32
    %swap3A_228 = arith.index_cast %swap3A_227 : i32 to index
    %swap3A_229 = arith.constant 288 : index
    %swap3A_230 = tpu.vector_load %arg17[%swap3A_228, %swap3A_229] {strides = array<i32>} : memref<1x512xf32, #tpu.memory_space<vmem>>, vector<16xf32>,
    tpu.vector_store %arg17[%swap3A_228, %swap3A_229], %broadcast_in_dim3A_226 {strides = array<i32>} : memref<1x512xf32, #tpu.memory_space<vmem>>, vector<16xf32>,
    %broadcast_in_dim3A_231 = arith.constant 0.000000e+00 : f32
    %broadcast_in_dim3A_232 = vector.broadcast %broadcast_in_dim3A_231 : f32 to vector<16xf32>
    %swap3A_233 = arith.constant 0 : i32
    %swap3A_234 = arith.index_cast %swap3A_233 : i32 to index
    %swap3A_235 = arith.constant 304 : index
    %swap3A_236 = tpu.vector_load %arg17[%swap3A_234, %swap3A_235] {strides = array<i32>} : memref<1x512xf32, #tpu.memory_space<vmem>>, vector<16xf32>,
    tpu.vector_store %arg17[%swap3A_234, %swap3A_235], %broadcast_in_dim3A_232 {strides = array<i32>} : memref<1x512xf32, #tpu.memory_space<vmem>>, vector<16xf32>,
    %broadcast_in_dim3A_237 = arith.constant 0.000000e+00 : f32
    %broadcast_in_dim3A_238 = vector.broadcast %broadcast_in_dim3A_237 : f32 to vector<16xf32>
    %swap3A_239 = arith.constant 0 : i32
    %swap3A_240 = arith.index_cast %swap3A_239 : i32 to index
    %swap3A_241 = arith.constant 320 : index
    %swap3A_242 = tpu.vector_load %arg17[%swap3A_240, %swap3A_241] {strides = array<i32>} : memref<1x512xf32, #tpu.memory_space<vmem>>, vector<16xf32>,
    tpu.vector_store %arg17[%swap3A_240, %swap3A_241], %broadcast_in_dim3A_238 {strides = array<i32>} : memref<1x512xf32, #tpu.memory_space<vmem>>, vector<16xf32>,
    %broadcast_in_dim3A_243 = arith.constant 0.000000e+00 : f32
    %broadcast_in_dim3A_244 = vector.broadcast %broadcast_in_dim3A_243 : f32 to vector<16xf32>
    %swap3A_245 = arith.constant 0 : i32
    %swap3A_246 = arith.index_cast %swap3A_245 : i32 to index
    %swap3A_247 = arith.constant 336 : index
    %swap3A_248 = tpu.vector_load %arg17[%swap3A_246, %swap3A_247] {strides = array<i32>} : memref<1x512xf32, #tpu.memory_space<vmem>>, vector<16xf32>,
    tpu.vector_store %arg17[%swap3A_246, %swap3A_247], %broadcast_in_dim3A_244 {strides = array<i32>} : memref<1x512xf32, #tpu.memory_space<vmem>>, vector<16xf32>,
    %broadcast_in_dim3A_249 = arith.constant 0.000000e+00 : f32
    %broadcast_in_dim3A_250 = vector.broadcast %broadcast_in_dim3A_249 : f32 to vector<16xf32>
    %swap3A_251 = arith.constant 0 : i32
    %swap3A_252 = arith.index_cast %swap3A_251 : i32 to index
    %swap3A_253 = arith.constant 352 : index
    %swap3A_254 = tpu.vector_load %arg17[%swap3A_252, %swap3A_253] {strides = array<i32>} : memref<1x512xf32, #tpu.memory_space<vmem>>, vector<16xf32>,
    tpu.vector_store %arg17[%swap3A_252, %swap3A_253], %broadcast_in_dim3A_250 {strides = array<i32>} : memref<1x512xf32, #tpu.memory_space<vmem>>, vector<16xf32>,
    %broadcast_in_dim3A_255 = arith.constant 0.000000e+00 : f32
    %broadcast_in_dim3A_256 = vector.broadcast %broadcast_in_dim3A_255 : f32 to vector<16xf32>
    %swap3A_257 = arith.constant 0 : i32
    %swap3A_258 = arith.index_cast %swap3A_257 : i32 to index
    %swap3A_259 = arith.constant 368 : index
    %swap3A_260 = tpu.vector_load %arg17[%swap3A_258, %swap3A_259] {strides = array<i32>} : memref<1x512xf32, #tpu.memory_space<vmem>>, vector<16xf32>,
    tpu.vector_store %arg17[%swap3A_258, %swap3A_259], %broadcast_in_dim3A_256 {strides = array<i32>} : memref<1x512xf32, #tpu.memory_space<vmem>>, vector<16xf32>,
    %broadcast_in_dim3A_261 = arith.constant 0.000000e+00 : f32
    %broadcast_in_dim3A_262 = vector.broadcast %broadcast_in_dim3A_261 : f32 to vector<16xf32>
    %swap3A_263 = arith.constant 0 : i32
    %swap3A_264 = arith.index_cast %swap3A_263 : i32 to index
    %swap3A_265 = arith.constant 384 : index
    %swap3A_266 = tpu.vector_load %arg17[%swap3A_264, %swap3A_265] {strides = array<i32>} : memref<1x512xf32, #tpu.memory_space<vmem>>, vector<16xf32>,
    tpu.vector_store %arg17[%swap3A_264, %swap3A_265], %broadcast_in_dim3A_262 {strides = array<i32>} : memref<1x512xf32, #tpu.memory_space<vmem>>, vector<16xf32>,
    %broadcast_in_dim3A_267 = arith.constant 0.000000e+00 : f32
    %broadcast_in_dim3A_268 = vector.broadcast %broadcast_in_dim3A_267 : f32 to vector<16xf32>
    %swap3A_269 = arith.constant 0 : i32
    %swap3A_270 = arith.index_cast %swap3A_269 : i32 to index
    %swap3A_271 = arith.constant 400 : index
    %swap3A_272 = tpu.vector_load %arg17[%swap3A_270, %swap3A_271] {strides = array<i32>} : memref<1x512xf32, #tpu.memory_space<vmem>>, vector<16xf32>,
    tpu.vector_store %arg17[%swap3A_270, %swap3A_271], %broadcast_in_dim3A_268 {strides = array<i32>} : memref<1x512xf32, #tpu.memory_space<vmem>>, vector<16xf32>,
    %broadcast_in_dim3A_273 = arith.constant 0.000000e+00 : f32
    %broadcast_in_dim3A_274 = vector.broadcast %broadcast_in_dim3A_273 : f32 to vector<16xf32>
    %swap3A_275 = arith.constant 0 : i32
    %swap3A_276 = arith.index_cast %swap3A_275 : i32 to index
    %swap3A_277 = arith.constant 416 : index
    %swap3A_278 = tpu.vector_load %arg17[%swap3A_276, %swap3A_277] {strides = array<i32>} : memref<1x512xf32, #tpu.memory_space<vmem>>, vector<16xf32>,
    tpu.vector_store %arg17[%swap3A_276, %swap3A_277], %broadcast_in_dim3A_274 {strides = array<i32>} : memref<1x512xf32, #tpu.memory_space<vmem>>, vector<16xf32>,
    %broadcast_in_dim3A_279 = arith.constant 0.000000e+00 : f32
    %broadcast_in_dim3A_280 = vector.broadcast %broadcast_in_dim3A_279 : f32 to vector<16xf32>
    %swap3A_281 = arith.constant 0 : i32
    %swap3A_282 = arith.index_cast %swap3A_281 : i32 to index
    %swap3A_283 = arith.constant 432 : index
    %swap3A_284 = tpu.vector_load %arg17[%swap3A_282, %swap3A_283] {strides = array<i32>} : memref<1x512xf32, #tpu.memory_space<vmem>>, vector<16xf32>,
    tpu.vector_store %arg17[%swap3A_282, %swap3A_283], %broadcast_in_dim3A_280 {strides = array<i32>} : memref<1x512xf32, #tpu.memory_space<vmem>>, vector<16xf32>,
    %broadcast_in_dim3A_285 = arith.constant 0.000000e+00 : f32
    %broadcast_in_dim3A_286 = vector.broadcast %broadcast_in_dim3A_285 : f32 to vector<16xf32>
    %swap3A_287 = arith.constant 0 : i32
    %swap3A_288 = arith.index_cast %swap3A_287 : i32 to index
    %swap3A_289 = arith.constant 448 : index
    %swap3A_290 = tpu.vector_load %arg17[%swap3A_288, %swap3A_289] {strides = array<i32>} : memref<1x512xf32, #tpu.memory_space<vmem>>, vector<16xf32>,
    tpu.vector_store %arg17[%swap3A_288, %swap3A_289], %broadcast_in_dim3A_286 {strides = array<i32>} : memref<1x512xf32, #tpu.memory_space<vmem>>, vector<16xf32>,
    %broadcast_in_dim3A_291 = arith.constant 0.000000e+00 : f32
    %broadcast_in_dim3A_292 = vector.broadcast %broadcast_in_dim3A_291 : f32 to vector<16xf32>
    %swap3A_293 = arith.constant 0 : i32
    %swap3A_294 = arith.index_cast %swap3A_293 : i32 to index
    %swap3A_295 = arith.constant 464 : index
    %swap3A_296 = tpu.vector_load %arg17[%swap3A_294, %swap3A_295] {strides = array<i32>} : memref<1x512xf32, #tpu.memory_space<vmem>>, vector<16xf32>,
    tpu.vector_store %arg17[%swap3A_294, %swap3A_295], %broadcast_in_dim3A_292 {strides = array<i32>} : memref<1x512xf32, #tpu.memory_space<vmem>>, vector<16xf32>,
    %broadcast_in_dim3A_297 = arith.constant 0.000000e+00 : f32
    %broadcast_in_dim3A_298 = vector.broadcast %broadcast_in_dim3A_297 : f32 to vector<16xf32>
    %swap3A_299 = arith.constant 0 : i32
    %swap3A_300 = arith.index_cast %swap3A_299 : i32 to index
    %swap3A_301 = arith.constant 480 : index
    %swap3A_302 = tpu.vector_load %arg17[%swap3A_300, %swap3A_301] {strides = array<i32>} : memref<1x512xf32, #tpu.memory_space<vmem>>, vector<16xf32>,
    tpu.vector_store %arg17[%swap3A_300, %swap3A_301], %broadcast_in_dim3A_298 {strides = array<i32>} : memref<1x512xf32, #tpu.memory_space<vmem>>, vector<16xf32>,
    %broadcast_in_dim3A_303 = arith.constant 0.000000e+00 : f32
    %broadcast_in_dim3A_304 = vector.broadcast %broadcast_in_dim3A_303 : f32 to vector<16xf32>
    %swap3A_305 = arith.constant 0 : i32
    %swap3A_306 = arith.index_cast %swap3A_305 : i32 to index
    %swap3A_307 = arith.constant 496 : index
    %swap3A_308 = tpu.vector_load %arg17[%swap3A_306, %swap3A_307] {strides = array<i32>} : memref<1x512xf32, #tpu.memory_space<vmem>>, vector<16xf32>,
    tpu.vector_store %arg17[%swap3A_306, %swap3A_307], %broadcast_in_dim3A_304 {strides = array<i32>} : memref<1x512xf32, #tpu.memory_space<vmem>>, vector<16xf32>,
    %dma_start3A_309 = arith.constant 0 : i32
    %dma_start3A_310 = arith.constant 0 : i32
    %dma_start3A_311 = arith.constant 0 : i32
    %dma_start3A_312 = arith.constant 0 : i32
    %dma_start3A_313 = tpu.memref_slice %arg16[%dma_start3A_310, %dma_start3A_311, %dma_start3A_312] : memref<2x64x512xf32, #tpu.memory_space<vmem>> -> memref<1x64x512xf32, #tpu.memory_space<vmem>>
    %dma_start3A_314 = tpu.memref_squeeze %dma_start3A_313 : memref<1x64x512xf32, #tpu.memory_space<vmem>> -> memref<64x512xf32, #tpu.memory_space<vmem>>
    %dma_start3A_315 = arith.constant 0 : i32
    %dma_start3A_316 = tpu.memref_slice %arg14[%dma_start3A_309, %dma_start3A_315] : memref<26x64xi32, #tpu.memory_space<vmem>> -> memref<1x64xi32, #tpu.memory_space<vmem>>
    %dma_start3A_317 = tpu.memref_squeeze %dma_start3A_316 : memref<1x64xi32, #tpu.memory_space<vmem>> -> memref<64xi32, #tpu.memory_space<vmem>>
    %dma_start3A_318 = arith.constant 0 : i32
    %dma_start3A_319 = arith.constant 0 : i32
    %dma_start3A_320 = tpu.memref_slice %arg2[%dma_start3A_318, %dma_start3A_319] : memref<131072x512xf32, #tpu.memory_space<hbm>> -> memref<131072x512xf32, #tpu.memory_space<hbm>>
    tpu.enqueue_indirect_dma source(%dma_start3A_320 : memref<131072x512xf32, #tpu.memory_space<hbm>>) target(%dma_start3A_314 : memref<64x512xf32, #tpu.memory_space<vmem>>) offsets(%dma_start3A_317 : memref<64xi32, #tpu.memory_space<vmem>>) semaphore(%arg24 : memref<!tpu.dma_semaphore, #tpu.memory_space<semaphore_mem>>)
    %scan3A_321 = arith.constant 0 : i32
    %scan3A_322 = arith.constant 0 : i32
    %scan3A_323 = arith.constant 26 : i32
    %scan3A_324 = arith.addi %scan3A_322, %scan3A_323 : i32
    %scan3A_325 = arith.constant 1 : i32
    scf.for %scan3A_332 = %scan3A_322 to %scan3A_324 step %scan3A_325  : i32 {
      %and3A_333 = arith.constant 1 : i32
      %and3A_334 = arith.andi %scan3A_332, %and3A_333 : i32
      %dma_wait3A_335 = arith.constant 0 : i32
      %dma_wait3A_336 = arith.constant 0 : i32
      %dma_wait3A_337 = arith.constant 0 : i32
      %dma_wait3A_338 = tpu.memref_slice %arg16[%dma_wait3A_335, %dma_wait3A_336, %dma_wait3A_337] : memref<2x64x512xf32, #tpu.memory_space<vmem>> -> memref<1x64x512xf32, #tpu.memory_space<vmem>>
      %dma_wait3A_339 = tpu.memref_squeeze %dma_wait3A_338 : memref<1x64x512xf32, #tpu.memory_space<vmem>> -> memref<64x512xf32, #tpu.memory_space<vmem>>
      %dma_wait3A_340 = arith.constant 0 : i32
      %dma_wait3A_341 = arith.constant 0 : i32
      %dma_wait3A_342 = tpu.memref_slice %arg2[%dma_wait3A_340, %dma_wait3A_341] : memref<131072x512xf32, #tpu.memory_space<hbm>> -> memref<64x512xf32, #tpu.memory_space<hbm>>
      %dma_wait3A_343 = arith.constant 0 : i32
      %dma_wait3A_344 = arith.constant 0 : i32
      %dma_wait3A_345 = tpu.memref_slice %arg16[%dma_wait3A_335, %dma_wait3A_343, %dma_wait3A_344] : memref<2x64x512xf32, #tpu.memory_space<vmem>> -> memref<1x64x512xf32, #tpu.memory_space<vmem>>
      %dma_wait3A_346 = tpu.memref_squeeze %dma_wait3A_345 : memref<1x64x512xf32, #tpu.memory_space<vmem>> -> memref<64x512xf32, #tpu.memory_space<vmem>>
      %dma_wait3A_347 = arith.constant 0 : i32
      %dma_wait3A_348 = arith.constant 0 : i32
      %dma_wait3A_349 = tpu.memref_slice %arg2[%dma_wait3A_347, %dma_wait3A_348] : memref<131072x512xf32, #tpu.memory_space<hbm>> -> memref<64x512xf32, #tpu.memory_space<hbm>>
      tpu.wait_dma2 semaphore(%arg24 : memref<!tpu.dma_semaphore, #tpu.memory_space<semaphore_mem>>) src(%dma_wait3A_349 : memref<64x512xf32, #tpu.memory_space<hbm>>) dst(%dma_wait3A_346 : memref<64x512xf32, #tpu.memory_space<vmem>>)
      %add3A_350 = arith.constant 1 : i32
      %add3A_351 = arith.addi %scan3A_332, %add3A_350 : i32
      %lt3A_352 = arith.constant 26 : i32
      %lt3A_353 = arith.cmpi slt, %add3A_351, %lt3A_352 : i32
      %convert_element_type3A_354 = arith.extui %lt3A_353 : i1 to i32
      %cond3A_355 = arith.constant 0 : i32
      %cond3A_356 = arith.cmpi ne, %convert_element_type3A_354, %cond3A_355 : i32
      scf.if %cond3A_356 {
        %add3A_363 = arith.constant 1 : i32
        %add3A_364 = arith.addi %scan3A_332, %add3A_363 : i32
        %sub3A_365 = arith.constant 1 : i32
        %sub3A_366 = arith.subi %sub3A_365, %and3A_334 : i32
        %dma_start3A_367 = arith.constant 0 : i32
        %dma_start3A_368 = arith.constant 0 : i32
        %dma_start3A_369 = tpu.memref_slice %arg16[%sub3A_366, %dma_start3A_367, %dma_start3A_368] : memref<2x64x512xf32, #tpu.memory_space<vmem>> -> memref<1x64x512xf32, #tpu.memory_space<vmem>>
        %dma_start3A_370 = tpu.memref_squeeze %dma_start3A_369 : memref<1x64x512xf32, #tpu.memory_space<vmem>> -> memref<64x512xf32, #tpu.memory_space<vmem>>
        %dma_start3A_371 = arith.constant 0 : i32
        %dma_start3A_372 = tpu.memref_slice %arg14[%add3A_364, %dma_start3A_371] : memref<26x64xi32, #tpu.memory_space<vmem>> -> memref<1x64xi32, #tpu.memory_space<vmem>>
        %dma_start3A_373 = tpu.memref_squeeze %dma_start3A_372 : memref<1x64xi32, #tpu.memory_space<vmem>> -> memref<64xi32, #tpu.memory_space<vmem>>
        %dma_start3A_374 = arith.constant 0 : i32
        %dma_start3A_375 = arith.constant 0 : i32
        %dma_start3A_376 = tpu.memref_slice %arg2[%dma_start3A_374, %dma_start3A_375] : memref<131072x512xf32, #tpu.memory_space<hbm>> -> memref<131072x512xf32, #tpu.memory_space<hbm>>
        tpu.enqueue_indirect_dma source(%dma_start3A_376 : memref<131072x512xf32, #tpu.memory_space<hbm>>) target(%dma_start3A_370 : memref<64x512xf32, #tpu.memory_space<vmem>>) offsets(%dma_start3A_373 : memref<64xi32, #tpu.memory_space<vmem>>) semaphore(%arg24 : memref<!tpu.dma_semaphore, #tpu.memory_space<semaphore_mem>>)
      } else {
      }
      %scan3A_357 = arith.constant 0 : i32
      %scan3A_358 = arith.constant 0 : i32
      %scan3A_359 = arith.constant 64 : i32
      %scan3A_360 = arith.addi %scan3A_358, %scan3A_359 : i32
      %scan3A_361 = arith.constant 1 : i32
      scf.for %scan3A_363 = %scan3A_358 to %scan3A_360 step %scan3A_361  : i32 {
        %add3A_364 = vector.broadcast %scan3A_332 : i32 to vector<16xi32>
        %add3A_365 = arith.addi %broadcast_in_dim3A_34, %add3A_364 : vector<16xi32>
        %add3A_366 = vector.broadcast %scan3A_363 : i32 to vector<16xi32>
        %add3A_367 = arith.addi %broadcast_in_dim3A_34, %add3A_366 : vector<16xi32>
        %gather3A = tpu.vector_load_idx %arg15[%add3A_365, %add3A_367] : memref<26x64xf32, #tpu.memory_space<vmem>>[vector<16xi32>, vector<16xi32>], vector<16xf32>,
        %get3A_368 = arith.index_cast %and3A_334 : i32 to index
        %get3A_369 = arith.index_cast %scan3A_363 : i32 to index
        %get3A_370 = arith.constant 0 : index
        %get3A_371 = tpu.vector_load %arg16[%get3A_368, %get3A_369, %get3A_370] {strides = array<i32>} : memref<2x64x512xf32, #tpu.memory_space<vmem>>, vector<16xf32>,
        %mul3A_372 = arith.mulf %get3A_371, %gather3A : vector<16xf32>
        %swap3A_373 = arith.constant 0 : i32
        %swap3A_374 = arith.index_cast %swap3A_373 : i32 to index
        %swap3A_375 = arith.constant 0 : index
        %swap3A_376 = tpu.vector_load %arg17[%swap3A_374, %swap3A_375] {strides = array<i32>} : memref<1x512xf32, #tpu.memory_space<vmem>>, vector<16xf32>,
        tpu.vector_store %arg17[%swap3A_374, %swap3A_375], %mul3A_372 {add = true, strides = array<i32>} : memref<1x512xf32, #tpu.memory_space<vmem>>, vector<16xf32>,
        %get3A_377 = arith.index_cast %and3A_334 : i32 to index
        %get3A_378 = arith.index_cast %scan3A_363 : i32 to index
        %get3A_379 = arith.constant 16 : index
        %get3A_380 = tpu.vector_load %arg16[%get3A_377, %get3A_378, %get3A_379] {strides = array<i32>} : memref<2x64x512xf32, #tpu.memory_space<vmem>>, vector<16xf32>,
        %mul3A_381 = arith.mulf %get3A_380, %gather3A : vector<16xf32>
        %swap3A_382 = arith.constant 0 : i32
        %swap3A_383 = arith.index_cast %swap3A_382 : i32 to index
        %swap3A_384 = arith.constant 16 : index
        %swap3A_385 = tpu.vector_load %arg17[%swap3A_383, %swap3A_384] {strides = array<i32>} : memref<1x512xf32, #tpu.memory_space<vmem>>, vector<16xf32>,
        tpu.vector_store %arg17[%swap3A_383, %swap3A_384], %mul3A_381 {add = true, strides = array<i32>} : memref<1x512xf32, #tpu.memory_space<vmem>>, vector<16xf32>,
        %get3A_386 = arith.index_cast %and3A_334 : i32 to index
        %get3A_387 = arith.index_cast %scan3A_363 : i32 to index
        %get3A_388 = arith.constant 32 : index
        %get3A_389 = tpu.vector_load %arg16[%get3A_386, %get3A_387, %get3A_388] {strides = array<i32>} : memref<2x64x512xf32, #tpu.memory_space<vmem>>, vector<16xf32>,
        %mul3A_390 = arith.mulf %get3A_389, %gather3A : vector<16xf32>
        %swap3A_391 = arith.constant 0 : i32
        %swap3A_392 = arith.index_cast %swap3A_391 : i32 to index
        %swap3A_393 = arith.constant 32 : index
        %swap3A_394 = tpu.vector_load %arg17[%swap3A_392, %swap3A_393] {strides = array<i32>} : memref<1x512xf32, #tpu.memory_space<vmem>>, vector<16xf32>,
        tpu.vector_store %arg17[%swap3A_392, %swap3A_393], %mul3A_390 {add = true, strides = array<i32>} : memref<1x512xf32, #tpu.memory_space<vmem>>, vector<16xf32>,
        %get3A_395 = arith.index_cast %and3A_334 : i32 to index
        %get3A_396 = arith.index_cast %scan3A_363 : i32 to index
        %get3A_397 = arith.constant 48 : index
        %get3A_398 = tpu.vector_load %arg16[%get3A_395, %get3A_396, %get3A_397] {strides = array<i32>} : memref<2x64x512xf32, #tpu.memory_space<vmem>>, vector<16xf32>,
        %mul3A_399 = arith.mulf %get3A_398, %gather3A : vector<16xf32>
        %swap3A_400 = arith.constant 0 : i32
        %swap3A_401 = arith.index_cast %swap3A_400 : i32 to index
        %swap3A_402 = arith.constant 48 : index
        %swap3A_403 = tpu.vector_load %arg17[%swap3A_401, %swap3A_402] {strides = array<i32>} : memref<1x512xf32, #tpu.memory_space<vmem>>, vector<16xf32>,
        tpu.vector_store %arg17[%swap3A_401, %swap3A_402], %mul3A_399 {add = true, strides = array<i32>} : memref<1x512xf32, #tpu.memory_space<vmem>>, vector<16xf32>,
        %get3A_404 = arith.index_cast %and3A_334 : i32 to index
        %get3A_405 = arith.index_cast %scan3A_363 : i32 to index
        %get3A_406 = arith.constant 64 : index
        %get3A_407 = tpu.vector_load %arg16[%get3A_404, %get3A_405, %get3A_406] {strides = array<i32>} : memref<2x64x512xf32, #tpu.memory_space<vmem>>, vector<16xf32>,
        %mul3A_408 = arith.mulf %get3A_407, %gather3A : vector<16xf32>
        %swap3A_409 = arith.constant 0 : i32
        %swap3A_410 = arith.index_cast %swap3A_409 : i32 to index
        %swap3A_411 = arith.constant 64 : index
        %swap3A_412 = tpu.vector_load %arg17[%swap3A_410, %swap3A_411] {strides = array<i32>} : memref<1x512xf32, #tpu.memory_space<vmem>>, vector<16xf32>,
        tpu.vector_store %arg17[%swap3A_410, %swap3A_411], %mul3A_408 {add = true, strides = array<i32>} : memref<1x512xf32, #tpu.memory_space<vmem>>, vector<16xf32>,
        %get3A_413 = arith.index_cast %and3A_334 : i32 to index
        %get3A_414 = arith.index_cast %scan3A_363 : i32 to index
        %get3A_415 = arith.constant 80 : index
        %get3A_416 = tpu.vector_load %arg16[%get3A_413, %get3A_414, %get3A_415] {strides = array<i32>} : memref<2x64x512xf32, #tpu.memory_space<vmem>>, vector<16xf32>,
        %mul3A_417 = arith.mulf %get3A_416, %gather3A : vector<16xf32>
        %swap3A_418 = arith.constant 0 : i32
        %swap3A_419 = arith.index_cast %swap3A_418 : i32 to index
        %swap3A_420 = arith.constant 80 : index
        %swap3A_421 = tpu.vector_load %arg17[%swap3A_419, %swap3A_420] {strides = array<i32>} : memref<1x512xf32, #tpu.memory_space<vmem>>, vector<16xf32>,
        tpu.vector_store %arg17[%swap3A_419, %swap3A_420], %mul3A_417 {add = true, strides = array<i32>} : memref<1x512xf32, #tpu.memory_space<vmem>>, vector<16xf32>,
        %get3A_422 = arith.index_cast %and3A_334 : i32 to index
        %get3A_423 = arith.index_cast %scan3A_363 : i32 to index
        %get3A_424 = arith.constant 96 : index
        %get3A_425 = tpu.vector_load %arg16[%get3A_422, %get3A_423, %get3A_424] {strides = array<i32>} : memref<2x64x512xf32, #tpu.memory_space<vmem>>, vector<16xf32>,
        %mul3A_426 = arith.mulf %get3A_425, %gather3A : vector<16xf32>
        %swap3A_427 = arith.constant 0 : i32
        %swap3A_428 = arith.index_cast %swap3A_427 : i32 to index
        %swap3A_429 = arith.constant 96 : index
        %swap3A_430 = tpu.vector_load %arg17[%swap3A_428, %swap3A_429] {strides = array<i32>} : memref<1x512xf32, #tpu.memory_space<vmem>>, vector<16xf32>,
        tpu.vector_store %arg17[%swap3A_428, %swap3A_429], %mul3A_426 {add = true, strides = array<i32>} : memref<1x512xf32, #tpu.memory_space<vmem>>, vector<16xf32>,
        %get3A_431 = arith.index_cast %and3A_334 : i32 to index
        %get3A_432 = arith.index_cast %scan3A_363 : i32 to index
        %get3A_433 = arith.constant 112 : index
        %get3A_434 = tpu.vector_load %arg16[%get3A_431, %get3A_432, %get3A_433] {strides = array<i32>} : memref<2x64x512xf32, #tpu.memory_space<vmem>>, vector<16xf32>,
        %mul3A_435 = arith.mulf %get3A_434, %gather3A : vector<16xf32>
        %swap3A_436 = arith.constant 0 : i32
        %swap3A_437 = arith.index_cast %swap3A_436 : i32 to index
        %swap3A_438 = arith.constant 112 : index
        %swap3A_439 = tpu.vector_load %arg17[%swap3A_437, %swap3A_438] {strides = array<i32>} : memref<1x512xf32, #tpu.memory_space<vmem>>, vector<16xf32>,
        tpu.vector_store %arg17[%swap3A_437, %swap3A_438], %mul3A_435 {add = true, strides = array<i32>} : memref<1x512xf32, #tpu.memory_space<vmem>>, vector<16xf32>,
        %get3A_440 = arith.index_cast %and3A_334 : i32 to index
        %get3A_441 = arith.index_cast %scan3A_363 : i32 to index
        %get3A_442 = arith.constant 128 : index
        %get3A_443 = tpu.vector_load %arg16[%get3A_440, %get3A_441, %get3A_442] {strides = array<i32>} : memref<2x64x512xf32, #tpu.memory_space<vmem>>, vector<16xf32>,
        %mul3A_444 = arith.mulf %get3A_443, %gather3A : vector<16xf32>
        %swap3A_445 = arith.constant 0 : i32
        %swap3A_446 = arith.index_cast %swap3A_445 : i32 to index
        %swap3A_447 = arith.constant 128 : index
        %swap3A_448 = tpu.vector_load %arg17[%swap3A_446, %swap3A_447] {strides = array<i32>} : memref<1x512xf32, #tpu.memory_space<vmem>>, vector<16xf32>,
        tpu.vector_store %arg17[%swap3A_446, %swap3A_447], %mul3A_444 {add = true, strides = array<i32>} : memref<1x512xf32, #tpu.memory_space<vmem>>, vector<16xf32>,
        %get3A_449 = arith.index_cast %and3A_334 : i32 to index
        %get3A_450 = arith.index_cast %scan3A_363 : i32 to index
        %get3A_451 = arith.constant 144 : index
        %get3A_452 = tpu.vector_load %arg16[%get3A_449, %get3A_450, %get3A_451] {strides = array<i32>} : memref<2x64x512xf32, #tpu.memory_space<vmem>>, vector<16xf32>,
        %mul3A_453 = arith.mulf %get3A_452, %gather3A : vector<16xf32>
        %swap3A_454 = arith.constant 0 : i32
        %swap3A_455 = arith.index_cast %swap3A_454 : i32 to index
        %swap3A_456 = arith.constant 144 : index
        %swap3A_457 = tpu.vector_load %arg17[%swap3A_455, %swap3A_456] {strides = array<i32>} : memref<1x512xf32, #tpu.memory_space<vmem>>, vector<16xf32>,
        tpu.vector_store %arg17[%swap3A_455, %swap3A_456], %mul3A_453 {add = true, strides = array<i32>} : memref<1x512xf32, #tpu.memory_space<vmem>>, vector<16xf32>,
        %get3A_458 = arith.index_cast %and3A_334 : i32 to index
        %get3A_459 = arith.index_cast %scan3A_363 : i32 to index
        %get3A_460 = arith.constant 160 : index
        %get3A_461 = tpu.vector_load %arg16[%get3A_458, %get3A_459, %get3A_460] {strides = array<i32>} : memref<2x64x512xf32, #tpu.memory_space<vmem>>, vector<16xf32>,
        %mul3A_462 = arith.mulf %get3A_461, %gather3A : vector<16xf32>
        %swap3A_463 = arith.constant 0 : i32
        %swap3A_464 = arith.index_cast %swap3A_463 : i32 to index
        %swap3A_465 = arith.constant 160 : index
        %swap3A_466 = tpu.vector_load %arg17[%swap3A_464, %swap3A_465] {strides = array<i32>} : memref<1x512xf32, #tpu.memory_space<vmem>>, vector<16xf32>,
        tpu.vector_store %arg17[%swap3A_464, %swap3A_465], %mul3A_462 {add = true, strides = array<i32>} : memref<1x512xf32, #tpu.memory_space<vmem>>, vector<16xf32>,
        %get3A_467 = arith.index_cast %and3A_334 : i32 to index
        %get3A_468 = arith.index_cast %scan3A_363 : i32 to index
        %get3A_469 = arith.constant 176 : index
        %get3A_470 = tpu.vector_load %arg16[%get3A_467, %get3A_468, %get3A_469] {strides = array<i32>} : memref<2x64x512xf32, #tpu.memory_space<vmem>>, vector<16xf32>,
        %mul3A_471 = arith.mulf %get3A_470, %gather3A : vector<16xf32>
        %swap3A_472 = arith.constant 0 : i32
        %swap3A_473 = arith.index_cast %swap3A_472 : i32 to index
        %swap3A_474 = arith.constant 176 : index
        %swap3A_475 = tpu.vector_load %arg17[%swap3A_473, %swap3A_474] {strides = array<i32>} : memref<1x512xf32, #tpu.memory_space<vmem>>, vector<16xf32>,
        tpu.vector_store %arg17[%swap3A_473, %swap3A_474], %mul3A_471 {add = true, strides = array<i32>} : memref<1x512xf32, #tpu.memory_space<vmem>>, vector<16xf32>,
        %get3A_476 = arith.index_cast %and3A_334 : i32 to index
        %get3A_477 = arith.index_cast %scan3A_363 : i32 to index
        %get3A_478 = arith.constant 192 : index
        %get3A_479 = tpu.vector_load %arg16[%get3A_476, %get3A_477, %get3A_478] {strides = array<i32>} : memref<2x64x512xf32, #tpu.memory_space<vmem>>, vector<16xf32>,
        %mul3A_480 = arith.mulf %get3A_479, %gather3A : vector<16xf32>
        %swap3A_481 = arith.constant 0 : i32
        %swap3A_482 = arith.index_cast %swap3A_481 : i32 to index
        %swap3A_483 = arith.constant 192 : index
        %swap3A_484 = tpu.vector_load %arg17[%swap3A_482, %swap3A_483] {strides = array<i32>} : memref<1x512xf32, #tpu.memory_space<vmem>>, vector<16xf32>,
        tpu.vector_store %arg17[%swap3A_482, %swap3A_483], %mul3A_480 {add = true, strides = array<i32>} : memref<1x512xf32, #tpu.memory_space<vmem>>, vector<16xf32>,
        %get3A_485 = arith.index_cast %and3A_334 : i32 to index
        %get3A_486 = arith.index_cast %scan3A_363 : i32 to index
        %get3A_487 = arith.constant 208 : index
        %get3A_488 = tpu.vector_load %arg16[%get3A_485, %get3A_486, %get3A_487] {strides = array<i32>} : memref<2x64x512xf32, #tpu.memory_space<vmem>>, vector<16xf32>,
        %mul3A_489 = arith.mulf %get3A_488, %gather3A : vector<16xf32>
        %swap3A_490 = arith.constant 0 : i32
        %swap3A_491 = arith.index_cast %swap3A_490 : i32 to index
        %swap3A_492 = arith.constant 208 : index
        %swap3A_493 = tpu.vector_load %arg17[%swap3A_491, %swap3A_492] {strides = array<i32>} : memref<1x512xf32, #tpu.memory_space<vmem>>, vector<16xf32>,
        tpu.vector_store %arg17[%swap3A_491, %swap3A_492], %mul3A_489 {add = true, strides = array<i32>} : memref<1x512xf32, #tpu.memory_space<vmem>>, vector<16xf32>,
        %get3A_494 = arith.index_cast %and3A_334 : i32 to index
        %get3A_495 = arith.index_cast %scan3A_363 : i32 to index
        %get3A_496 = arith.constant 224 : index
        %get3A_497 = tpu.vector_load %arg16[%get3A_494, %get3A_495, %get3A_496] {strides = array<i32>} : memref<2x64x512xf32, #tpu.memory_space<vmem>>, vector<16xf32>,
        %mul3A_498 = arith.mulf %get3A_497, %gather3A : vector<16xf32>
        %swap3A_499 = arith.constant 0 : i32
        %swap3A_500 = arith.index_cast %swap3A_499 : i32 to index
        %swap3A_501 = arith.constant 224 : index
        %swap3A_502 = tpu.vector_load %arg17[%swap3A_500, %swap3A_501] {strides = array<i32>} : memref<1x512xf32, #tpu.memory_space<vmem>>, vector<16xf32>,
        tpu.vector_store %arg17[%swap3A_500, %swap3A_501], %mul3A_498 {add = true, strides = array<i32>} : memref<1x512xf32, #tpu.memory_space<vmem>>, vector<16xf32>,
        %get3A_503 = arith.index_cast %and3A_334 : i32 to index
        %get3A_504 = arith.index_cast %scan3A_363 : i32 to index
        %get3A_505 = arith.constant 240 : index
        %get3A_506 = tpu.vector_load %arg16[%get3A_503, %get3A_504, %get3A_505] {strides = array<i32>} : memref<2x64x512xf32, #tpu.memory_space<vmem>>, vector<16xf32>,
        %mul3A_507 = arith.mulf %get3A_506, %gather3A : vector<16xf32>
        %swap3A_508 = arith.constant 0 : i32
        %swap3A_509 = arith.index_cast %swap3A_508 : i32 to index
        %swap3A_510 = arith.constant 240 : index
        %swap3A_511 = tpu.vector_load %arg17[%swap3A_509, %swap3A_510] {strides = array<i32>} : memref<1x512xf32, #tpu.memory_space<vmem>>, vector<16xf32>,
        tpu.vector_store %arg17[%swap3A_509, %swap3A_510], %mul3A_507 {add = true, strides = array<i32>} : memref<1x512xf32, #tpu.memory_space<vmem>>, vector<16xf32>,
        %get3A_512 = arith.index_cast %and3A_334 : i32 to index
        %get3A_513 = arith.index_cast %scan3A_363 : i32 to index
        %get3A_514 = arith.constant 256 : index
        %get3A_515 = tpu.vector_load %arg16[%get3A_512, %get3A_513, %get3A_514] {strides = array<i32>} : memref<2x64x512xf32, #tpu.memory_space<vmem>>, vector<16xf32>,
        %mul3A_516 = arith.mulf %get3A_515, %gather3A : vector<16xf32>
        %swap3A_517 = arith.constant 0 : i32
        %swap3A_518 = arith.index_cast %swap3A_517 : i32 to index
        %swap3A_519 = arith.constant 256 : index
        %swap3A_520 = tpu.vector_load %arg17[%swap3A_518, %swap3A_519] {strides = array<i32>} : memref<1x512xf32, #tpu.memory_space<vmem>>, vector<16xf32>,
        tpu.vector_store %arg17[%swap3A_518, %swap3A_519], %mul3A_516 {add = true, strides = array<i32>} : memref<1x512xf32, #tpu.memory_space<vmem>>, vector<16xf32>,
        %get3A_521 = arith.index_cast %and3A_334 : i32 to index
        %get3A_522 = arith.index_cast %scan3A_363 : i32 to index
        %get3A_523 = arith.constant 272 : index
        %get3A_524 = tpu.vector_load %arg16[%get3A_521, %get3A_522, %get3A_523] {strides = array<i32>} : memref<2x64x512xf32, #tpu.memory_space<vmem>>, vector<16xf32>,
        %mul3A_525 = arith.mulf %get3A_524, %gather3A : vector<16xf32>
        %swap3A_526 = arith.constant 0 : i32
        %swap3A_527 = arith.index_cast %swap3A_526 : i32 to index
        %swap3A_528 = arith.constant 272 : index
        %swap3A_529 = tpu.vector_load %arg17[%swap3A_527, %swap3A_528] {strides = array<i32>} : memref<1x512xf32, #tpu.memory_space<vmem>>, vector<16xf32>,
        tpu.vector_store %arg17[%swap3A_527, %swap3A_528], %mul3A_525 {add = true, strides = array<i32>} : memref<1x512xf32, #tpu.memory_space<vmem>>, vector<16xf32>,
        %get3A_530 = arith.index_cast %and3A_334 : i32 to index
        %get3A_531 = arith.index_cast %scan3A_363 : i32 to index
        %get3A_532 = arith.constant 288 : index
        %get3A_533 = tpu.vector_load %arg16[%get3A_530, %get3A_531, %get3A_532] {strides = array<i32>} : memref<2x64x512xf32, #tpu.memory_space<vmem>>, vector<16xf32>,
        %mul3A_534 = arith.mulf %get3A_533, %gather3A : vector<16xf32>
        %swap3A_535 = arith.constant 0 : i32
        %swap3A_536 = arith.index_cast %swap3A_535 : i32 to index
        %swap3A_537 = arith.constant 288 : index
        %swap3A_538 = tpu.vector_load %arg17[%swap3A_536, %swap3A_537] {strides = array<i32>} : memref<1x512xf32, #tpu.memory_space<vmem>>, vector<16xf32>,
        tpu.vector_store %arg17[%swap3A_536, %swap3A_537], %mul3A_534 {add = true, strides = array<i32>} : memref<1x512xf32, #tpu.memory_space<vmem>>, vector<16xf32>,
        %get3A_539 = arith.index_cast %and3A_334 : i32 to index
        %get3A_540 = arith.index_cast %scan3A_363 : i32 to index
        %get3A_541 = arith.constant 304 : index
        %get3A_542 = tpu.vector_load %arg16[%get3A_539, %get3A_540, %get3A_541] {strides = array<i32>} : memref<2x64x512xf32, #tpu.memory_space<vmem>>, vector<16xf32>,
        %mul3A_543 = arith.mulf %get3A_542, %gather3A : vector<16xf32>
        %swap3A_544 = arith.constant 0 : i32
        %swap3A_545 = arith.index_cast %swap3A_544 : i32 to index
        %swap3A_546 = arith.constant 304 : index
        %swap3A_547 = tpu.vector_load %arg17[%swap3A_545, %swap3A_546] {strides = array<i32>} : memref<1x512xf32, #tpu.memory_space<vmem>>, vector<16xf32>,
        tpu.vector_store %arg17[%swap3A_545, %swap3A_546], %mul3A_543 {add = true, strides = array<i32>} : memref<1x512xf32, #tpu.memory_space<vmem>>, vector<16xf32>,
        %get3A_548 = arith.index_cast %and3A_334 : i32 to index
        %get3A_549 = arith.index_cast %scan3A_363 : i32 to index
        %get3A_550 = arith.constant 320 : index
        %get3A_551 = tpu.vector_load %arg16[%get3A_548, %get3A_549, %get3A_550] {strides = array<i32>} : memref<2x64x512xf32, #tpu.memory_space<vmem>>, vector<16xf32>,
        %mul3A_552 = arith.mulf %get3A_551, %gather3A : vector<16xf32>
        %swap3A_553 = arith.constant 0 : i32
        %swap3A_554 = arith.index_cast %swap3A_553 : i32 to index
        %swap3A_555 = arith.constant 320 : index
        %swap3A_556 = tpu.vector_load %arg17[%swap3A_554, %swap3A_555] {strides = array<i32>} : memref<1x512xf32, #tpu.memory_space<vmem>>, vector<16xf32>,
        tpu.vector_store %arg17[%swap3A_554, %swap3A_555], %mul3A_552 {add = true, strides = array<i32>} : memref<1x512xf32, #tpu.memory_space<vmem>>, vector<16xf32>,
        %get3A_557 = arith.index_cast %and3A_334 : i32 to index
        %get3A_558 = arith.index_cast %scan3A_363 : i32 to index
        %get3A_559 = arith.constant 336 : index
        %get3A_560 = tpu.vector_load %arg16[%get3A_557, %get3A_558, %get3A_559] {strides = array<i32>} : memref<2x64x512xf32, #tpu.memory_space<vmem>>, vector<16xf32>,
        %mul3A_561 = arith.mulf %get3A_560, %gather3A : vector<16xf32>
        %swap3A_562 = arith.constant 0 : i32
        %swap3A_563 = arith.index_cast %swap3A_562 : i32 to index
        %swap3A_564 = arith.constant 336 : index
        %swap3A_565 = tpu.vector_load %arg17[%swap3A_563, %swap3A_564] {strides = array<i32>} : memref<1x512xf32, #tpu.memory_space<vmem>>, vector<16xf32>,
        tpu.vector_store %arg17[%swap3A_563, %swap3A_564], %mul3A_561 {add = true, strides = array<i32>} : memref<1x512xf32, #tpu.memory_space<vmem>>, vector<16xf32>,
        %get3A_566 = arith.index_cast %and3A_334 : i32 to index
        %get3A_567 = arith.index_cast %scan3A_363 : i32 to index
        %get3A_568 = arith.constant 352 : index
        %get3A_569 = tpu.vector_load %arg16[%get3A_566, %get3A_567, %get3A_568] {strides = array<i32>} : memref<2x64x512xf32, #tpu.memory_space<vmem>>, vector<16xf32>,
        %mul3A_570 = arith.mulf %get3A_569, %gather3A : vector<16xf32>
        %swap3A_571 = arith.constant 0 : i32
        %swap3A_572 = arith.index_cast %swap3A_571 : i32 to index
        %swap3A_573 = arith.constant 352 : index
        %swap3A_574 = tpu.vector_load %arg17[%swap3A_572, %swap3A_573] {strides = array<i32>} : memref<1x512xf32, #tpu.memory_space<vmem>>, vector<16xf32>,
        tpu.vector_store %arg17[%swap3A_572, %swap3A_573], %mul3A_570 {add = true, strides = array<i32>} : memref<1x512xf32, #tpu.memory_space<vmem>>, vector<16xf32>,
        %get3A_575 = arith.index_cast %and3A_334 : i32 to index
        %get3A_576 = arith.index_cast %scan3A_363 : i32 to index
        %get3A_577 = arith.constant 368 : index
        %get3A_578 = tpu.vector_load %arg16[%get3A_575, %get3A_576, %get3A_577] {strides = array<i32>} : memref<2x64x512xf32, #tpu.memory_space<vmem>>, vector<16xf32>,
        %mul3A_579 = arith.mulf %get3A_578, %gather3A : vector<16xf32>
        %swap3A_580 = arith.constant 0 : i32
        %swap3A_581 = arith.index_cast %swap3A_580 : i32 to index
        %swap3A_582 = arith.constant 368 : index
        %swap3A_583 = tpu.vector_load %arg17[%swap3A_581, %swap3A_582] {strides = array<i32>} : memref<1x512xf32, #tpu.memory_space<vmem>>, vector<16xf32>,
        tpu.vector_store %arg17[%swap3A_581, %swap3A_582], %mul3A_579 {add = true, strides = array<i32>} : memref<1x512xf32, #tpu.memory_space<vmem>>, vector<16xf32>,
        %get3A_584 = arith.index_cast %and3A_334 : i32 to index
        %get3A_585 = arith.index_cast %scan3A_363 : i32 to index
        %get3A_586 = arith.constant 384 : index
        %get3A_587 = tpu.vector_load %arg16[%get3A_584, %get3A_585, %get3A_586] {strides = array<i32>} : memref<2x64x512xf32, #tpu.memory_space<vmem>>, vector<16xf32>,
        %mul3A_588 = arith.mulf %get3A_587, %gather3A : vector<16xf32>
        %swap3A_589 = arith.constant 0 : i32
        %swap3A_590 = arith.index_cast %swap3A_589 : i32 to index
        %swap3A_591 = arith.constant 384 : index
        %swap3A_592 = tpu.vector_load %arg17[%swap3A_590, %swap3A_591] {strides = array<i32>} : memref<1x512xf32, #tpu.memory_space<vmem>>, vector<16xf32>,
        tpu.vector_store %arg17[%swap3A_590, %swap3A_591], %mul3A_588 {add = true, strides = array<i32>} : memref<1x512xf32, #tpu.memory_space<vmem>>, vector<16xf32>,
        %get3A_593 = arith.index_cast %and3A_334 : i32 to index
        %get3A_594 = arith.index_cast %scan3A_363 : i32 to index
        %get3A_595 = arith.constant 400 : index
        %get3A_596 = tpu.vector_load %arg16[%get3A_593, %get3A_594, %get3A_595] {strides = array<i32>} : memref<2x64x512xf32, #tpu.memory_space<vmem>>, vector<16xf32>,
        %mul3A_597 = arith.mulf %get3A_596, %gather3A : vector<16xf32>
        %swap3A_598 = arith.constant 0 : i32
        %swap3A_599 = arith.index_cast %swap3A_598 : i32 to index
        %swap3A_600 = arith.constant 400 : index
        %swap3A_601 = tpu.vector_load %arg17[%swap3A_599, %swap3A_600] {strides = array<i32>} : memref<1x512xf32, #tpu.memory_space<vmem>>, vector<16xf32>,
        tpu.vector_store %arg17[%swap3A_599, %swap3A_600], %mul3A_597 {add = true, strides = array<i32>} : memref<1x512xf32, #tpu.memory_space<vmem>>, vector<16xf32>,
        %get3A_602 = arith.index_cast %and3A_334 : i32 to index
        %get3A_603 = arith.index_cast %scan3A_363 : i32 to index
        %get3A_604 = arith.constant 416 : index
        %get3A_605 = tpu.vector_load %arg16[%get3A_602, %get3A_603, %get3A_604] {strides = array<i32>} : memref<2x64x512xf32, #tpu.memory_space<vmem>>, vector<16xf32>,
        %mul3A_606 = arith.mulf %get3A_605, %gather3A : vector<16xf32>
        %swap3A_607 = arith.constant 0 : i32
        %swap3A_608 = arith.index_cast %swap3A_607 : i32 to index
        %swap3A_609 = arith.constant 416 : index
        %swap3A_610 = tpu.vector_load %arg17[%swap3A_608, %swap3A_609] {strides = array<i32>} : memref<1x512xf32, #tpu.memory_space<vmem>>, vector<16xf32>,
        tpu.vector_store %arg17[%swap3A_608, %swap3A_609], %mul3A_606 {add = true, strides = array<i32>} : memref<1x512xf32, #tpu.memory_space<vmem>>, vector<16xf32>,
        %get3A_611 = arith.index_cast %and3A_334 : i32 to index
        %get3A_612 = arith.index_cast %scan3A_363 : i32 to index
        %get3A_613 = arith.constant 432 : index
        %get3A_614 = tpu.vector_load %arg16[%get3A_611, %get3A_612, %get3A_613] {strides = array<i32>} : memref<2x64x512xf32, #tpu.memory_space<vmem>>, vector<16xf32>,
        %mul3A_615 = arith.mulf %get3A_614, %gather3A : vector<16xf32>
        %swap3A_616 = arith.constant 0 : i32
        %swap3A_617 = arith.index_cast %swap3A_616 : i32 to index
        %swap3A_618 = arith.constant 432 : index
        %swap3A_619 = tpu.vector_load %arg17[%swap3A_617, %swap3A_618] {strides = array<i32>} : memref<1x512xf32, #tpu.memory_space<vmem>>, vector<16xf32>,
        tpu.vector_store %arg17[%swap3A_617, %swap3A_618], %mul3A_615 {add = true, strides = array<i32>} : memref<1x512xf32, #tpu.memory_space<vmem>>, vector<16xf32>,
        %get3A_620 = arith.index_cast %and3A_334 : i32 to index
        %get3A_621 = arith.index_cast %scan3A_363 : i32 to index
        %get3A_622 = arith.constant 448 : index
        %get3A_623 = tpu.vector_load %arg16[%get3A_620, %get3A_621, %get3A_622] {strides = array<i32>} : memref<2x64x512xf32, #tpu.memory_space<vmem>>, vector<16xf32>,
        %mul3A_624 = arith.mulf %get3A_623, %gather3A : vector<16xf32>
        %swap3A_625 = arith.constant 0 : i32
        %swap3A_626 = arith.index_cast %swap3A_625 : i32 to index
        %swap3A_627 = arith.constant 448 : index
        %swap3A_628 = tpu.vector_load %arg17[%swap3A_626, %swap3A_627] {strides = array<i32>} : memref<1x512xf32, #tpu.memory_space<vmem>>, vector<16xf32>,
        tpu.vector_store %arg17[%swap3A_626, %swap3A_627], %mul3A_624 {add = true, strides = array<i32>} : memref<1x512xf32, #tpu.memory_space<vmem>>, vector<16xf32>,
        %get3A_629 = arith.index_cast %and3A_334 : i32 to index
        %get3A_630 = arith.index_cast %scan3A_363 : i32 to index
        %get3A_631 = arith.constant 464 : index
        %get3A_632 = tpu.vector_load %arg16[%get3A_629, %get3A_630, %get3A_631] {strides = array<i32>} : memref<2x64x512xf32, #tpu.memory_space<vmem>>, vector<16xf32>,
        %mul3A_633 = arith.mulf %get3A_632, %gather3A : vector<16xf32>
        %swap3A_634 = arith.constant 0 : i32
        %swap3A_635 = arith.index_cast %swap3A_634 : i32 to index
        %swap3A_636 = arith.constant 464 : index
        %swap3A_637 = tpu.vector_load %arg17[%swap3A_635, %swap3A_636] {strides = array<i32>} : memref<1x512xf32, #tpu.memory_space<vmem>>, vector<16xf32>,
        tpu.vector_store %arg17[%swap3A_635, %swap3A_636], %mul3A_633 {add = true, strides = array<i32>} : memref<1x512xf32, #tpu.memory_space<vmem>>, vector<16xf32>,
        %get3A_638 = arith.index_cast %and3A_334 : i32 to index
        %get3A_639 = arith.index_cast %scan3A_363 : i32 to index
        %get3A_640 = arith.constant 480 : index
        %get3A_641 = tpu.vector_load %arg16[%get3A_638, %get3A_639, %get3A_640] {strides = array<i32>} : memref<2x64x512xf32, #tpu.memory_space<vmem>>, vector<16xf32>,
        %mul3A_642 = arith.mulf %get3A_641, %gather3A : vector<16xf32>
        %swap3A_643 = arith.constant 0 : i32
        %swap3A_644 = arith.index_cast %swap3A_643 : i32 to index
        %swap3A_645 = arith.constant 480 : index
        %swap3A_646 = tpu.vector_load %arg17[%swap3A_644, %swap3A_645] {strides = array<i32>} : memref<1x512xf32, #tpu.memory_space<vmem>>, vector<16xf32>,
        tpu.vector_store %arg17[%swap3A_644, %swap3A_645], %mul3A_642 {add = true, strides = array<i32>} : memref<1x512xf32, #tpu.memory_space<vmem>>, vector<16xf32>,
        %get3A_647 = arith.index_cast %and3A_334 : i32 to index
        %get3A_648 = arith.index_cast %scan3A_363 : i32 to index
        %get3A_649 = arith.constant 496 : index
        %get3A_650 = tpu.vector_load %arg16[%get3A_647, %get3A_648, %get3A_649] {strides = array<i32>} : memref<2x64x512xf32, #tpu.memory_space<vmem>>, vector<16xf32>,
        %mul3A_651 = arith.mulf %get3A_650, %gather3A : vector<16xf32>
        %swap3A_652 = arith.constant 0 : i32
        %swap3A_653 = arith.index_cast %swap3A_652 : i32 to index
        %swap3A_654 = arith.constant 496 : index
        %swap3A_655 = tpu.vector_load %arg17[%swap3A_653, %swap3A_654] {strides = array<i32>} : memref<1x512xf32, #tpu.memory_space<vmem>>, vector<16xf32>,
        tpu.vector_store %arg17[%swap3A_653, %swap3A_654], %mul3A_651 {add = true, strides = array<i32>} : memref<1x512xf32, #tpu.memory_space<vmem>>, vector<16xf32>,
      }
      %scan3A_362 = arith.constant 64 : i32
    }
    %scan3A_326 = arith.constant 26 : i32
    "tpu.region"() ({
      %run_scoped3A = tpu.sem_alloc : memref<!tpu.dma_semaphore, #tpu.memory_space<semaphore_mem>>
      %dma_start3A_332 = arith.constant 0 : i32
      %dma_start3A_333 = arith.constant 0 : i32
      %dma_start3A_334 = tpu.memref_slice %arg23[%arg1, %dma_start3A_332, %dma_start3A_333] : memref<16x1x512xf32, #tpu.memory_space<vmem_shared>> -> memref<1x1x512xf32, #tpu.memory_space<vmem_shared>>
      %dma_start3A_335 = tpu.memref_squeeze %dma_start3A_334 : memref<1x1x512xf32, #tpu.memory_space<vmem_shared>> -> memref<1x512xf32, #tpu.memory_space<vmem_shared>>
      %dma_start3A_336 = arith.constant 0 : i32
      %dma_start3A_337 = arith.constant 0 : i32
      %dma_start3A_338 = tpu.memref_slice %arg23[%arg1, %dma_start3A_336, %dma_start3A_337] : memref<16x1x512xf32, #tpu.memory_space<vmem_shared>> -> memref<1x1x512xf32, #tpu.memory_space<vmem_shared>>
      %dma_start3A_339 = tpu.memref_squeeze %dma_start3A_338 : memref<1x1x512xf32, #tpu.memory_space<vmem_shared>> -> memref<1x512xf32, #tpu.memory_space<vmem_shared>>
      tpu.enqueue_dma source(%arg17 : memref<1x512xf32, #tpu.memory_space<vmem>>) target(%dma_start3A_339 : memref<1x512xf32, #tpu.memory_space<vmem_shared>>) target_semaphore(%run_scoped3A : memref<!tpu.dma_semaphore, #tpu.memory_space<semaphore_mem>>)
      %dma_wait3A_340 = arith.constant 0 : i32
      %dma_wait3A_341 = arith.constant 0 : i32
      %dma_wait3A_342 = tpu.memref_slice %arg23[%arg1, %dma_wait3A_340, %dma_wait3A_341] : memref<16x1x512xf32, #tpu.memory_space<vmem_shared>> -> memref<1x1x512xf32, #tpu.memory_space<vmem_shared>>
      %dma_wait3A_343 = tpu.memref_squeeze %dma_wait3A_342 : memref<1x1x512xf32, #tpu.memory_space<vmem_shared>> -> memref<1x512xf32, #tpu.memory_space<vmem_shared>>
      %dma_wait3A_344 = arith.constant 0 : i32
      %dma_wait3A_345 = arith.constant 0 : i32
      %dma_wait3A_346 = tpu.memref_slice %arg23[%arg1, %dma_wait3A_344, %dma_wait3A_345] : memref<16x1x512xf32, #tpu.memory_space<vmem_shared>> -> memref<1x1x512xf32, #tpu.memory_space<vmem_shared>>
      %dma_wait3A_347 = tpu.memref_squeeze %dma_wait3A_346 : memref<1x1x512xf32, #tpu.memory_space<vmem_shared>> -> memref<1x512xf32, #tpu.memory_space<vmem_shared>>
      tpu.wait_dma2 semaphore(%run_scoped3A : memref<!tpu.dma_semaphore, #tpu.memory_space<semaphore_mem>>) src(%arg17 : memref<1x512xf32, #tpu.memory_space<vmem>>) dst(%dma_wait3A_347 : memref<1x512xf32, #tpu.memory_space<vmem_shared>>)
      tpu.yield
    }) : () -> ()
    %barrier3A = arith.constant 0 : index
    tpu.barrier barrier_id(%barrier3A)
    %eq3A_327 = arith.constant 0 : i32
    %eq3A_328 = arith.cmpi eq, %select_n3A_33, %eq3A_327 : i32
    %convert_element_type3A_329 = arith.extui %eq3A_328 : i1 to i32
    %cond3A_330 = arith.constant 0 : i32
    %cond3A_331 = arith.cmpi ne, %convert_element_type3A_329, %cond3A_330 : i32
    scf.if %cond3A_331 {
      %add3A_332 = arith.constant 1 : i32
      %add3A_333 = arith.addi %arg1, %add3A_332 : i32
      "tpu.region"() ({
        %run_scoped3A = tpu.sem_alloc : memref<!tpu.dma_semaphore, #tpu.memory_space<semaphore_mem>>
        %dma_start3A_750 = arith.constant 0 : i32
        %dma_start3A_751 = arith.constant 0 : i32
        %dma_start3A_752 = tpu.memref_slice %arg18[%dma_start3A_750, %dma_start3A_751] : memref<1x4096xf32, #tpu.memory_space<vmem>> -> memref<1x512xf32, #tpu.memory_space<vmem>>
        %dma_start3A_753 = arith.constant 0 : i32
        %dma_start3A_754 = arith.constant 0 : i32
        %dma_start3A_755 = tpu.memref_slice %arg23[%add3A_333, %dma_start3A_753, %dma_start3A_754] : memref<16x1x512xf32, #tpu.memory_space<vmem_shared>> -> memref<1x1x512xf32, #tpu.memory_space<vmem_shared>>
        %dma_start3A_756 = tpu.memref_squeeze %dma_start3A_755 : memref<1x1x512xf32, #tpu.memory_space<vmem_shared>> -> memref<1x512xf32, #tpu.memory_space<vmem_shared>>
        %dma_start3A_757 = arith.constant 0 : i32
        %dma_start3A_758 = arith.constant 0 : i32
        %dma_start3A_759 = tpu.memref_slice %arg18[%dma_start3A_757, %dma_start3A_758] : memref<1x4096xf32, #tpu.memory_space<vmem>> -> memref<1x512xf32, #tpu.memory_space<vmem>>
        %dma_start3A_760 = arith.constant 0 : i32
        %dma_start3A_761 = arith.constant 0 : i32
        %dma_start3A_762 = tpu.memref_slice %arg23[%add3A_333, %dma_start3A_760, %dma_start3A_761] : memref<16x1x512xf32, #tpu.memory_space<vmem_shared>> -> memref<1x1x512xf32, #tpu.memory_space<vmem_shared>>
        %dma_start3A_763 = tpu.memref_squeeze %dma_start3A_762 : memref<1x1x512xf32, #tpu.memory_space<vmem_shared>> -> memref<1x512xf32, #tpu.memory_space<vmem_shared>>
        tpu.enqueue_dma source(%dma_start3A_763 : memref<1x512xf32, #tpu.memory_space<vmem_shared>>) target(%dma_start3A_759 : memref<1x512xf32, #tpu.memory_space<vmem>>) target_semaphore(%run_scoped3A : memref<!tpu.dma_semaphore, #tpu.memory_space<semaphore_mem>>)
        %dma_wait3A_764 = arith.constant 0 : i32
        %dma_wait3A_765 = arith.constant 0 : i32
        %dma_wait3A_766 = tpu.memref_slice %arg18[%dma_wait3A_764, %dma_wait3A_765] : memref<1x4096xf32, #tpu.memory_space<vmem>> -> memref<1x512xf32, #tpu.memory_space<vmem>>
        %dma_wait3A_767 = arith.constant 0 : i32
        %dma_wait3A_768 = arith.constant 0 : i32
        %dma_wait3A_769 = tpu.memref_slice %arg23[%add3A_333, %dma_wait3A_767, %dma_wait3A_768] : memref<16x1x512xf32, #tpu.memory_space<vmem_shared>> -> memref<1x1x512xf32, #tpu.memory_space<vmem_shared>>
        %dma_wait3A_770 = tpu.memref_squeeze %dma_wait3A_769 : memref<1x1x512xf32, #tpu.memory_space<vmem_shared>> -> memref<1x512xf32, #tpu.memory_space<vmem_shared>>
        %dma_wait3A_771 = arith.constant 0 : i32
        %dma_wait3A_772 = arith.constant 0 : i32
        %dma_wait3A_773 = tpu.memref_slice %arg18[%dma_wait3A_771, %dma_wait3A_772] : memref<1x4096xf32, #tpu.memory_space<vmem>> -> memref<1x512xf32, #tpu.memory_space<vmem>>
        %dma_wait3A_774 = arith.constant 0 : i32
        %dma_wait3A_775 = arith.constant 0 : i32
        %dma_wait3A_776 = tpu.memref_slice %arg23[%add3A_333, %dma_wait3A_774, %dma_wait3A_775] : memref<16x1x512xf32, #tpu.memory_space<vmem_shared>> -> memref<1x1x512xf32, #tpu.memory_space<vmem_shared>>
        %dma_wait3A_777 = tpu.memref_squeeze %dma_wait3A_776 : memref<1x1x512xf32, #tpu.memory_space<vmem_shared>> -> memref<1x512xf32, #tpu.memory_space<vmem_shared>>
        tpu.wait_dma2 semaphore(%run_scoped3A : memref<!tpu.dma_semaphore, #tpu.memory_space<semaphore_mem>>) src(%dma_wait3A_777 : memref<1x512xf32, #tpu.memory_space<vmem_shared>>) dst(%dma_wait3A_773 : memref<1x512xf32, #tpu.memory_space<vmem>>)
        tpu.yield
      }) : () -> ()
      %get3A_334 = arith.constant 0 : i32
      %get3A_335 = arith.index_cast %get3A_334 : i32 to index
      %get3A_336 = arith.constant 0 : index
      %get3A_337 = tpu.vector_load %arg17[%get3A_335, %get3A_336] {strides = array<i32>} : memref<1x512xf32, #tpu.memory_space<vmem>>, vector<16xf32>,
      %get3A_338 = arith.constant 0 : i32
      %get3A_339 = arith.index_cast %get3A_338 : i32 to index
      %get3A_340 = arith.constant 0 : index
      %get3A_341 = tpu.vector_load %arg18[%get3A_339, %get3A_340] {strides = array<i32>} : memref<1x4096xf32, #tpu.memory_space<vmem>>, vector<16xf32>,
      %add3A_342 = arith.addf %get3A_337, %get3A_341 : vector<16xf32>
      %swap3A_343 = arith.constant 0 : i32
      %swap3A_344 = arith.index_cast %swap3A_343 : i32 to index
      %swap3A_345 = arith.constant 0 : index
      %swap3A_346 = tpu.vector_load %arg17[%swap3A_344, %swap3A_345] {strides = array<i32>} : memref<1x512xf32, #tpu.memory_space<vmem>>, vector<16xf32>,
      tpu.vector_store %arg17[%swap3A_344, %swap3A_345], %add3A_342 {strides = array<i32>} : memref<1x512xf32, #tpu.memory_space<vmem>>, vector<16xf32>,
      %get3A_347 = arith.constant 0 : i32
      %get3A_348 = arith.index_cast %get3A_347 : i32 to index
      %get3A_349 = arith.constant 16 : index
      %get3A_350 = tpu.vector_load %arg17[%get3A_348, %get3A_349] {strides = array<i32>} : memref<1x512xf32, #tpu.memory_space<vmem>>, vector<16xf32>,
      %get3A_351 = arith.constant 0 : i32
      %get3A_352 = arith.index_cast %get3A_351 : i32 to index
      %get3A_353 = arith.constant 16 : index
      %get3A_354 = tpu.vector_load %arg18[%get3A_352, %get3A_353] {strides = array<i32>} : memref<1x4096xf32, #tpu.memory_space<vmem>>, vector<16xf32>,
      %add3A_355 = arith.addf %get3A_350, %get3A_354 : vector<16xf32>
      %swap3A_356 = arith.constant 0 : i32
      %swap3A_357 = arith.index_cast %swap3A_356 : i32 to index
      %swap3A_358 = arith.constant 16 : index
      %swap3A_359 = tpu.vector_load %arg17[%swap3A_357, %swap3A_358] {strides = array<i32>} : memref<1x512xf32, #tpu.memory_space<vmem>>, vector<16xf32>,
      tpu.vector_store %arg17[%swap3A_357, %swap3A_358], %add3A_355 {strides = array<i32>} : memref<1x512xf32, #tpu.memory_space<vmem>>, vector<16xf32>,
      %get3A_360 = arith.constant 0 : i32
      %get3A_361 = arith.index_cast %get3A_360 : i32 to index
      %get3A_362 = arith.constant 32 : index
      %get3A_363 = tpu.vector_load %arg17[%get3A_361, %get3A_362] {strides = array<i32>} : memref<1x512xf32, #tpu.memory_space<vmem>>, vector<16xf32>,
      %get3A_364 = arith.constant 0 : i32
      %get3A_365 = arith.index_cast %get3A_364 : i32 to index
      %get3A_366 = arith.constant 32 : index
      %get3A_367 = tpu.vector_load %arg18[%get3A_365, %get3A_366] {strides = array<i32>} : memref<1x4096xf32, #tpu.memory_space<vmem>>, vector<16xf32>,
      %add3A_368 = arith.addf %get3A_363, %get3A_367 : vector<16xf32>
      %swap3A_369 = arith.constant 0 : i32
      %swap3A_370 = arith.index_cast %swap3A_369 : i32 to index
      %swap3A_371 = arith.constant 32 : index
      %swap3A_372 = tpu.vector_load %arg17[%swap3A_370, %swap3A_371] {strides = array<i32>} : memref<1x512xf32, #tpu.memory_space<vmem>>, vector<16xf32>,
      tpu.vector_store %arg17[%swap3A_370, %swap3A_371], %add3A_368 {strides = array<i32>} : memref<1x512xf32, #tpu.memory_space<vmem>>, vector<16xf32>,
      %get3A_373 = arith.constant 0 : i32
      %get3A_374 = arith.index_cast %get3A_373 : i32 to index
      %get3A_375 = arith.constant 48 : index
      %get3A_376 = tpu.vector_load %arg17[%get3A_374, %get3A_375] {strides = array<i32>} : memref<1x512xf32, #tpu.memory_space<vmem>>, vector<16xf32>,
      %get3A_377 = arith.constant 0 : i32
      %get3A_378 = arith.index_cast %get3A_377 : i32 to index
      %get3A_379 = arith.constant 48 : index
      %get3A_380 = tpu.vector_load %arg18[%get3A_378, %get3A_379] {strides = array<i32>} : memref<1x4096xf32, #tpu.memory_space<vmem>>, vector<16xf32>,
      %add3A_381 = arith.addf %get3A_376, %get3A_380 : vector<16xf32>
      %swap3A_382 = arith.constant 0 : i32
      %swap3A_383 = arith.index_cast %swap3A_382 : i32 to index
      %swap3A_384 = arith.constant 48 : index
      %swap3A_385 = tpu.vector_load %arg17[%swap3A_383, %swap3A_384] {strides = array<i32>} : memref<1x512xf32, #tpu.memory_space<vmem>>, vector<16xf32>,
      tpu.vector_store %arg17[%swap3A_383, %swap3A_384], %add3A_381 {strides = array<i32>} : memref<1x512xf32, #tpu.memory_space<vmem>>, vector<16xf32>,
      %get3A_386 = arith.constant 0 : i32
      %get3A_387 = arith.index_cast %get3A_386 : i32 to index
      %get3A_388 = arith.constant 64 : index
      %get3A_389 = tpu.vector_load %arg17[%get3A_387, %get3A_388] {strides = array<i32>} : memref<1x512xf32, #tpu.memory_space<vmem>>, vector<16xf32>,
      %get3A_390 = arith.constant 0 : i32
      %get3A_391 = arith.index_cast %get3A_390 : i32 to index
      %get3A_392 = arith.constant 64 : index
      %get3A_393 = tpu.vector_load %arg18[%get3A_391, %get3A_392] {strides = array<i32>} : memref<1x4096xf32, #tpu.memory_space<vmem>>, vector<16xf32>,
      %add3A_394 = arith.addf %get3A_389, %get3A_393 : vector<16xf32>
      %swap3A_395 = arith.constant 0 : i32
      %swap3A_396 = arith.index_cast %swap3A_395 : i32 to index
      %swap3A_397 = arith.constant 64 : index
      %swap3A_398 = tpu.vector_load %arg17[%swap3A_396, %swap3A_397] {strides = array<i32>} : memref<1x512xf32, #tpu.memory_space<vmem>>, vector<16xf32>,
      tpu.vector_store %arg17[%swap3A_396, %swap3A_397], %add3A_394 {strides = array<i32>} : memref<1x512xf32, #tpu.memory_space<vmem>>, vector<16xf32>,
      %get3A_399 = arith.constant 0 : i32
      %get3A_400 = arith.index_cast %get3A_399 : i32 to index
      %get3A_401 = arith.constant 80 : index
      %get3A_402 = tpu.vector_load %arg17[%get3A_400, %get3A_401] {strides = array<i32>} : memref<1x512xf32, #tpu.memory_space<vmem>>, vector<16xf32>,
      %get3A_403 = arith.constant 0 : i32
      %get3A_404 = arith.index_cast %get3A_403 : i32 to index
      %get3A_405 = arith.constant 80 : index
      %get3A_406 = tpu.vector_load %arg18[%get3A_404, %get3A_405] {strides = array<i32>} : memref<1x4096xf32, #tpu.memory_space<vmem>>, vector<16xf32>,
      %add3A_407 = arith.addf %get3A_402, %get3A_406 : vector<16xf32>
      %swap3A_408 = arith.constant 0 : i32
      %swap3A_409 = arith.index_cast %swap3A_408 : i32 to index
      %swap3A_410 = arith.constant 80 : index
      %swap3A_411 = tpu.vector_load %arg17[%swap3A_409, %swap3A_410] {strides = array<i32>} : memref<1x512xf32, #tpu.memory_space<vmem>>, vector<16xf32>,
      tpu.vector_store %arg17[%swap3A_409, %swap3A_410], %add3A_407 {strides = array<i32>} : memref<1x512xf32, #tpu.memory_space<vmem>>, vector<16xf32>,
      %get3A_412 = arith.constant 0 : i32
      %get3A_413 = arith.index_cast %get3A_412 : i32 to index
      %get3A_414 = arith.constant 96 : index
      %get3A_415 = tpu.vector_load %arg17[%get3A_413, %get3A_414] {strides = array<i32>} : memref<1x512xf32, #tpu.memory_space<vmem>>, vector<16xf32>,
      %get3A_416 = arith.constant 0 : i32
      %get3A_417 = arith.index_cast %get3A_416 : i32 to index
      %get3A_418 = arith.constant 96 : index
      %get3A_419 = tpu.vector_load %arg18[%get3A_417, %get3A_418] {strides = array<i32>} : memref<1x4096xf32, #tpu.memory_space<vmem>>, vector<16xf32>,
      %add3A_420 = arith.addf %get3A_415, %get3A_419 : vector<16xf32>
      %swap3A_421 = arith.constant 0 : i32
      %swap3A_422 = arith.index_cast %swap3A_421 : i32 to index
      %swap3A_423 = arith.constant 96 : index
      %swap3A_424 = tpu.vector_load %arg17[%swap3A_422, %swap3A_423] {strides = array<i32>} : memref<1x512xf32, #tpu.memory_space<vmem>>, vector<16xf32>,
      tpu.vector_store %arg17[%swap3A_422, %swap3A_423], %add3A_420 {strides = array<i32>} : memref<1x512xf32, #tpu.memory_space<vmem>>, vector<16xf32>,
      %get3A_425 = arith.constant 0 : i32
      %get3A_426 = arith.index_cast %get3A_425 : i32 to index
      %get3A_427 = arith.constant 112 : index
      %get3A_428 = tpu.vector_load %arg17[%get3A_426, %get3A_427] {strides = array<i32>} : memref<1x512xf32, #tpu.memory_space<vmem>>, vector<16xf32>,
      %get3A_429 = arith.constant 0 : i32
      %get3A_430 = arith.index_cast %get3A_429 : i32 to index
      %get3A_431 = arith.constant 112 : index
      %get3A_432 = tpu.vector_load %arg18[%get3A_430, %get3A_431] {strides = array<i32>} : memref<1x4096xf32, #tpu.memory_space<vmem>>, vector<16xf32>,
      %add3A_433 = arith.addf %get3A_428, %get3A_432 : vector<16xf32>
      %swap3A_434 = arith.constant 0 : i32
      %swap3A_435 = arith.index_cast %swap3A_434 : i32 to index
      %swap3A_436 = arith.constant 112 : index
      %swap3A_437 = tpu.vector_load %arg17[%swap3A_435, %swap3A_436] {strides = array<i32>} : memref<1x512xf32, #tpu.memory_space<vmem>>, vector<16xf32>,
      tpu.vector_store %arg17[%swap3A_435, %swap3A_436], %add3A_433 {strides = array<i32>} : memref<1x512xf32, #tpu.memory_space<vmem>>, vector<16xf32>,
      %get3A_438 = arith.constant 0 : i32
      %get3A_439 = arith.index_cast %get3A_438 : i32 to index
      %get3A_440 = arith.constant 128 : index
      %get3A_441 = tpu.vector_load %arg17[%get3A_439, %get3A_440] {strides = array<i32>} : memref<1x512xf32, #tpu.memory_space<vmem>>, vector<16xf32>,
      %get3A_442 = arith.constant 0 : i32
      %get3A_443 = arith.index_cast %get3A_442 : i32 to index
      %get3A_444 = arith.constant 128 : index
      %get3A_445 = tpu.vector_load %arg18[%get3A_443, %get3A_444] {strides = array<i32>} : memref<1x4096xf32, #tpu.memory_space<vmem>>, vector<16xf32>,
      %add3A_446 = arith.addf %get3A_441, %get3A_445 : vector<16xf32>
      %swap3A_447 = arith.constant 0 : i32
      %swap3A_448 = arith.index_cast %swap3A_447 : i32 to index
      %swap3A_449 = arith.constant 128 : index
      %swap3A_450 = tpu.vector_load %arg17[%swap3A_448, %swap3A_449] {strides = array<i32>} : memref<1x512xf32, #tpu.memory_space<vmem>>, vector<16xf32>,
      tpu.vector_store %arg17[%swap3A_448, %swap3A_449], %add3A_446 {strides = array<i32>} : memref<1x512xf32, #tpu.memory_space<vmem>>, vector<16xf32>,
      %get3A_451 = arith.constant 0 : i32
      %get3A_452 = arith.index_cast %get3A_451 : i32 to index
      %get3A_453 = arith.constant 144 : index
      %get3A_454 = tpu.vector_load %arg17[%get3A_452, %get3A_453] {strides = array<i32>} : memref<1x512xf32, #tpu.memory_space<vmem>>, vector<16xf32>,
      %get3A_455 = arith.constant 0 : i32
      %get3A_456 = arith.index_cast %get3A_455 : i32 to index
      %get3A_457 = arith.constant 144 : index
      %get3A_458 = tpu.vector_load %arg18[%get3A_456, %get3A_457] {strides = array<i32>} : memref<1x4096xf32, #tpu.memory_space<vmem>>, vector<16xf32>,
      %add3A_459 = arith.addf %get3A_454, %get3A_458 : vector<16xf32>
      %swap3A_460 = arith.constant 0 : i32
      %swap3A_461 = arith.index_cast %swap3A_460 : i32 to index
      %swap3A_462 = arith.constant 144 : index
      %swap3A_463 = tpu.vector_load %arg17[%swap3A_461, %swap3A_462] {strides = array<i32>} : memref<1x512xf32, #tpu.memory_space<vmem>>, vector<16xf32>,
      tpu.vector_store %arg17[%swap3A_461, %swap3A_462], %add3A_459 {strides = array<i32>} : memref<1x512xf32, #tpu.memory_space<vmem>>, vector<16xf32>,
      %get3A_464 = arith.constant 0 : i32
      %get3A_465 = arith.index_cast %get3A_464 : i32 to index
      %get3A_466 = arith.constant 160 : index
      %get3A_467 = tpu.vector_load %arg17[%get3A_465, %get3A_466] {strides = array<i32>} : memref<1x512xf32, #tpu.memory_space<vmem>>, vector<16xf32>,
      %get3A_468 = arith.constant 0 : i32
      %get3A_469 = arith.index_cast %get3A_468 : i32 to index
      %get3A_470 = arith.constant 160 : index
      %get3A_471 = tpu.vector_load %arg18[%get3A_469, %get3A_470] {strides = array<i32>} : memref<1x4096xf32, #tpu.memory_space<vmem>>, vector<16xf32>,
      %add3A_472 = arith.addf %get3A_467, %get3A_471 : vector<16xf32>
      %swap3A_473 = arith.constant 0 : i32
      %swap3A_474 = arith.index_cast %swap3A_473 : i32 to index
      %swap3A_475 = arith.constant 160 : index
      %swap3A_476 = tpu.vector_load %arg17[%swap3A_474, %swap3A_475] {strides = array<i32>} : memref<1x512xf32, #tpu.memory_space<vmem>>, vector<16xf32>,
      tpu.vector_store %arg17[%swap3A_474, %swap3A_475], %add3A_472 {strides = array<i32>} : memref<1x512xf32, #tpu.memory_space<vmem>>, vector<16xf32>,
      %get3A_477 = arith.constant 0 : i32
      %get3A_478 = arith.index_cast %get3A_477 : i32 to index
      %get3A_479 = arith.constant 176 : index
      %get3A_480 = tpu.vector_load %arg17[%get3A_478, %get3A_479] {strides = array<i32>} : memref<1x512xf32, #tpu.memory_space<vmem>>, vector<16xf32>,
      %get3A_481 = arith.constant 0 : i32
      %get3A_482 = arith.index_cast %get3A_481 : i32 to index
      %get3A_483 = arith.constant 176 : index
      %get3A_484 = tpu.vector_load %arg18[%get3A_482, %get3A_483] {strides = array<i32>} : memref<1x4096xf32, #tpu.memory_space<vmem>>, vector<16xf32>,
      %add3A_485 = arith.addf %get3A_480, %get3A_484 : vector<16xf32>
      %swap3A_486 = arith.constant 0 : i32
      %swap3A_487 = arith.index_cast %swap3A_486 : i32 to index
      %swap3A_488 = arith.constant 176 : index
      %swap3A_489 = tpu.vector_load %arg17[%swap3A_487, %swap3A_488] {strides = array<i32>} : memref<1x512xf32, #tpu.memory_space<vmem>>, vector<16xf32>,
      tpu.vector_store %arg17[%swap3A_487, %swap3A_488], %add3A_485 {strides = array<i32>} : memref<1x512xf32, #tpu.memory_space<vmem>>, vector<16xf32>,
      %get3A_490 = arith.constant 0 : i32
      %get3A_491 = arith.index_cast %get3A_490 : i32 to index
      %get3A_492 = arith.constant 192 : index
      %get3A_493 = tpu.vector_load %arg17[%get3A_491, %get3A_492] {strides = array<i32>} : memref<1x512xf32, #tpu.memory_space<vmem>>, vector<16xf32>,
      %get3A_494 = arith.constant 0 : i32
      %get3A_495 = arith.index_cast %get3A_494 : i32 to index
      %get3A_496 = arith.constant 192 : index
      %get3A_497 = tpu.vector_load %arg18[%get3A_495, %get3A_496] {strides = array<i32>} : memref<1x4096xf32, #tpu.memory_space<vmem>>, vector<16xf32>,
      %add3A_498 = arith.addf %get3A_493, %get3A_497 : vector<16xf32>
      %swap3A_499 = arith.constant 0 : i32
      %swap3A_500 = arith.index_cast %swap3A_499 : i32 to index
      %swap3A_501 = arith.constant 192 : index
      %swap3A_502 = tpu.vector_load %arg17[%swap3A_500, %swap3A_501] {strides = array<i32>} : memref<1x512xf32, #tpu.memory_space<vmem>>, vector<16xf32>,
      tpu.vector_store %arg17[%swap3A_500, %swap3A_501], %add3A_498 {strides = array<i32>} : memref<1x512xf32, #tpu.memory_space<vmem>>, vector<16xf32>,
      %get3A_503 = arith.constant 0 : i32
      %get3A_504 = arith.index_cast %get3A_503 : i32 to index
      %get3A_505 = arith.constant 208 : index
      %get3A_506 = tpu.vector_load %arg17[%get3A_504, %get3A_505] {strides = array<i32>} : memref<1x512xf32, #tpu.memory_space<vmem>>, vector<16xf32>,
      %get3A_507 = arith.constant 0 : i32
      %get3A_508 = arith.index_cast %get3A_507 : i32 to index
      %get3A_509 = arith.constant 208 : index
      %get3A_510 = tpu.vector_load %arg18[%get3A_508, %get3A_509] {strides = array<i32>} : memref<1x4096xf32, #tpu.memory_space<vmem>>, vector<16xf32>,
      %add3A_511 = arith.addf %get3A_506, %get3A_510 : vector<16xf32>
      %swap3A_512 = arith.constant 0 : i32
      %swap3A_513 = arith.index_cast %swap3A_512 : i32 to index
      %swap3A_514 = arith.constant 208 : index
      %swap3A_515 = tpu.vector_load %arg17[%swap3A_513, %swap3A_514] {strides = array<i32>} : memref<1x512xf32, #tpu.memory_space<vmem>>, vector<16xf32>,
      tpu.vector_store %arg17[%swap3A_513, %swap3A_514], %add3A_511 {strides = array<i32>} : memref<1x512xf32, #tpu.memory_space<vmem>>, vector<16xf32>,
      %get3A_516 = arith.constant 0 : i32
      %get3A_517 = arith.index_cast %get3A_516 : i32 to index
      %get3A_518 = arith.constant 224 : index
      %get3A_519 = tpu.vector_load %arg17[%get3A_517, %get3A_518] {strides = array<i32>} : memref<1x512xf32, #tpu.memory_space<vmem>>, vector<16xf32>,
      %get3A_520 = arith.constant 0 : i32
      %get3A_521 = arith.index_cast %get3A_520 : i32 to index
      %get3A_522 = arith.constant 224 : index
      %get3A_523 = tpu.vector_load %arg18[%get3A_521, %get3A_522] {strides = array<i32>} : memref<1x4096xf32, #tpu.memory_space<vmem>>, vector<16xf32>,
      %add3A_524 = arith.addf %get3A_519, %get3A_523 : vector<16xf32>
      %swap3A_525 = arith.constant 0 : i32
      %swap3A_526 = arith.index_cast %swap3A_525 : i32 to index
      %swap3A_527 = arith.constant 224 : index
      %swap3A_528 = tpu.vector_load %arg17[%swap3A_526, %swap3A_527] {strides = array<i32>} : memref<1x512xf32, #tpu.memory_space<vmem>>, vector<16xf32>,
      tpu.vector_store %arg17[%swap3A_526, %swap3A_527], %add3A_524 {strides = array<i32>} : memref<1x512xf32, #tpu.memory_space<vmem>>, vector<16xf32>,
      %get3A_529 = arith.constant 0 : i32
      %get3A_530 = arith.index_cast %get3A_529 : i32 to index
      %get3A_531 = arith.constant 240 : index
      %get3A_532 = tpu.vector_load %arg17[%get3A_530, %get3A_531] {strides = array<i32>} : memref<1x512xf32, #tpu.memory_space<vmem>>, vector<16xf32>,
      %get3A_533 = arith.constant 0 : i32
      %get3A_534 = arith.index_cast %get3A_533 : i32 to index
      %get3A_535 = arith.constant 240 : index
      %get3A_536 = tpu.vector_load %arg18[%get3A_534, %get3A_535] {strides = array<i32>} : memref<1x4096xf32, #tpu.memory_space<vmem>>, vector<16xf32>,
      %add3A_537 = arith.addf %get3A_532, %get3A_536 : vector<16xf32>
      %swap3A_538 = arith.constant 0 : i32
      %swap3A_539 = arith.index_cast %swap3A_538 : i32 to index
      %swap3A_540 = arith.constant 240 : index
      %swap3A_541 = tpu.vector_load %arg17[%swap3A_539, %swap3A_540] {strides = array<i32>} : memref<1x512xf32, #tpu.memory_space<vmem>>, vector<16xf32>,
      tpu.vector_store %arg17[%swap3A_539, %swap3A_540], %add3A_537 {strides = array<i32>} : memref<1x512xf32, #tpu.memory_space<vmem>>, vector<16xf32>,
      %get3A_542 = arith.constant 0 : i32
      %get3A_543 = arith.index_cast %get3A_542 : i32 to index
      %get3A_544 = arith.constant 256 : index
      %get3A_545 = tpu.vector_load %arg17[%get3A_543, %get3A_544] {strides = array<i32>} : memref<1x512xf32, #tpu.memory_space<vmem>>, vector<16xf32>,
      %get3A_546 = arith.constant 0 : i32
      %get3A_547 = arith.index_cast %get3A_546 : i32 to index
      %get3A_548 = arith.constant 256 : index
      %get3A_549 = tpu.vector_load %arg18[%get3A_547, %get3A_548] {strides = array<i32>} : memref<1x4096xf32, #tpu.memory_space<vmem>>, vector<16xf32>,
      %add3A_550 = arith.addf %get3A_545, %get3A_549 : vector<16xf32>
      %swap3A_551 = arith.constant 0 : i32
      %swap3A_552 = arith.index_cast %swap3A_551 : i32 to index
      %swap3A_553 = arith.constant 256 : index
      %swap3A_554 = tpu.vector_load %arg17[%swap3A_552, %swap3A_553] {strides = array<i32>} : memref<1x512xf32, #tpu.memory_space<vmem>>, vector<16xf32>,
      tpu.vector_store %arg17[%swap3A_552, %swap3A_553], %add3A_550 {strides = array<i32>} : memref<1x512xf32, #tpu.memory_space<vmem>>, vector<16xf32>,
      %get3A_555 = arith.constant 0 : i32
      %get3A_556 = arith.index_cast %get3A_555 : i32 to index
      %get3A_557 = arith.constant 272 : index
      %get3A_558 = tpu.vector_load %arg17[%get3A_556, %get3A_557] {strides = array<i32>} : memref<1x512xf32, #tpu.memory_space<vmem>>, vector<16xf32>,
      %get3A_559 = arith.constant 0 : i32
      %get3A_560 = arith.index_cast %get3A_559 : i32 to index
      %get3A_561 = arith.constant 272 : index
      %get3A_562 = tpu.vector_load %arg18[%get3A_560, %get3A_561] {strides = array<i32>} : memref<1x4096xf32, #tpu.memory_space<vmem>>, vector<16xf32>,
      %add3A_563 = arith.addf %get3A_558, %get3A_562 : vector<16xf32>
      %swap3A_564 = arith.constant 0 : i32
      %swap3A_565 = arith.index_cast %swap3A_564 : i32 to index
      %swap3A_566 = arith.constant 272 : index
      %swap3A_567 = tpu.vector_load %arg17[%swap3A_565, %swap3A_566] {strides = array<i32>} : memref<1x512xf32, #tpu.memory_space<vmem>>, vector<16xf32>,
      tpu.vector_store %arg17[%swap3A_565, %swap3A_566], %add3A_563 {strides = array<i32>} : memref<1x512xf32, #tpu.memory_space<vmem>>, vector<16xf32>,
      %get3A_568 = arith.constant 0 : i32
      %get3A_569 = arith.index_cast %get3A_568 : i32 to index
      %get3A_570 = arith.constant 288 : index
      %get3A_571 = tpu.vector_load %arg17[%get3A_569, %get3A_570] {strides = array<i32>} : memref<1x512xf32, #tpu.memory_space<vmem>>, vector<16xf32>,
      %get3A_572 = arith.constant 0 : i32
      %get3A_573 = arith.index_cast %get3A_572 : i32 to index
      %get3A_574 = arith.constant 288 : index
      %get3A_575 = tpu.vector_load %arg18[%get3A_573, %get3A_574] {strides = array<i32>} : memref<1x4096xf32, #tpu.memory_space<vmem>>, vector<16xf32>,
      %add3A_576 = arith.addf %get3A_571, %get3A_575 : vector<16xf32>
      %swap3A_577 = arith.constant 0 : i32
      %swap3A_578 = arith.index_cast %swap3A_577 : i32 to index
      %swap3A_579 = arith.constant 288 : index
      %swap3A_580 = tpu.vector_load %arg17[%swap3A_578, %swap3A_579] {strides = array<i32>} : memref<1x512xf32, #tpu.memory_space<vmem>>, vector<16xf32>,
      tpu.vector_store %arg17[%swap3A_578, %swap3A_579], %add3A_576 {strides = array<i32>} : memref<1x512xf32, #tpu.memory_space<vmem>>, vector<16xf32>,
      %get3A_581 = arith.constant 0 : i32
      %get3A_582 = arith.index_cast %get3A_581 : i32 to index
      %get3A_583 = arith.constant 304 : index
      %get3A_584 = tpu.vector_load %arg17[%get3A_582, %get3A_583] {strides = array<i32>} : memref<1x512xf32, #tpu.memory_space<vmem>>, vector<16xf32>,
      %get3A_585 = arith.constant 0 : i32
      %get3A_586 = arith.index_cast %get3A_585 : i32 to index
      %get3A_587 = arith.constant 304 : index
      %get3A_588 = tpu.vector_load %arg18[%get3A_586, %get3A_587] {strides = array<i32>} : memref<1x4096xf32, #tpu.memory_space<vmem>>, vector<16xf32>,
      %add3A_589 = arith.addf %get3A_584, %get3A_588 : vector<16xf32>
      %swap3A_590 = arith.constant 0 : i32
      %swap3A_591 = arith.index_cast %swap3A_590 : i32 to index
      %swap3A_592 = arith.constant 304 : index
      %swap3A_593 = tpu.vector_load %arg17[%swap3A_591, %swap3A_592] {strides = array<i32>} : memref<1x512xf32, #tpu.memory_space<vmem>>, vector<16xf32>,
      tpu.vector_store %arg17[%swap3A_591, %swap3A_592], %add3A_589 {strides = array<i32>} : memref<1x512xf32, #tpu.memory_space<vmem>>, vector<16xf32>,
      %get3A_594 = arith.constant 0 : i32
      %get3A_595 = arith.index_cast %get3A_594 : i32 to index
      %get3A_596 = arith.constant 320 : index
      %get3A_597 = tpu.vector_load %arg17[%get3A_595, %get3A_596] {strides = array<i32>} : memref<1x512xf32, #tpu.memory_space<vmem>>, vector<16xf32>,
      %get3A_598 = arith.constant 0 : i32
      %get3A_599 = arith.index_cast %get3A_598 : i32 to index
      %get3A_600 = arith.constant 320 : index
      %get3A_601 = tpu.vector_load %arg18[%get3A_599, %get3A_600] {strides = array<i32>} : memref<1x4096xf32, #tpu.memory_space<vmem>>, vector<16xf32>,
      %add3A_602 = arith.addf %get3A_597, %get3A_601 : vector<16xf32>
      %swap3A_603 = arith.constant 0 : i32
      %swap3A_604 = arith.index_cast %swap3A_603 : i32 to index
      %swap3A_605 = arith.constant 320 : index
      %swap3A_606 = tpu.vector_load %arg17[%swap3A_604, %swap3A_605] {strides = array<i32>} : memref<1x512xf32, #tpu.memory_space<vmem>>, vector<16xf32>,
      tpu.vector_store %arg17[%swap3A_604, %swap3A_605], %add3A_602 {strides = array<i32>} : memref<1x512xf32, #tpu.memory_space<vmem>>, vector<16xf32>,
      %get3A_607 = arith.constant 0 : i32
      %get3A_608 = arith.index_cast %get3A_607 : i32 to index
      %get3A_609 = arith.constant 336 : index
      %get3A_610 = tpu.vector_load %arg17[%get3A_608, %get3A_609] {strides = array<i32>} : memref<1x512xf32, #tpu.memory_space<vmem>>, vector<16xf32>,
      %get3A_611 = arith.constant 0 : i32
      %get3A_612 = arith.index_cast %get3A_611 : i32 to index
      %get3A_613 = arith.constant 336 : index
      %get3A_614 = tpu.vector_load %arg18[%get3A_612, %get3A_613] {strides = array<i32>} : memref<1x4096xf32, #tpu.memory_space<vmem>>, vector<16xf32>,
      %add3A_615 = arith.addf %get3A_610, %get3A_614 : vector<16xf32>
      %swap3A_616 = arith.constant 0 : i32
      %swap3A_617 = arith.index_cast %swap3A_616 : i32 to index
      %swap3A_618 = arith.constant 336 : index
      %swap3A_619 = tpu.vector_load %arg17[%swap3A_617, %swap3A_618] {strides = array<i32>} : memref<1x512xf32, #tpu.memory_space<vmem>>, vector<16xf32>,
      tpu.vector_store %arg17[%swap3A_617, %swap3A_618], %add3A_615 {strides = array<i32>} : memref<1x512xf32, #tpu.memory_space<vmem>>, vector<16xf32>,
      %get3A_620 = arith.constant 0 : i32
      %get3A_621 = arith.index_cast %get3A_620 : i32 to index
      %get3A_622 = arith.constant 352 : index
      %get3A_623 = tpu.vector_load %arg17[%get3A_621, %get3A_622] {strides = array<i32>} : memref<1x512xf32, #tpu.memory_space<vmem>>, vector<16xf32>,
      %get3A_624 = arith.constant 0 : i32
      %get3A_625 = arith.index_cast %get3A_624 : i32 to index
      %get3A_626 = arith.constant 352 : index
      %get3A_627 = tpu.vector_load %arg18[%get3A_625, %get3A_626] {strides = array<i32>} : memref<1x4096xf32, #tpu.memory_space<vmem>>, vector<16xf32>,
      %add3A_628 = arith.addf %get3A_623, %get3A_627 : vector<16xf32>
      %swap3A_629 = arith.constant 0 : i32
      %swap3A_630 = arith.index_cast %swap3A_629 : i32 to index
      %swap3A_631 = arith.constant 352 : index
      %swap3A_632 = tpu.vector_load %arg17[%swap3A_630, %swap3A_631] {strides = array<i32>} : memref<1x512xf32, #tpu.memory_space<vmem>>, vector<16xf32>,
      tpu.vector_store %arg17[%swap3A_630, %swap3A_631], %add3A_628 {strides = array<i32>} : memref<1x512xf32, #tpu.memory_space<vmem>>, vector<16xf32>,
      %get3A_633 = arith.constant 0 : i32
      %get3A_634 = arith.index_cast %get3A_633 : i32 to index
      %get3A_635 = arith.constant 368 : index
      %get3A_636 = tpu.vector_load %arg17[%get3A_634, %get3A_635] {strides = array<i32>} : memref<1x512xf32, #tpu.memory_space<vmem>>, vector<16xf32>,
      %get3A_637 = arith.constant 0 : i32
      %get3A_638 = arith.index_cast %get3A_637 : i32 to index
      %get3A_639 = arith.constant 368 : index
      %get3A_640 = tpu.vector_load %arg18[%get3A_638, %get3A_639] {strides = array<i32>} : memref<1x4096xf32, #tpu.memory_space<vmem>>, vector<16xf32>,
      %add3A_641 = arith.addf %get3A_636, %get3A_640 : vector<16xf32>
      %swap3A_642 = arith.constant 0 : i32
      %swap3A_643 = arith.index_cast %swap3A_642 : i32 to index
      %swap3A_644 = arith.constant 368 : index
      %swap3A_645 = tpu.vector_load %arg17[%swap3A_643, %swap3A_644] {strides = array<i32>} : memref<1x512xf32, #tpu.memory_space<vmem>>, vector<16xf32>,
      tpu.vector_store %arg17[%swap3A_643, %swap3A_644], %add3A_641 {strides = array<i32>} : memref<1x512xf32, #tpu.memory_space<vmem>>, vector<16xf32>,
      %get3A_646 = arith.constant 0 : i32
      %get3A_647 = arith.index_cast %get3A_646 : i32 to index
      %get3A_648 = arith.constant 384 : index
      %get3A_649 = tpu.vector_load %arg17[%get3A_647, %get3A_648] {strides = array<i32>} : memref<1x512xf32, #tpu.memory_space<vmem>>, vector<16xf32>,
      %get3A_650 = arith.constant 0 : i32
      %get3A_651 = arith.index_cast %get3A_650 : i32 to index
      %get3A_652 = arith.constant 384 : index
      %get3A_653 = tpu.vector_load %arg18[%get3A_651, %get3A_652] {strides = array<i32>} : memref<1x4096xf32, #tpu.memory_space<vmem>>, vector<16xf32>,
      %add3A_654 = arith.addf %get3A_649, %get3A_653 : vector<16xf32>
      %swap3A_655 = arith.constant 0 : i32
      %swap3A_656 = arith.index_cast %swap3A_655 : i32 to index
      %swap3A_657 = arith.constant 384 : index
      %swap3A_658 = tpu.vector_load %arg17[%swap3A_656, %swap3A_657] {strides = array<i32>} : memref<1x512xf32, #tpu.memory_space<vmem>>, vector<16xf32>,
      tpu.vector_store %arg17[%swap3A_656, %swap3A_657], %add3A_654 {strides = array<i32>} : memref<1x512xf32, #tpu.memory_space<vmem>>, vector<16xf32>,
      %get3A_659 = arith.constant 0 : i32
      %get3A_660 = arith.index_cast %get3A_659 : i32 to index
      %get3A_661 = arith.constant 400 : index
      %get3A_662 = tpu.vector_load %arg17[%get3A_660, %get3A_661] {strides = array<i32>} : memref<1x512xf32, #tpu.memory_space<vmem>>, vector<16xf32>,
      %get3A_663 = arith.constant 0 : i32
      %get3A_664 = arith.index_cast %get3A_663 : i32 to index
      %get3A_665 = arith.constant 400 : index
      %get3A_666 = tpu.vector_load %arg18[%get3A_664, %get3A_665] {strides = array<i32>} : memref<1x4096xf32, #tpu.memory_space<vmem>>, vector<16xf32>,
      %add3A_667 = arith.addf %get3A_662, %get3A_666 : vector<16xf32>
      %swap3A_668 = arith.constant 0 : i32
      %swap3A_669 = arith.index_cast %swap3A_668 : i32 to index
      %swap3A_670 = arith.constant 400 : index
      %swap3A_671 = tpu.vector_load %arg17[%swap3A_669, %swap3A_670] {strides = array<i32>} : memref<1x512xf32, #tpu.memory_space<vmem>>, vector<16xf32>,
      tpu.vector_store %arg17[%swap3A_669, %swap3A_670], %add3A_667 {strides = array<i32>} : memref<1x512xf32, #tpu.memory_space<vmem>>, vector<16xf32>,
      %get3A_672 = arith.constant 0 : i32
      %get3A_673 = arith.index_cast %get3A_672 : i32 to index
      %get3A_674 = arith.constant 416 : index
      %get3A_675 = tpu.vector_load %arg17[%get3A_673, %get3A_674] {strides = array<i32>} : memref<1x512xf32, #tpu.memory_space<vmem>>, vector<16xf32>,
      %get3A_676 = arith.constant 0 : i32
      %get3A_677 = arith.index_cast %get3A_676 : i32 to index
      %get3A_678 = arith.constant 416 : index
      %get3A_679 = tpu.vector_load %arg18[%get3A_677, %get3A_678] {strides = array<i32>} : memref<1x4096xf32, #tpu.memory_space<vmem>>, vector<16xf32>,
      %add3A_680 = arith.addf %get3A_675, %get3A_679 : vector<16xf32>
      %swap3A_681 = arith.constant 0 : i32
      %swap3A_682 = arith.index_cast %swap3A_681 : i32 to index
      %swap3A_683 = arith.constant 416 : index
      %swap3A_684 = tpu.vector_load %arg17[%swap3A_682, %swap3A_683] {strides = array<i32>} : memref<1x512xf32, #tpu.memory_space<vmem>>, vector<16xf32>,
      tpu.vector_store %arg17[%swap3A_682, %swap3A_683], %add3A_680 {strides = array<i32>} : memref<1x512xf32, #tpu.memory_space<vmem>>, vector<16xf32>,
      %get3A_685 = arith.constant 0 : i32
      %get3A_686 = arith.index_cast %get3A_685 : i32 to index
      %get3A_687 = arith.constant 432 : index
      %get3A_688 = tpu.vector_load %arg17[%get3A_686, %get3A_687] {strides = array<i32>} : memref<1x512xf32, #tpu.memory_space<vmem>>, vector<16xf32>,
      %get3A_689 = arith.constant 0 : i32
      %get3A_690 = arith.index_cast %get3A_689 : i32 to index
      %get3A_691 = arith.constant 432 : index
      %get3A_692 = tpu.vector_load %arg18[%get3A_690, %get3A_691] {strides = array<i32>} : memref<1x4096xf32, #tpu.memory_space<vmem>>, vector<16xf32>,
      %add3A_693 = arith.addf %get3A_688, %get3A_692 : vector<16xf32>
      %swap3A_694 = arith.constant 0 : i32
      %swap3A_695 = arith.index_cast %swap3A_694 : i32 to index
      %swap3A_696 = arith.constant 432 : index
      %swap3A_697 = tpu.vector_load %arg17[%swap3A_695, %swap3A_696] {strides = array<i32>} : memref<1x512xf32, #tpu.memory_space<vmem>>, vector<16xf32>,
      tpu.vector_store %arg17[%swap3A_695, %swap3A_696], %add3A_693 {strides = array<i32>} : memref<1x512xf32, #tpu.memory_space<vmem>>, vector<16xf32>,
      %get3A_698 = arith.constant 0 : i32
      %get3A_699 = arith.index_cast %get3A_698 : i32 to index
      %get3A_700 = arith.constant 448 : index
      %get3A_701 = tpu.vector_load %arg17[%get3A_699, %get3A_700] {strides = array<i32>} : memref<1x512xf32, #tpu.memory_space<vmem>>, vector<16xf32>,
      %get3A_702 = arith.constant 0 : i32
      %get3A_703 = arith.index_cast %get3A_702 : i32 to index
      %get3A_704 = arith.constant 448 : index
      %get3A_705 = tpu.vector_load %arg18[%get3A_703, %get3A_704] {strides = array<i32>} : memref<1x4096xf32, #tpu.memory_space<vmem>>, vector<16xf32>,
      %add3A_706 = arith.addf %get3A_701, %get3A_705 : vector<16xf32>
      %swap3A_707 = arith.constant 0 : i32
      %swap3A_708 = arith.index_cast %swap3A_707 : i32 to index
      %swap3A_709 = arith.constant 448 : index
      %swap3A_710 = tpu.vector_load %arg17[%swap3A_708, %swap3A_709] {strides = array<i32>} : memref<1x512xf32, #tpu.memory_space<vmem>>, vector<16xf32>,
      tpu.vector_store %arg17[%swap3A_708, %swap3A_709], %add3A_706 {strides = array<i32>} : memref<1x512xf32, #tpu.memory_space<vmem>>, vector<16xf32>,
      %get3A_711 = arith.constant 0 : i32
      %get3A_712 = arith.index_cast %get3A_711 : i32 to index
      %get3A_713 = arith.constant 464 : index
      %get3A_714 = tpu.vector_load %arg17[%get3A_712, %get3A_713] {strides = array<i32>} : memref<1x512xf32, #tpu.memory_space<vmem>>, vector<16xf32>,
      %get3A_715 = arith.constant 0 : i32
      %get3A_716 = arith.index_cast %get3A_715 : i32 to index
      %get3A_717 = arith.constant 464 : index
      %get3A_718 = tpu.vector_load %arg18[%get3A_716, %get3A_717] {strides = array<i32>} : memref<1x4096xf32, #tpu.memory_space<vmem>>, vector<16xf32>,
      %add3A_719 = arith.addf %get3A_714, %get3A_718 : vector<16xf32>
      %swap3A_720 = arith.constant 0 : i32
      %swap3A_721 = arith.index_cast %swap3A_720 : i32 to index
      %swap3A_722 = arith.constant 464 : index
      %swap3A_723 = tpu.vector_load %arg17[%swap3A_721, %swap3A_722] {strides = array<i32>} : memref<1x512xf32, #tpu.memory_space<vmem>>, vector<16xf32>,
      tpu.vector_store %arg17[%swap3A_721, %swap3A_722], %add3A_719 {strides = array<i32>} : memref<1x512xf32, #tpu.memory_space<vmem>>, vector<16xf32>,
      %get3A_724 = arith.constant 0 : i32
      %get3A_725 = arith.index_cast %get3A_724 : i32 to index
      %get3A_726 = arith.constant 480 : index
      %get3A_727 = tpu.vector_load %arg17[%get3A_725, %get3A_726] {strides = array<i32>} : memref<1x512xf32, #tpu.memory_space<vmem>>, vector<16xf32>,
      %get3A_728 = arith.constant 0 : i32
      %get3A_729 = arith.index_cast %get3A_728 : i32 to index
      %get3A_730 = arith.constant 480 : index
      %get3A_731 = tpu.vector_load %arg18[%get3A_729, %get3A_730] {strides = array<i32>} : memref<1x4096xf32, #tpu.memory_space<vmem>>, vector<16xf32>,
      %add3A_732 = arith.addf %get3A_727, %get3A_731 : vector<16xf32>
      %swap3A_733 = arith.constant 0 : i32
      %swap3A_734 = arith.index_cast %swap3A_733 : i32 to index
      %swap3A_735 = arith.constant 480 : index
      %swap3A_736 = tpu.vector_load %arg17[%swap3A_734, %swap3A_735] {strides = array<i32>} : memref<1x512xf32, #tpu.memory_space<vmem>>, vector<16xf32>,
      tpu.vector_store %arg17[%swap3A_734, %swap3A_735], %add3A_732 {strides = array<i32>} : memref<1x512xf32, #tpu.memory_space<vmem>>, vector<16xf32>,
      %get3A_737 = arith.constant 0 : i32
      %get3A_738 = arith.index_cast %get3A_737 : i32 to index
      %get3A_739 = arith.constant 496 : index
      %get3A_740 = tpu.vector_load %arg17[%get3A_738, %get3A_739] {strides = array<i32>} : memref<1x512xf32, #tpu.memory_space<vmem>>, vector<16xf32>,
      %get3A_741 = arith.constant 0 : i32
      %get3A_742 = arith.index_cast %get3A_741 : i32 to index
      %get3A_743 = arith.constant 496 : index
      %get3A_744 = tpu.vector_load %arg18[%get3A_742, %get3A_743] {strides = array<i32>} : memref<1x4096xf32, #tpu.memory_space<vmem>>, vector<16xf32>,
      %add3A_745 = arith.addf %get3A_740, %get3A_744 : vector<16xf32>
      %swap3A_746 = arith.constant 0 : i32
      %swap3A_747 = arith.index_cast %swap3A_746 : i32 to index
      %swap3A_748 = arith.constant 496 : index
      %swap3A_749 = tpu.vector_load %arg17[%swap3A_747, %swap3A_748] {strides = array<i32>} : memref<1x512xf32, #tpu.memory_space<vmem>>, vector<16xf32>,
      tpu.vector_store %arg17[%swap3A_747, %swap3A_748], %add3A_745 {strides = array<i32>} : memref<1x512xf32, #tpu.memory_space<vmem>>, vector<16xf32>,
      "tpu.region"() ({
        %run_scoped3A = tpu.sem_alloc : memref<!tpu.dma_semaphore, #tpu.memory_space<semaphore_mem>>
        %dma_start3A_750 = arith.constant 0 : i32
        %dma_start3A_751 = arith.constant 0 : i32
        %dma_start3A_752 = tpu.memref_slice %arg11[%add3A_19, %dma_start3A_750, %dma_start3A_751] : memref<16x1x512xf32, #tpu.memory_space<hbm>> -> memref<1x1x512xf32, #tpu.memory_space<hbm>>
        %dma_start3A_753 = tpu.memref_squeeze %dma_start3A_752 : memref<1x1x512xf32, #tpu.memory_space<hbm>> -> memref<1x512xf32, #tpu.memory_space<hbm>>
        %dma_start3A_754 = arith.constant 0 : i32
        %dma_start3A_755 = arith.constant 0 : i32
        %dma_start3A_756 = tpu.memref_slice %arg11[%add3A_19, %dma_start3A_754, %dma_start3A_755] : memref<16x1x512xf32, #tpu.memory_space<hbm>> -> memref<1x1x512xf32, #tpu.memory_space<hbm>>
        %dma_start3A_757 = tpu.memref_squeeze %dma_start3A_756 : memref<1x1x512xf32, #tpu.memory_space<hbm>> -> memref<1x512xf32, #tpu.memory_space<hbm>>
        tpu.enqueue_dma source(%arg17 : memref<1x512xf32, #tpu.memory_space<vmem>>) target(%dma_start3A_757 : memref<1x512xf32, #tpu.memory_space<hbm>>) target_semaphore(%run_scoped3A : memref<!tpu.dma_semaphore, #tpu.memory_space<semaphore_mem>>)
        %dma_wait3A_758 = arith.constant 0 : i32
        %dma_wait3A_759 = arith.constant 0 : i32
        %dma_wait3A_760 = tpu.memref_slice %arg11[%add3A_19, %dma_wait3A_758, %dma_wait3A_759] : memref<16x1x512xf32, #tpu.memory_space<hbm>> -> memref<1x1x512xf32, #tpu.memory_space<hbm>>
        %dma_wait3A_761 = tpu.memref_squeeze %dma_wait3A_760 : memref<1x1x512xf32, #tpu.memory_space<hbm>> -> memref<1x512xf32, #tpu.memory_space<hbm>>
        %dma_wait3A_762 = arith.constant 0 : i32
        %dma_wait3A_763 = arith.constant 0 : i32
        %dma_wait3A_764 = tpu.memref_slice %arg11[%add3A_19, %dma_wait3A_762, %dma_wait3A_763] : memref<16x1x512xf32, #tpu.memory_space<hbm>> -> memref<1x1x512xf32, #tpu.memory_space<hbm>>
        %dma_wait3A_765 = tpu.memref_squeeze %dma_wait3A_764 : memref<1x1x512xf32, #tpu.memory_space<hbm>> -> memref<1x512xf32, #tpu.memory_space<hbm>>
        tpu.wait_dma2 semaphore(%run_scoped3A : memref<!tpu.dma_semaphore, #tpu.memory_space<semaphore_mem>>) src(%arg17 : memref<1x512xf32, #tpu.memory_space<vmem>>) dst(%dma_wait3A_765 : memref<1x512xf32, #tpu.memory_space<hbm>>)
        tpu.yield
      }) : () -> ()
    } else {
    }
    return
  }
}

</mosaic_0001>

<sc_bundles>
// kernel: gather_offload_async_start
scs
__scs_entry_jumppad:
0x0: {  	(pc) =	sbr.rel $0x88, $3  }
0x1: {  	(tag) =	ssettag $0x0;
	lr =	simm.s32 $0x1  }
0x2: {  	[smem:$0x3F9E] =	sst lr;
	_ =	strace $0xD0000000  }
0x3: {  	_ = 	snop  }
0x4: {  	_ = 	snop  }
0x5: {  	_ = 	snop  }
0x6: {  	_ = 	snop  }
0x7: {  	_ = 	snop  }
__scs_overlays_trampoline_lowered:
0x8: {  	[smem:$0x3FAD] =	sst s0  }
0x9: {  	[smem:$0x3FAE] =	sst s1  }
0xa: {  	[smem:$0x3FAF] =	sst s2  }
0xb: {  	[smem:$0x3FB0] =	sst s3  }
0xc: {  	[smem:$0x3FB1] =	sst s4  }
0xd: {  	[smem:$0x3FB2] =	sst s5  }
0xe: {  	[smem:$0x3FB3] =	sst s6  }
0xf: {  	[smem:$0x3FB4] =	sst s7  }
0x10: {  	[smem:$0x3FB5] =	sst s8  }
0x11: {  	[smem:$0x3FB6] =	sst s9;
	s0 =	simm.s32 @!p0 $0x0  }
0x12: {  	s1 =	sld [smem:$0x3F9C];
	s0 =	simm.s32 @p0 $0x1  }
0x13: {  	[smem:$0x3FB7] =	sst s0;
	s0 =	simm.s32 @!p1 $0x0  }
0x14: {  	s2 =	sld [smem:$0x3F9B];
	s0 =	simm.s32 @p1 $0x1  }
0x15: {  	[smem:$0x3FB8] =	sst s0;
	s0 =	simm.s32 @!p2 $0x0  }
0x16: {  	s3 =	sld [smem:$0x3FDB];
	s0 =	simm.s32 @p2 $0x1  }
0x17: {  	s4 =	simm.s32 $0x1BF5;
	[smem:$0x3FBA] =	sst s0  }
0x18: {  	s0 =	sld [smem:$0x3F9D];
	_ =	swait.ge [sflag:s4], $0x0  }
0x19: {  	s7 =	sld [smem:$0x3F9E]  }
0x1a: {  	s8 =	sadd.s32 $0xFFFFE003, lr  }
0x1b: {  	s9 =	sadd.s32 $0xFFFFFEF7, lr;
	s5 =	simm.s32 $0xFFFFFFFF;
	p2 =	slt.u32 s8, $0xFFFFF086  }
0x1c: {  	p1 =	slt.u32 s9, $0xF7A;
	s5 =	simm.s32 @!p2 $0x0  }
0x1d: {  	s5 =	simm.s32 @p1 $0x1;
	p0 =	seq.s32 s7, s2  }
0x1e: {  	s7 =	smul.u32 @!p0 $0xF7A, s2;
	p2 =	seq.s32 @!p0 s5, $0x0  }
0x1f: {  	s9 =	smul.u32 $0xF7A, s1;
	s8 =	simm.s32 @!p0 $0x1BF5;
	p2 =	por !p2, p0  }
0x20: {  	[sflag:s8] =	ssyncset.s32 @!p0 $0xFFFFF086;
	s6 =	sadd.s32 @!p0 s3, s7;
	s7 =	simm.s32 @!p0 $0x108  }
0x21: {  	s3 =	sadd.s32 s3, s9;
	s6 =	sadd.s32 @!p0 $0x88, s6;
	s7 =	simm.s32 @p2 $0x1082  }
0x22: {  	[simem:s7], [sflag:s8] =	dma.local @!p0 [hbm:s6], $0xF7A  }
0x23: {  	s9 =	sor.u32 $0xD0000000, s2;
	s6 =	simm.s32 $0x108;
	_ =	swait.ge @!p0 [sflag:s8], $0x0  }
0x24: {  	s3 =	sadd.s32 $0x88, s3;
	s6 =	simm.s32 @!p1 $0x1082;
	[sflag:s4] =	ssyncset.s32 $0xFFFFF086  }
0x25: {  	[simem:s6], [sflag:s4] =	dma.local [hbm:s3], $0xF7A  }
0x26: {  	[smem:$0x3F9E] =	sst s1;
	(tag) =	ssettag s2;
	_ =	strace s9  }
0x27: {  	s1 =	sld [smem:$0x3FAE]  }
0x28: {  	s2 =	sld [smem:$0x3FAF]  }
0x29: {  	s4 =	sld [smem:$0x3FB1]  }
0x2a: {  	p0 =	seq.s32 s5, $0x0;
	s5 =	sld [smem:$0x3FB2]  }
0x2b: {  	s6 =	sld [smem:$0x3FB3]  }
0x2c: {  	s7 =	sld [smem:$0x3FB4]  }
0x2d: {  	s3 =	simm.s32 $0x108;
	s8 =	sld [smem:$0x3FB5]  }
0x2e: {  	s3 =	simm.s32 @!p0 $0x1082;
	s9 =	sld [smem:$0x3FB6]  }
0x2f: {  	lr =	sadd.s32 s0, s3;
	s0 =	sld [smem:$0x3FAD]  }
0x30: {  	s3 =	sld [smem:$0x3FB0]  }
0x31: {  	[smem:$0x3FB9] =	sst s10  }
0x32: {  	s10 =	sld [smem:$0x3FB7];
	_ =	sdelay $0x3  }
0x33: {  	p0 =	seq.s32 s10, $0x1;
	s10 =	sld [smem:$0x3FB9];
	_ =	sdelay $0x3  }
0x34: {  	[smem:$0x3FB9] =	sst s10  }
0x35: {  	s10 =	sld [smem:$0x3FB8];
	_ =	sdelay $0x3  }
0x36: {  	p1 =	seq.s32 s10, $0x1;
	s10 =	sld [smem:$0x3FB9];
	_ =	sdelay $0x3  }
0x37: {  	[smem:$0x3FB9] =	sst s10  }
0x38: {  	s10 =	sld [smem:$0x3FBA]  }
0x39: {  	_ = 	snop;
	(pc) =	sbr.ind lr, $3  }
0x3a: {  	_ = 	snop  }
0x3b: {  	_ = 	snop  }
0x3c: {  	p2 =	seq.s32 s10, $0x1;
	s10 =	sld [smem:$0x3FB9]  }
0x3d: {  	_ =	shalt  }
0x3e: {  	_ =	shalt  }
0x3f: {  	_ =	shalt  }
0x40: {  	_ =	shalt  }
0x41: {  	_ =	shalt  }
0x42: {  	_ =	shalt  }
0x43: {  	_ =	shalt  }
0x44: {  	_ =	shalt  }
0x45: {  	_ =	shalt  }
0x46: {  	_ =	shalt  }
0x47: {  	_ =	shalt  }
0x48: {  	_ =	shalt  }
0x49: {  	_ =	shalt  }
0x4a: {  	_ =	shalt  }
0x4b: {  	_ =	shalt  }
0x4c: {  	_ =	shalt  }
0x4d: {  	_ =	shalt  }
0x4e: {  	_ =	shalt  }
0x4f: {  	_ =	shalt  }
0x50: {  	_ =	shalt  }
0x51: {  	_ =	shalt  }
0x52: {  	_ =	shalt  }
0x53: {  	_ =	shalt  }
0x54: {  	_ =	shalt  }
0x55: {  	_ =	shalt  }
0x56: {  	_ =	shalt  }
0x57: {  	_ =	shalt  }
0x58: {  	_ =	shalt  }
0x59: {  	_ =	shalt  }
0x5a: {  	_ =	shalt  }
0x5b: {  	_ =	shalt  }
0x5c: {  	_ =	shalt  }
0x5d: {  	_ =	shalt  }
0x5e: {  	_ =	shalt  }
0x5f: {  	_ =	shalt  }
0x60: {  	_ =	shalt  }
0x61: {  	_ =	shalt  }
0x62: {  	_ =	shalt  }
0x63: {  	_ =	shalt  }
0x64: {  	_ =	shalt  }
0x65: {  	_ =	shalt  }
0x66: {  	_ =	shalt  }
0x67: {  	_ =	shalt  }
0x68: {  	_ =	shalt  }
0x69: {  	_ =	shalt  }
0x6a: {  	_ =	shalt  }
0x6b: {  	_ =	shalt  }
0x6c: {  	_ =	shalt  }
0x6d: {  	_ =	shalt  }
0x6e: {  	_ =	shalt  }
0x6f: {  	_ =	shalt  }
0x70: {  	_ =	shalt  }
0x71: {  	_ =	shalt  }
0x72: {  	_ =	shalt  }
0x73: {  	_ =	shalt  }
0x74: {  	_ =	shalt  }
0x75: {  	_ =	shalt  }
0x76: {  	_ =	shalt  }
0x77: {  	_ =	shalt  }
0x78: {  	_ =	shalt  }
0x79: {  	_ =	shalt  }
0x7a: {  	_ =	shalt  }
0x7b: {  	_ =	shalt  }
0x7c: {  	_ =	shalt  }
0x7d: {  	_ =	shalt  }
0x7e: {  	_ =	shalt  }
0x7f: {  	_ =	shalt  }
0x80: {  	_ =	shalt  }
0x81: {  	_ =	shalt  }
0x82: {  	_ =	shalt  }
0x83: {  	_ =	shalt  }
0x84: {  	_ =	shalt  }
0x85: {  	_ =	shalt  }
0x86: {  	_ =	shalt  }
0x87: {  	_ =	shalt  }
.Lfunc_end0:
.L_simem_size_0:
called_computation.1_lowered:
.L_overlay_start_0:
0x88: {  	s2 =	sld [smem:$0x3FD9]  }
0x89: {  	s3 =	sld [smem:$0x3FFE];
	_ =	sdelay $0x1  }
0x8a: {  	s1 =	srdreg.scid  }
0x8b: {  	s0 =	sand.u32 $0x1, s1  }
0x8c: {  	s14 =	sshll.u32 s0, $0xA;
	s2 =	sadd.s32 s3, s2  }
0x8d: {  	s2 =	sadd.s32 s2, s14  }
0x8e: {  	[smem:$0x3FC5] =	sst s2  }
0x8f: {  	_ = 	snop  }
0x90: {  	s2 =	sld [smem:$0x3FD0];
	_ =	sdelay $0x2  }
0x91: {  	s15 =	simm.s32 $0xA;
	s4 =	simm.s32 $0x10  }
0x92: {  	[smem:s4], [sflag:s15] =	dma.local [hbm:s2], $0x1  }
0x93: {  	_ =	swait.eq [sflag:s15], $0x1  }
0x94: {  	[sflag:s15] =	ssyncset.done $0x0  }
0x95: {  	[sflag:s15] =	ssyncadd.s32 $0xFFFFFFFF  }
0x96: {  	s16 =	sld [smem:$0x10];
	(tm) =	ssettm $0x1  }
0x97: {  	s17 =	sld [smem:$0x3FFB];
	_ =	sdelay $0x3  }
0x98: {  	_ =	strace s17  }
0x99: {  	s3 =	sld [smem:$0x3FFC];
	_ =	sdelay $0x3  }
0x9a: {  	_ =	strace s3  }
0x9b: {  	s3 =	sld [smem:$0x3FFD];
	_ =	sdelay $0x3  }
0x9c: {  	_ =	strace s3  }
0x9d: {  	_ =	strace $0x8FFFFFFF  }
0x9e: {  	s18 =	sld [smem:$0x3FDB];
	_ =	sdelay $0x1  }
0x9f: {  	s19 =	simm.s32 $_scs_section_size  }
0xa0: {  	s5 =	simm.s32 $_size__tile_overlayer_lowered;
	s6 =	simm.s32 $_tile_overlayer_lowered  }
0xa1: {  	s22 =	simm.s32 $0x1BFF;
	s21 =	sshll.u32 s6, $0x1;
	s3 =	sadd.s32 s19, s18  }
0xa2: {  	s7 =	simm.s32 $0x0;
	s20 =	sshll.u32 s5, $0x1;
	s5 =	sadd.s32 s21, s3  }
0xa3: {  	[timem:s7], [sflag:s22] =	dma.local [hbm:s5], s20  }
0xa4: {  	_ =	swait.ge [sflag:s22], s20  }
0xa5: {  	s4 =	ssub.s32 $0x0, s20;
	[sflag:s22] =	ssyncset.done $0x0  }
0xa6: {  	[sflag:s22] =	ssyncadd.s32 s4;
	_ =	sdelay $0x1  }
0xa7: {  	s23 =	simm.s32 $0x1B8B  }
0xa8: {  	_ =	swait.ge [sflag:s23], $0x1  }
0xa9: {  	[sflag:s23] =	ssyncset.done $0x0  }
0xaa: {  	s25 =	simm.s32 $0x1B8E;
	s24 =	sld [smem:$0x3FFE];
	[sflag:s23] =	ssyncadd.s32 $0xFFFFFFFF  }
0xab: {  	s26 =	simm.s32 $execute0_lowered;
	[smem:$0x3FD2] =	sst s25  }
0xac: {  	s5 =	sshll.u32 s26, $0x1;
	_ =	strace $0x80000046;
	[dreg:$0x1] =	wrdreg $0xFFFFFFFF  }
0xad: {  	s28 =	simm.s32 $_size_execute0_lowered;
	s3 =	sadd.s32 s3, s5;
	[dreg:$0x0] =	wrdreg $0x0  }
0xae: {  	s5 =	sshll.u32 s28, $0x1;
	[dreg:$0x2] =	wrdreg s3  }
0xaf: {  	[dreg:$0x3] =	wrdreg s5  }
0xb0: {  	[dreg:$0x4] =	wrdreg $0xC0  }
0xb1: {  	_ =	task [dreg:s7], $0x5FFFF  }
0xb2: {  	[dreg:$0x1] =	wrdreg $0xFFFFFFFF  }
0xb3: {  	[dreg:$0x0] =	wrdreg $0x60  }
0xb4: {  	[dreg:$0x2] =	wrdreg s16  }
0xb5: {  	[dreg:$0x3] =	wrdreg s24  }
0xb6: {  	[dreg:$0x4] =	wrdreg $0x9  }
0xb7: {  	_ =	task.clear_ibuf [dreg:s7], $0x5FFFF;
	_ =	strace $0x90000046  }
0xb8: {  	s29 =	simm.s32 $0x9;
	_ =	strace $0x80000048  }
0xb9: {  	_ =	swait.ge [sflag:s29], $0x1  }
0xba: {  	[sflag:s29] =	ssyncadd.s32 $0xFFFFFFFF  }
0xbb: {  	_ =	strace $0x90000048  }
0xbc: {  	_ =	sfence  }
0xbd: {  	s30 =	sld [smem:$0x0];
	_ =	sdelay $0x2  }
0xbe: {  	s31 =	sshll.u32 s1, $0xD;
	s1 =	sshrl.u32 s1, $0x2  }
0xbf: {  	s3 =	sand.u32 $0x4000, s31;
	s1 =	sadd.s32 s1, s30  }
0xc0: {  	s0 =	sor.u32 s3, s0;
	s1 =	sshll.u32 s1, $0x11  }
0xc1: {  	s0 =	sor.u32 s1, s0  }
0xc2: {  	s0 =	sadd.s32 $0x8F2B, s0  }
0xc3: {  	[sflag:s0] =	ssyncadd.remote.s32 $0x1  }
0xc4: {  	_ =	sfence.sel $0xFFFF  }
0xc5: {  	[dreg:$0x0] =	wrdreg $0xFFFFFFFF;
	(pc) =	sbr.abs _section_cstart, $3  }
0xc6: {  	[dreg:$0x1] =	wrdreg $0xFFFFFFFF  }
0xc7: {  	_ =	task.clear_ibuf [dreg:s7], $0x2FFFF;
	_ =	strace $0x9FFFFFFF  }
0xc8: {  	(tm) =	ssettm $0x7FFFFFFF  }
0xc9: {  	_ =	shalt  }
tec
execute0_lowered:
.L_overlay_start_1:
0x0: {  	(tag) =	ssettag $0x1  }
0x1: {  	s1 =	srdreg.scid;
	s2 =	rddreg [dreg:$0x0]  }
0x2: {  	s0 =	stileid.u32;
	s5 =	rddreg [dreg:$0x1];
	s6 =	simm.s32 $0x1  }
0x3: {  	s9 =	simm.s32 $0x1;
	s10 =	simm.s32 $0x3;
	s1 =	sshll.u32 s1, $0xB  }
0x4: {  	s13 =	simm.s32 $0x0;
	s3 =	sshll.u32 s0, $0xC;
	s4 =	sand.u32 $0x800, s1  }
0x5: {  	s12 =	simm.s32 $0x0;
	s1 =	rddreg [dreg:$0x2];
	s3 =	sor.u32 s3, s4  }
0x6: {  	_ =	strace $0x80000047;
	s4 =	sadd.s32 $0xC200, s5;
	s8 =	ssub.s32 $0x20000, s3  }
.Ltmp0:
0x7: {  	s5 =	sadd.s32 $0x15200, s5;
	s7 =	sand.u32 $0xF800, s8;
	(pc) =	sbr.rel .LBB2_1-.Ltmp0, $4  }
0x8: {  	[sflag:s6] =	ssyncpa.u1 $0x0;
	s11 =	smov.u32 s3;
	p0 =	sne.s32 s7, $0x0  }
0x9: {  	s8 =	sshrl.u32 s8, $0x10;
	s7 =	simm.s32 $0x2;
	s9 =	simm.s32 @!p0 $0x0  }
0xa: {  	[sflag:s7] =	ssyncpa.u1 $0x0;
	p0 =	por $0x0, $0x0;
	s8 =	sadd.s32 s9, s8  }
0xb: {  	vm0 =	vmmov $0xffff;
	[sflag:s10] =	ssyncpa.u1 $0x0;
	s10 =	simm.s32 $0x0;
	s9 =	sadd.s32 $0x1, s8  }
.LBB2_4:
0xc: {  	vm1 =	veq.s32 v0, $0x80000000;
	v63 =	vand.u32 $0xF, v0;
	v2 =	vand.u32 $0x1FFF, v2  }
0xd: {  	v0 =	vsel vm1, $0xFFFFFFFF, v63;
	v2 =	vsel vm1, $0xFFFFFFFF, v2  }
0xe: {  	v3 =	vshll.u32 v0, $0xD;
	v4 =	vshll.u32 v2, $0x3  }
0xf: {  	v0 =	vshll.u32 v0, $0x7;
	v3 =	vand.u32 $0xFFFF0000, v3;
	v4 =	vand.u32 $0xFFFFFC00, v4  }
0x10: {  	v0 =	vand.u32 $0x380, v0;
	v3 =	vadd.s32 v3, v4  }
0x11: {  	v2 =	vand.u32 $0x7F, v2;
	v0 =	vor.u32 v0, v3  }
0x12: {  	v0 =	vor.u32 v2, v0;
	_ =	sdelay $0x1  }
0x13: {  	(ifvalue) =	ssetifvalue $0x7FFFFFFF;
	s14 =	sadd.s32 $0x10, s14  }
0x14: {  	[tilespmem:s14], [sflag:$0x1] =	stream.indirect_vreg.gather [hbm4b:s2+s10], $0x1, v1, vm0, $0x4038;
	[tilespmem:$0x2000] =	vst v63  }
0x15: {  	(ifvalue) =	ssetifvalue $0x7FFFFFFF;
	s14 =	sadd.s32 $0x10, s14  }
0x16: {  	[tilespmem:s14], [sflag:$0x1] =	stream.indirect_vreg.gather [hbm4b:s2+s10], $0x1, v0, vm0, $0x4038;
	[tilespmem:$0x2000] =	vst v63  }
0x17: {  	_ =	swait.ge [sflag:s6], $0x800  }
0x18: {  	s30 =	sshrl.u32 s13, $0x3;
	[sflag:s6] =	ssyncset.done $0x0  }
0x19: {  	s31 =	sand.u32 $0x7, s13;
	s14 =	sadd.s32 s5, s30;
	[sflag:s6] =	ssyncadd.s32 $0xFFFFF800  }
0x1a: {  	[hbm4b:s14+s31] =	stream.linear.scatter [tilespmem:s15], [sflag:$0x3], $0x800, $0x38;
	[tilespmem:$0x2000] =	vst v63  }
.LBB2_5:
0x1b: {  	s15 =	sadd.s32 $0x10000, s11  }
0x1c: {  	p2 =	sgt.s32 s15, $0x1FFFF  }
0x1d: {  	s15 =	smov.u32 @p2 s3;
	p2 =	sne.s32 s12, s9  }
.Ltmp1:
0x1e: {  	p1 =	slt.u32 s12, $0x2;
	(pc) =	sbr.rel @!p2 .LBB2_6-.Ltmp1, $4  }
0x1f: {  	s14 =	simm.s32 @!p1 $0x3  }
0x20: {  	s16 =	sadd.s32 $0x1, s12;
	_ =	swait.ge @!p1 [sflag:s14], $0x800  }
0x21: {  	s13 =	smov.u32 s11;
	p0 =	por !p0, !p0;
	[sflag:s14] =	ssyncset.done @!p1 $0x0  }
0x22: {  	s12 =	smov.u32 s16;
	s11 =	smov.u32 s15;
	[sflag:s14] =	ssyncadd.s32 @!p1 $0xFFFFF800  }
.LBB2_1:
0x23: {  	p1 =	sge.u32 s12, s8  }
0x24: {  	s14 =	sxor.u32 @!p1 $0xFFFFFFFF, s12  }
0x25: {  	s31 =	sadd.s32 $0xFFFFFFFF, s12;
	s15 =	sshrl.u32 @!p1 s11, $0x3;
	s14 =	sshll.u32 @!p1 s14, $0xB  }
0x26: {  	s16 =	sand.u32 @!p1 $0x7, s11;
	s15 =	sadd.s32 @!p1 s4, s15;
	s14 =	sand.u32 @!p1 $0x800, s14  }
0x27: {  	[tilespmem:s14], [sflag:$0x2] =	stream.linear.gather @!p1 [hbm4b:s15+s16], $0x800, $0x38;
	[tilespmem:$0x2000] =	vst v63  }
0x28: {  	p1 =	sge.u32 s31, s8  }
.Ltmp2:
0x29: {  	_ = 	snop;
	(pc) =	sbr.rel @p1 .LBB2_5-.Ltmp2, $1  }
0x2a: {  	_ =	sdelay $0x3  }
0x2b: {  	s14 =	simm.s32 $0x1  }
0x2c: {  	_ =	swait.ge [sflag:s7], $0x800;
	s14 =	simm.s32 @!p0 $0x0  }
0x2d: {  	[sflag:s7] =	ssyncset.done $0x0;
	s14 =	sshll.u32 s14, $0xB  }
0x2e: {  	[sflag:s7] =	ssyncadd.s32 $0xFFFFF800;
	(ifvalue) =	ssetifvalue $0x7FFFFFFF;
	v0 =	vld.msk [tilespmem:s14+$0x0 ss:$0x1], $0xffff;
	_ =	sdelay $0x3  }
0x2f: {  	s15 =	sadd.s32 $0x10, s14  }
0x30: {  	v2 =	vld.msk [tilespmem:s15+$0x0 ss:$0x1], $0xffff;
	v1 =	vshrl.u32 v0, $0x4  }
0x31: {  	vm1 =	veq.s32 v0, $0x80000000;
	v0 =	vand.u32 $0xF, v0;
	v1 =	vand.u32 $0x1FFF, v1  }
0x32: {  	v0 =	vsel vm1, $0xFFFFFFFF, v0;
	v1 =	vsel vm1, $0xFFFFFFFF, v1  }
0x33: {  	v3 =	vshll.u32 v0, $0xD;
	v4 =	vshll.u32 v1, $0x3  }
0x34: {  	v0 =	vshll.u32 v0, $0x7;
	v3 =	vand.u32 $0xFFFF0000, v3;
	v4 =	vand.u32 $0xFFFFFC00, v4  }
0x35: {  	vm1 =	veq.s32 v2, $0x80000000;
	v0 =	vand.u32 $0x380, v0;
	v3 =	vadd.s32 v3, v4  }
0x36: {  	v1 =	vand.u32 $0x7F, v1;
	v0 =	vor.u32 v0, v3;
	v3 =	vshrl.u32 v2, $0x4  }
0x37: {  	s17 =	sadd.s32 $0x10, s15;
	v2 =	vand.u32 $0xF, v2;
	v1 =	vor.u32 v1, v0;
	v3 =	vand.u32 $0x1FFF, v3  }
0x38: {  	v0 =	vld.msk [tilespmem:s17+$0x0 ss:$0x1], $0xffff;
	v2 =	vsel vm1, $0xFFFFFFFF, v2;
	v3 =	vsel vm1, $0xFFFFFFFF, v3  }
0x39: {  	v63 =	vshll.u32 v2, $0xD;
	v5 =	vshll.u32 v3, $0x3  }
0x3a: {  	s31 =	sshll.u32 s12, $0xB;
	v2 =	vshll.u32 v2, $0x7;
	v4 =	vand.u32 $0xFFFF0000, v63;
	v5 =	vand.u32 $0xFFFFFC00, v5  }
0x3b: {  	s14 =	sor.u32 $0x1000, s14;
	s15 =	sand.u32 $0x800, s31;
	(ifvalue) =	ssetifvalue $0x7FFFFFFF;
	v2 =	vand.u32 $0x380, v2;
	v4 =	vadd.s32 v4, v5  }
0x3c: {  	[tilespmem:s14], [sflag:$0x1] =	stream.indirect_vreg.gather [hbm4b:s2+s10], $0x1, v1, vm0, $0x4038;
	v1 =	vand.u32 $0x7F, v3;
	v3 =	vor.u32 v2, v4;
	[tilespmem:$0x2000] =	vst v63  }
0x3d: {  	s16 =	simm.s32 $0x20;
	s15 =	sor.u32 $0x1000, s15;
	s17 =	sadd.s32 $0x10, s17;
	v2 =	vshrl.u32 v0, $0x4;
	v1 =	vor.u32 v1, v3  }
.LBB2_3:
0x3e: {  	s16 =	sadd.s32 $0x10, s16;
	vm1 =	veq.s32 v0, $0x80000000;
	v3 =	vand.u32 $0xF, v0;
	v0 =	vld.msk [tilespmem:s17+$0x0 ss:$0x1], $0xffff;
	v2 =	vand.u32 $0x1FFF, v2  }
0x3f: {  	p1 =	slt.u32 s16, $0x7F0;
	v3 =	vsel vm1, $0xFFFFFFFF, v3;
	v2 =	vsel vm1, $0xFFFFFFFF, v2  }
.Ltmp3:
0x40: {  	v4 =	vshll.u32 v3, $0xD;
	v5 =	vshll.u32 v2, $0x3;
	(pc) =	sbr.rel @p1 .LBB2_3-.Ltmp3, $4  }
0x41: {  	s14 =	sadd.s32 $0x10, s14;
	v3 =	vshll.u32 v3, $0x7;
	v4 =	vand.u32 $0xFFFF0000, v4;
	v5 =	vand.u32 $0xFFFFFC00, v5;
	(ifvalue) =	ssetifvalue $0x7FFFFFFF  }
0x42: {  	v3 =	vand.u32 $0x380, v3;
	v4 =	vadd.s32 v4, v5;
	[tilespmem:s14], [sflag:$0x1] =	stream.indirect_vreg.gather [hbm4b:s2+s10], $0x1, v1, vm0, $0x4038;
	[tilespmem:$0x2000] =	vst v63  }
0x43: {  	v1 =	vand.u32 $0x7F, v2;
	v3 =	vor.u32 v3, v4  }
0x44: {  	s17 =	sadd.s32 $0x10, s17;
	v2 =	vshrl.u32 v0, $0x4;
	v1 =	vor.u32 v1, v3  }
.Ltmp4:
0x45: {  	_ = 	snop;
	(pc) =	sbr.rel .LBB2_4-.Ltmp4, $1  }
0x46: {  	_ =	sdelay $0x3  }
.LBB2_6:
0x47: {  	_ =	sfence.sel $0x180000  }
0x48: {  	s2 =	simm.s32 $0x2;
	[bflag:$0x0] =	sbarrier.arrive $0xFFFF  }
0x49: {  	s30 =	simm.s32 $0x3;
	[sflag:s2] =	ssyncpa.u1 $0x1  }
0x4a: {  	s31 =	simm.s32 $0x1;
	[sflag:s30] =	ssyncpa.u1 $0x1  }
0x4b: {  	[sflag:s31] =	ssyncpa.u1 $0x1  }
0x4c: {  	p0 =	sne.s32 s0, $0x0;
	_ =	strace $0x90000047  }
0x4d: {  	s0 =	sadd.s32 @!p0 $0x100000, s1;
	[bflag:$0x2] =	sbarrier.arrive $0xFFFF  }
0x4e: {  	[sflag:s0] =	ssyncadd.tile.s32 @!p0 $0x1;
	_ =	shalt  }
.Lfunc_end2:
_tile_overlayer_lowered:
.L_overlay_start_2:
0x4f: {  	(tag) =	ssettag $0x2  }
0x50: {  	s0 =	rddreg [dreg:$0x0];
	s2 =	stileid.u32  }
0x51: {  	s1 =	rddreg [dreg:$0x1];
	p0 =	sne.s32 s2, $0x0  }
0x52: {  	s3 =	rddreg [dreg:$0x2];
	[bflag:$0x3] =	sbarrier.arrive $0xFFFF;
	s2 =	simm.s32 @!p0 $0x1C01  }
0x53: {  	[timem:s3], [sflag:s2] =	dma.local @!p0 [hbm:s0], s1  }
0x54: {  	s0 =	simm.s32 @!p0 $0x1  }
0x55: {  	_ =	swait.ge @!p0 [sflag:s0], s1  }
0x56: {  	s1 =	ssub.s32 @!p0 $0x0, s1;
	[sflag:s0] =	ssyncset.done @!p0 $0x0  }
0x57: {  	[sflag:s0] =	ssyncadd.s32 @!p0 s1  }
0x58: {  	[bflag:$0x3] =	sbarrier.arrive $0xFFFF  }
0x59: {  	_ =	shalt  }

// kernel: kernel.3.cloned.1.call-start
scs
__scs_entry_jumppad:
0x0: {  	(pc) =	sbr.rel $0x88, $3  }
0x1: {  	(tag) =	ssettag $0x0;
	lr =	simm.s32 $0x1  }
0x2: {  	[smem:$0x3F9E] =	sst lr;
	_ =	strace $0xD0000000  }
0x3: {  	_ = 	snop  }
0x4: {  	_ = 	snop  }
0x5: {  	_ = 	snop  }
0x6: {  	_ = 	snop  }
0x7: {  	_ = 	snop  }
__scs_overlays_trampoline_lowered:
0x8: {  	[smem:$0x3FAD] =	sst s0  }
0x9: {  	[smem:$0x3FAE] =	sst s1  }
0xa: {  	[smem:$0x3FAF] =	sst s2  }
0xb: {  	[smem:$0x3FB0] =	sst s3  }
0xc: {  	[smem:$0x3FB1] =	sst s4  }
0xd: {  	[smem:$0x3FB2] =	sst s5  }
0xe: {  	[smem:$0x3FB3] =	sst s6  }
0xf: {  	[smem:$0x3FB4] =	sst s7  }
0x10: {  	[smem:$0x3FB5] =	sst s8  }
0x11: {  	[smem:$0x3FB6] =	sst s9;
	s0 =	simm.s32 @!p0 $0x0  }
0x12: {  	s1 =	sld [smem:$0x3F9C];
	s0 =	simm.s32 @p0 $0x1  }
0x13: {  	[smem:$0x3FB7] =	sst s0;
	s0 =	simm.s32 @!p1 $0x0  }
0x14: {  	s2 =	sld [smem:$0x3F9B];
	s0 =	simm.s32 @p1 $0x1  }
0x15: {  	[smem:$0x3FB8] =	sst s0;
	s0 =	simm.s32 @!p2 $0x0  }
0x16: {  	s3 =	sld [smem:$0x3FDB];
	s0 =	simm.s32 @p2 $0x1  }
0x17: {  	s4 =	simm.s32 $0x1BF5;
	[smem:$0x3FBA] =	sst s0  }
0x18: {  	s0 =	sld [smem:$0x3F9D];
	_ =	swait.ge [sflag:s4], $0x0  }
0x19: {  	s7 =	sld [smem:$0x3F9E]  }
0x1a: {  	s8 =	sadd.s32 $0xFFFFE003, lr  }
0x1b: {  	s9 =	sadd.s32 $0xFFFFFEF7, lr;
	s5 =	simm.s32 $0xFFFFFFFF;
	p2 =	slt.u32 s8, $0xFFFFF086  }
0x1c: {  	p1 =	slt.u32 s9, $0xF7A;
	s5 =	simm.s32 @!p2 $0x0  }
0x1d: {  	s5 =	simm.s32 @p1 $0x1;
	p0 =	seq.s32 s7, s2  }
0x1e: {  	s7 =	smul.u32 @!p0 $0xF7A, s2;
	p2 =	seq.s32 @!p0 s5, $0x0  }
0x1f: {  	s9 =	smul.u32 $0xF7A, s1;
	s8 =	simm.s32 @!p0 $0x1BF5;
	p2 =	por !p2, p0  }
0x20: {  	[sflag:s8] =	ssyncset.s32 @!p0 $0xFFFFF086;
	s6 =	sadd.s32 @!p0 s3, s7;
	s7 =	simm.s32 @!p0 $0x108  }
0x21: {  	s3 =	sadd.s32 s3, s9;
	s6 =	sadd.s32 @!p0 $0x88, s6;
	s7 =	simm.s32 @p2 $0x1082  }
0x22: {  	[simem:s7], [sflag:s8] =	dma.local @!p0 [hbm:s6], $0xF7A  }
0x23: {  	s9 =	sor.u32 $0xD0000000, s2;
	s6 =	simm.s32 $0x108;
	_ =	swait.ge @!p0 [sflag:s8], $0x0  }
0x24: {  	s3 =	sadd.s32 $0x88, s3;
	s6 =	simm.s32 @!p1 $0x1082;
	[sflag:s4] =	ssyncset.s32 $0xFFFFF086  }
0x25: {  	[simem:s6], [sflag:s4] =	dma.local [hbm:s3], $0xF7A  }
0x26: {  	[smem:$0x3F9E] =	sst s1;
	(tag) =	ssettag s2;
	_ =	strace s9  }
0x27: {  	s1 =	sld [smem:$0x3FAE]  }
0x28: {  	s2 =	sld [smem:$0x3FAF]  }
0x29: {  	s4 =	sld [smem:$0x3FB1]  }
0x2a: {  	p0 =	seq.s32 s5, $0x0;
	s5 =	sld [smem:$0x3FB2]  }
0x2b: {  	s6 =	sld [smem:$0x3FB3]  }
0x2c: {  	s7 =	sld [smem:$0x3FB4]  }
0x2d: {  	s3 =	simm.s32 $0x108;
	s8 =	sld [smem:$0x3FB5]  }
0x2e: {  	s3 =	simm.s32 @!p0 $0x1082;
	s9 =	sld [smem:$0x3FB6]  }
0x2f: {  	lr =	sadd.s32 s0, s3;
	s0 =	sld [smem:$0x3FAD]  }
0x30: {  	s3 =	sld [smem:$0x3FB0]  }
0x31: {  	[smem:$0x3FB9] =	sst s10  }
0x32: {  	s10 =	sld [smem:$0x3FB7];
	_ =	sdelay $0x3  }
0x33: {  	p0 =	seq.s32 s10, $0x1;
	s10 =	sld [smem:$0x3FB9];
	_ =	sdelay $0x3  }
0x34: {  	[smem:$0x3FB9] =	sst s10  }
0x35: {  	s10 =	sld [smem:$0x3FB8];
	_ =	sdelay $0x3  }
0x36: {  	p1 =	seq.s32 s10, $0x1;
	s10 =	sld [smem:$0x3FB9];
	_ =	sdelay $0x3  }
0x37: {  	[smem:$0x3FB9] =	sst s10  }
0x38: {  	s10 =	sld [smem:$0x3FBA]  }
0x39: {  	_ = 	snop;
	(pc) =	sbr.ind lr, $3  }
0x3a: {  	_ = 	snop  }
0x3b: {  	_ = 	snop  }
0x3c: {  	p2 =	seq.s32 s10, $0x1;
	s10 =	sld [smem:$0x3FB9]  }
0x3d: {  	_ =	shalt  }
0x3e: {  	_ =	shalt  }
0x3f: {  	_ =	shalt  }
0x40: {  	_ =	shalt  }
0x41: {  	_ =	shalt  }
0x42: {  	_ =	shalt  }
0x43: {  	_ =	shalt  }
0x44: {  	_ =	shalt  }
0x45: {  	_ =	shalt  }
0x46: {  	_ =	shalt  }
0x47: {  	_ =	shalt  }
0x48: {  	_ =	shalt  }
0x49: {  	_ =	shalt  }
0x4a: {  	_ =	shalt  }
0x4b: {  	_ =	shalt  }
0x4c: {  	_ =	shalt  }
0x4d: {  	_ =	shalt  }
0x4e: {  	_ =	shalt  }
0x4f: {  	_ =	shalt  }
0x50: {  	_ =	shalt  }
0x51: {  	_ =	shalt  }
0x52: {  	_ =	shalt  }
0x53: {  	_ =	shalt  }
0x54: {  	_ =	shalt  }
0x55: {  	_ =	shalt  }
0x56: {  	_ =	shalt  }
0x57: {  	_ =	shalt  }
0x58: {  	_ =	shalt  }
0x59: {  	_ =	shalt  }
0x5a: {  	_ =	shalt  }
0x5b: {  	_ =	shalt  }
0x5c: {  	_ =	shalt  }
0x5d: {  	_ =	shalt  }
0x5e: {  	_ =	shalt  }
0x5f: {  	_ =	shalt  }
0x60: {  	_ =	shalt  }
0x61: {  	_ =	shalt  }
0x62: {  	_ =	shalt  }
0x63: {  	_ =	shalt  }
0x64: {  	_ =	shalt  }
0x65: {  	_ =	shalt  }
0x66: {  	_ =	shalt  }
0x67: {  	_ =	shalt  }
0x68: {  	_ =	shalt  }
0x69: {  	_ =	shalt  }
0x6a: {  	_ =	shalt  }
0x6b: {  	_ =	shalt  }
0x6c: {  	_ =	shalt  }
0x6d: {  	_ =	shalt  }
0x6e: {  	_ =	shalt  }
0x6f: {  	_ =	shalt  }
0x70: {  	_ =	shalt  }
0x71: {  	_ =	shalt  }
0x72: {  	_ =	shalt  }
0x73: {  	_ =	shalt  }
0x74: {  	_ =	shalt  }
0x75: {  	_ =	shalt  }
0x76: {  	_ =	shalt  }
0x77: {  	_ =	shalt  }
0x78: {  	_ =	shalt  }
0x79: {  	_ =	shalt  }
0x7a: {  	_ =	shalt  }
0x7b: {  	_ =	shalt  }
0x7c: {  	_ =	shalt  }
0x7d: {  	_ =	shalt  }
0x7e: {  	_ =	shalt  }
0x7f: {  	_ =	shalt  }
0x80: {  	_ =	shalt  }
0x81: {  	_ =	shalt  }
0x82: {  	_ =	shalt  }
0x83: {  	_ =	shalt  }
0x84: {  	_ =	shalt  }
0x85: {  	_ =	shalt  }
0x86: {  	_ =	shalt  }
0x87: {  	_ =	shalt  }
.Lfunc_end0:
.L_simem_size_0:
called_computation.2_lowered:
.L_overlay_start_0:
0x88: {  	s2 =	sld [smem:$0x3FD9]  }
0x89: {  	s3 =	sld [smem:$0x3FFE];
	_ =	sdelay $0x1  }
0x8a: {  	s1 =	srdreg.scid  }
0x8b: {  	s0 =	sand.u32 $0x1, s1  }
0x8c: {  	s14 =	sshll.u32 s0, $0xA;
	s2 =	sadd.s32 s3, s2  }
0x8d: {  	s2 =	sadd.s32 s2, s14  }
0x8e: {  	[smem:$0x3FC5] =	sst s2  }
0x8f: {  	_ = 	snop  }
0x90: {  	s2 =	sld [smem:$0x3FD0];
	_ =	sdelay $0x2  }
0x91: {  	s4 =	simm.s32 $0xA;
	s5 =	simm.s32 $0x10;
	s15 =	sld [smem:$0x3FC9]  }
0x92: {  	[smem:s5], [sflag:s4] =	dma.local [hbm:s2], $0x1  }
0x93: {  	_ =	swait.eq [sflag:s4], $0x1  }
0x94: {  	s16 =	sld [smem:$0x10];
	[sflag:s4] =	ssyncset.done $0x0  }
0x95: {  	s17 =	sld [smem:$0x11];
	[sflag:s4] =	ssyncadd.s32 $0xFFFFFFFF  }
0x96: {  	s18 =	sld [smem:$0x12];
	(tm) =	ssettm $0x1  }
0x97: {  	s6 =	sld [smem:$0x3FFB];
	_ =	sdelay $0x3  }
0x98: {  	_ =	strace s6  }
0x99: {  	s6 =	sld [smem:$0x3FFC];
	_ =	sdelay $0x3  }
0x9a: {  	_ =	strace s6  }
0x9b: {  	s6 =	sld [smem:$0x3FFD];
	_ =	sdelay $0x3  }
0x9c: {  	_ =	strace s6  }
0x9d: {  	_ =	strace $0x8FFFFFFF  }
0x9e: {  	s19 =	sld [smem:$0x3FDB];
	_ =	sdelay $0x1  }
0x9f: {  	s7 =	simm.s32 $_scs_section_size  }
0xa0: {  	s8 =	simm.s32 $_size__tile_overlayer_lowered;
	s9 =	simm.s32 $_tile_overlayer_lowered  }
0xa1: {  	s22 =	simm.s32 $0x1BFF;
	s21 =	sshll.u32 s9, $0x1;
	s6 =	sadd.s32 s7, s19  }
0xa2: {  	s10 =	simm.s32 $0x0;
	s20 =	sshll.u32 s8, $0x1;
	s8 =	sadd.s32 s21, s6  }
0xa3: {  	[timem:s10], [sflag:s22] =	dma.local [hbm:s8], s20  }
0xa4: {  	_ =	swait.ge [sflag:s22], s20  }
0xa5: {  	s7 =	ssub.s32 $0x0, s20;
	[sflag:s22] =	ssyncset.done $0x0  }
0xa6: {  	[sflag:s22] =	ssyncadd.s32 s7;
	_ =	sdelay $0x1  }
0xa7: {  	s23 =	simm.s32 $0x1B8B  }
0xa8: {  	_ =	swait.ge [sflag:s23], $0x1  }
0xa9: {  	[sflag:s23] =	ssyncset.done $0x0  }
0xaa: {  	s25 =	simm.s32 $0x1B8E;
	s24 =	sld [smem:$0x3FFE];
	[sflag:s23] =	ssyncadd.s32 $0xFFFFFFFF  }
0xab: {  	s26 =	simm.s32 $execute0_lowered;
	[smem:$0x3FD2] =	sst s25  }
0xac: {  	s8 =	sshll.u32 s26, $0x1;
	_ =	strace $0x80000049;
	[dreg:$0x1] =	wrdreg $0xFFFFFFFF  }
0xad: {  	s28 =	simm.s32 $_size_execute0_lowered;
	s6 =	sadd.s32 s6, s8;
	[dreg:$0x0] =	wrdreg $0x0  }
0xae: {  	s8 =	sshll.u32 s28, $0x1;
	[dreg:$0x2] =	wrdreg s6  }
0xaf: {  	[dreg:$0x3] =	wrdreg s8  }
0xb0: {  	[dreg:$0x4] =	wrdreg $0xC0  }
0xb1: {  	_ =	task [dreg:s10], $0x5FFFF  }
0xb2: {  	[dreg:$0x1] =	wrdreg $0xFFFFFFFF  }
0xb3: {  	[dreg:$0x0] =	wrdreg $0x60  }
0xb4: {  	[dreg:$0x2] =	wrdreg s15  }
0xb5: {  	[dreg:$0x3] =	wrdreg s24  }
0xb6: {  	[dreg:$0x4] =	wrdreg s18  }
0xb7: {  	[dreg:$0x5] =	wrdreg s16  }
0xb8: {  	[dreg:$0x6] =	wrdreg s17  }
0xb9: {  	[dreg:$0x7] =	wrdreg $0x167000  }
0xba: {  	[dreg:$0x8] =	wrdreg $0x9  }
0xbb: {  	_ =	task.clear_ibuf [dreg:s10], $0x9FFFF;
	_ =	strace $0x90000049  }
0xbc: {  	s29 =	simm.s32 $0x9;
	_ =	strace $0x8000004B  }
0xbd: {  	_ =	swait.ge [sflag:s29], $0x1  }
0xbe: {  	[sflag:s29] =	ssyncadd.s32 $0xFFFFFFFF  }
0xbf: {  	_ =	strace $0x9000004B  }
0xc0: {  	_ =	sfence  }
0xc1: {  	s30 =	sld [smem:$0x0];
	_ =	sdelay $0x2  }
0xc2: {  	s31 =	sshll.u32 s1, $0xD;
	s1 =	sshrl.u32 s1, $0x2  }
0xc3: {  	s3 =	sand.u32 $0x4000, s31;
	s1 =	sadd.s32 s1, s30  }
0xc4: {  	s0 =	sor.u32 s3, s0;
	s1 =	sshll.u32 s1, $0x11  }
0xc5: {  	s0 =	sor.u32 s1, s0  }
0xc6: {  	s0 =	sadd.s32 $0x8F2B, s0  }
0xc7: {  	[sflag:s0] =	ssyncadd.remote.s32 $0x1  }
0xc8: {  	_ =	sfence.sel $0xFFFF  }
0xc9: {  	[dreg:$0x0] =	wrdreg $0xFFFFFFFF;
	(pc) =	sbr.abs _section_cstart, $3  }
0xca: {  	[dreg:$0x1] =	wrdreg $0xFFFFFFFF  }
0xcb: {  	_ =	task.clear_ibuf [dreg:s10], $0x2FFFF;
	_ =	strace $0x9FFFFFFF  }
0xcc: {  	(tm) =	ssettm $0x7FFFFFFF  }
0xcd: {  	_ =	shalt  }
tec
execute0_lowered:
.L_overlay_start_1:
0x0: {  	(tag) =	ssettag $0x1  }
0x1: {  	s3 =	rddreg [dreg:$0x0]  }
0x2: {  	s4 =	rddreg [dreg:$0x1]  }
0x3: {  	s5 =	rddreg [dreg:$0x2]  }
0x4: {  	s1 =	rddreg [dreg:$0x3]  }
0x5: {  	s0 =	srdreg.scid;
	s6 =	rddreg [dreg:$0x4]  }
0x6: {  	s8 =	rddreg [dreg:$0x5];
	s15 =	stileid.u32;
	s20 =	simm.s32 $0x0  }
0x7: {  	s29 =	simm.s32 $0x134E0;
	s30 =	simm.s32 $0x134F0;
	s31 =	simm.s32 $0x13500  }
0x8: {  	s28 =	simm.s32 $0x135A0;
	s7 =	sand.u32 $0x1, s0;
	[smem:$0x7FF] =	sst s20  }
0x9: {  	s10 =	sshrl.u32 s15, $0x1;
	s26 =	sshll.u32 s15, $0x9;
	s0 =	sshll.u32 s7, $0x4  }
0xa: {  	_ =	strace $0x8000004A;
	s9 =	sshll.u32 s7, $0x3;
	s0 =	sor.u32 s15, s0  }
0xb: {  	s17 =	ssub.s32 $0x2, s7;
	s9 =	sor.u32 s10, s9;
	s2 =	smul.u32 $0x280, s0  }
0xc: {  	s14 =	sshrl.u32 s17, $0x1;
	s12 =	sshll.u32 s9, $0xD;
	s19 =	smul.u32 $0x133, s0  }
0xd: {  	s13 =	sshll.u32 s9, $0x4;
	s10 =	ssub.s32 s17, s14;
	s14 =	smul.u32 $0x1330, s7  }
0xe: {  	p0 =	slt.u32 s0, $0x8;
	s17 =	smul.u32 $0x133, s15;
	s13 =	sadd.s32 s13, s4  }
0xf: {  	s7 =	simm.s32 $0x135E0;
	s11 =	sadd.s32 s2, s4;
	s22 =	sadd.s32 $0xC400, s13  }
0x10: {  	s2 =	sand.u32 $0x1, s15;
	s23 =	sadd.s32 $0xC200, s13;
	[dreg:$0x18] =	wrdreg s22  }
0x11: {  	s13 =	sadd.s32 $0x100, s3;
	s16 =	sshll.u32 s2, $0xC;
	[dreg:$0x19] =	wrdreg s23  }
0x12: {  	s15 =	simm.s32 $0x3;
	s11 =	sadd.s32 $0x10200, s11;
	[dreg:$0x13] =	wrdreg s16  }
0x13: {  	s22 =	simm.s32 $0x13470;
	s23 =	simm.s32 $0x13480;
	[dreg:$0x14] =	wrdreg s11  }
0x14: {  	p1 =	sne.s32 s2, $0x0;
	s12 =	sor.u32 s16, s12;
	[dreg:$0xe] =	wrdreg s22  }
0x15: {  	s16 =	simm.s32 $0x13430;
	[dreg:$0xf] =	wrdreg s23;
	s12 =	sshrl.u32 s12, $0x3  }
0x16: {  	s2 =	simm.s32 $0x13520;
	[dreg:$0xa] =	wrdreg s16;
	s5 =	sadd.s32 s5, s12  }
0x17: {  	s11 =	smin.u32 s0, $0x8;
	s18 =	sadd.s32 s4, s12;
	[dreg:$0x16] =	wrdreg s5  }
0x18: {  	s22 =	simm.s32 $0x2400;
	s12 =	simm.s32 $0x13420;
	[dreg:$0x15] =	wrdreg s18  }
0x19: {  	s4 =	sadd.s32 $0x8, s19;
	s19 =	simm.s32 $0x13450;
	[dreg:$0x9] =	wrdreg s12  }
0x1a: {  	s23 =	simm.s32 $0x13540;
	s21 =	sadd.s32 $0x8200, s18;
	[dreg:$0xc] =	wrdreg s19  }
0x1b: {  	s16 =	simm.s32 $0x13560;
	s24 =	sadd.s32 $0x4000, s18;
	[dreg:$0x17] =	wrdreg s21  }
0x1c: {  	s5 =	smul.u32 $0x134, s0;
	s25 =	sadd.s32 $0x15200, s18;
	[dreg:$0x1a] =	wrdreg s24  }
0x1d: {  	s18 =	simm.s32 $0x13440;
	s12 =	simm.s32 $0x134C0;
	[dreg:$0x1b] =	wrdreg s25  }
0x1e: {  	s19 =	simm.s32 $0x135B0;
	[dreg:$0xb] =	wrdreg s18;
	s21 =	simm.s32 $0x13460  }
0x1f: {  	s24 =	simm.s32 $0x13490;
	s25 =	simm.s32 $0x134A0;
	s18 =	simm.s32 $0x134D0  }
0x20: {  	s4 =	smov.u32 @p0 s5;
	s5 =	sadd.s32 s26, s8;
	[dreg:$0xd] =	wrdreg s21  }
0x21: {  	s8 =	sshll.u32 s9, $0x6;
	s9 =	smax.u32 s10, $0x1;
	[dreg:$0x10] =	wrdreg s24  }
0x22: {  	s10 =	simm.s32 $0x13410;
	[dreg:$0x11] =	wrdreg s25;
	s26 =	simm.s32 $0x134B0  }
0x23: {  	p0 =	sgt.u32 s0, $0x7;
	s21 =	simm.s32 $0x13530;
	[dreg:$0x1c] =	wrdreg s5  }
0x24: {  	s24 =	simm.s32 $0x13550;
	s25 =	simm.s32 $0x13570;
	[smem:$0x7FC] =	sst s9  }
0x25: {  	s4 =	sshll.u32 s4, $0x9;
	s5 =	sadd.s32 $0x200, s5;
	[dreg:$0x8] =	wrdreg s10  }
0x26: {  	[dreg:$0x12] =	wrdreg s26;
	s26 =	simm.s32 $0x13590;
	s4 =	sadd.s32 s1, s4  }
0x27: {  	[dreg:$0x1e] =	wrdreg s5;
	s5 =	sor.u32 s14, s11;
	s11 =	simm.s32 $0x13400  }
.Ltmp0:
0x28: {  	s14 =	simm.s32 $0x135D0;
	s4 =	sadd.s32 $0x26000, s4;
	(pc) =	sbr.rel .LBB2_1-.Ltmp0, $4  }
0x29: {  	s5 =	sadd.s32 s17, s5;
	s17 =	simm.s32 $0x13580;
	[dreg:$0x1d] =	wrdreg s4  }
0x2a: {  	v0 =	vlaneseq.u32;
	s4 =	sadd.s32 s6, s8;
	s5 =	sshll.u32 s5, $0x9;
	s8 =	simm.s32 $0x135F0  }
0x2b: {  	v1 =	vimm.f32 $0.0e+00;
	vm0 =	vmmov $0xffff;
	v3 =	vshrl.u32 v0, $0x3;
	s6 =	simm.s32 $0x0;
	[dreg:$0x1f] =	wrdreg s4;
	s1 =	sadd.s32 s5, s1  }
0x2c: {  	v2 =	vand.u32 $0x7, v0;
	v4 =	vor.u32 $0x8, v0;
	v3 =	vmul.u32 $0x8, v3;
	s5 =	simm.s32 $0x135C0;
	[smem:$0x7FD] =	sst s1;
	s1 =	simm.s32 $0x13510  }
.LBB2_14:
0x2d: {  	s0 =	sld [smem:$0x7FC];
	_ =	sdelay $0x1  }
0x2e: {  	s6 =	sadd.s32 $0x1, s6  }
0x2f: {  	p2 =	sne.s32 s6, s0  }
.Ltmp1:
0x30: {  	_ = 	snop;
	(pc) =	sbr.rel @!p2 .LBB2_15-.Ltmp1, $1  }
0x31: {  	_ =	sdelay $0x3  }
.LBB2_1:
0x32: {  	[smem:$0x7FB] =	sst s6  }
0x33: {  	s0 =	rddreg [dreg:$0x14]  }
0x34: {  	[tilespmem:s20], [sflag:$0x3] =	stream.linear.gather [hbm4b:s0+s20], $0x1380, $0x38;
	[tilespmem:$0x16900] =	vst v63  }
0x35: {  	_ =	swait.ge [sflag:s15], $0x1380  }
0x36: {  	[sflag:s15] =	ssyncset.done $0x0  }
0x37: {  	s4 =	simm.s32 $0x1400;
	s9 =	rddreg [dreg:$0x16];
	[sflag:s15] =	ssyncadd.s32 $0xFFFFEC80  }
0x38: {  	[tilespmem:s4], [sflag:$0x3] =	stream.linear.gather [hbm4b:s9+s20], $0xD00, $0x38;
	[tilespmem:$0x16900] =	vst v63  }
0x39: {  	_ =	swait.ge [sflag:s15], $0xD00  }
0x3a: {  	[sflag:s15] =	ssyncset.done $0x0  }
0x3b: {  	s10 =	rddreg [dreg:$0x17];
	[sflag:s15] =	ssyncadd.s32 $0xFFFFF300  }
0x3c: {  	[tilespmem:s22], [sflag:$0x3] =	stream.linear.gather [hbm4b:s10+s20], $0xD00, $0x38;
	[tilespmem:$0x16900] =	vst v63  }
0x3d: {  	_ =	swait.ge [sflag:s15], $0xD00  }
0x3e: {  	[sflag:s15] =	ssyncset.done $0x0  }
0x3f: {  	s6 =	simm.s32 $0x16600;
	s4 =	rddreg [dreg:$0x18];
	[sflag:s15] =	ssyncadd.s32 $0xFFFFF300  }
0x40: {  	[tilespmem:s6], [sflag:$0x3] =	stream.linear.gather [hbm4b:s4+s20], $0x80, $0x38;
	[tilespmem:$0x16900] =	vst v63  }
0x41: {  	_ =	swait.ge [sflag:s15], $0x80  }
0x42: {  	[sflag:s15] =	ssyncset.done $0x0  }
0x43: {  	s10 =	simm.s32 $0x16680;
	s9 =	rddreg [dreg:$0x19];
	[sflag:s15] =	ssyncadd.s32 $0xFFFFFF80  }
0x44: {  	[tilespmem:s10], [sflag:$0x3] =	stream.linear.gather [hbm4b:s9+s20], $0x80, $0x38;
	[tilespmem:$0x16900] =	vst v63  }
0x45: {  	_ =	swait.ge [sflag:s15], $0x80  }
0x46: {  	[sflag:s15] =	ssyncset.done $0x0  }
0x47: {  	s6 =	simm.s32 $0x14600;
	s4 =	rddreg [dreg:$0x15];
	[sflag:s15] =	ssyncadd.s32 $0xFFFFFF80  }
0x48: {  	[tilespmem:s6], [sflag:$0x3] =	stream.linear.gather [hbm4b:s4+s20], $0x1000, $0x38;
	[tilespmem:$0x16900] =	vst v63  }
0x49: {  	_ =	swait.ge [sflag:s15], $0x1000  }
0x4a: {  	[sflag:s15] =	ssyncset.done $0x0  }
0x4b: {  	s10 =	simm.s32 $0x15600;
	s9 =	rddreg [dreg:$0x1a];
	[sflag:s15] =	ssyncadd.s32 $0xFFFFF000  }
0x4c: {  	[tilespmem:s10], [sflag:$0x3] =	stream.linear.gather [hbm4b:s9+s20], $0x1000, $0x38;
	[tilespmem:$0x16900] =	vst v63  }
0x4d: {  	_ =	swait.ge [sflag:s15], $0x1000  }
0x4e: {  	[sflag:s15] =	ssyncset.done $0x0  }
0x4f: {  	s0 =	simm.s32 $0x0;
	[sflag:s15] =	ssyncadd.s32 $0xFFFFF000  }
0x50: {  	v7 =	vld [tilespmem:s0+$0x14600]  }
0x51: {  	v8 =	vld [tilespmem:s0+$0x15600]  }
0x52: {  	v6 =	vld [tilespmem:$0x16680]  }
0x53: {  	v5 =	vld [tilespmem:$0x16600];
	_ =	sdelay $0x1  }
0x54: {  	s9 =	rddreg [dreg:$0x13]  }
0x55: {  	s4 =	simm.s32 $0x10;
	v8 =	vadd.f32 v8, v7;
	v7 =	vor.u32 s9, v0  }
0x56: {  	vm2 =	vge.s32 v7, v6;
	v7 =	vld [tilespmem:s4+$0x14600]  }
0x57: {  	vm1 =	veq.f32 v8, v5;
	vm3 =	vgt.f32 v8, v5;
	v8 =	vld [tilespmem:s4+$0x15600];
	_ =	sdelay $0x1  }
0x58: {  	vm1 =	vmand vm2, vm1  }
0x59: {  	s6 =	simm.s32 $0x80;
	vm1 =	vmor vm3, vm1  }
.LBB2_2:
0x5a: {  	s10 =	sshra.s32 s6, $0x2;
	v9 =	vsel vm1, $0x3F800000, v1;
	p2 =	sne.s32 s6, $0x3FC0  }
.Ltmp2:
0x5b: {  	s6 =	sadd.s32 $0x40, s6;
	s9 =	sadd.s32 $0x10, s9;
	v10 =	vadd.f32 v8, v7;
	v7 =	vld [tilespmem:s10+$0x14600];
	[tilespmem:s0+$0x13600] =	vst v9;
	(pc) =	sbr.rel @p2 .LBB2_2-.Ltmp2, $4  }
0x5c: {  	v9 =	vor.u32 s9, v0;
	s0 =	smov.u32 s4;
	s4 =	smov.u32 s10;
	v8 =	vld [tilespmem:s10+$0x15600]  }
0x5d: {  	vm2 =	vge.s32 v9, v6;
	vm1 =	veq.f32 v10, v5  }
0x5e: {  	vm3 =	vgt.f32 v10, v5;
	vm1 =	vmand vm2, vm1  }
0x5f: {  	vm1 =	vmor vm3, vm1  }
0x60: {  	_ = 	snop  }
0x61: {  	s6 =	sadd.s32 $0x10, s9;
	v7 =	vadd.f32 v8, v7  }
0x62: {  	v63 =	vor.u32 s6, v0  }
0x63: {  	vm2 =	vge.s32 v63, v6;
	vm3 =	veq.f32 v7, v5  }
0x64: {  	vm2 =	vmand vm2, vm3;
	vm3 =	vgt.f32 v7, v5  }
0x65: {  	v5 =	vsel vm1, $0x3F800000, v1;
	vm1 =	vmor vm3, vm2  }
0x66: {  	[tilespmem:s0+$0x13600] =	vst v5;
	v5 =	vsel vm1, $0x3F800000, v1  }
0x67: {  	s9 =	rddreg [dreg:$0x1b];
	s10 =	simm.s32 $0x13600;
	s0 =	simm.s32 $0x0;
	[tilespmem:s4+$0x13600] =	vst v5  }
0x68: {  	[hbm4b:s9+s0] =	stream.linear.scatter [tilespmem:s10], [sflag:$0x3], $0x1000, $0x38;
	[tilespmem:$0x16900] =	vst v63  }
0x69: {  	_ =	swait.ge [sflag:s15], $0x1000  }
0x6a: {  	[sflag:s15] =	ssyncset.done $0x0  }
0x6b: {  	[sflag:s15] =	ssyncadd.s32 $0xFFFFF000  }
0x6c: {  	v5 =	vld [tilespmem:$0x0];
	_ =	sdelay $0x4  }
0x6d: {  	v6 =	vshll.u32 v5, $0x2  }
0x6e: {  	v5 =	vand.u32 $0x7, v5;
	v6 =	vand.u32 $0xFFFFFFE0, v6  }
0x6f: {  	v5 =	vor.u32 v5, v6  }
0x70: {  	v6 =	vperm.xlane v5, v2;
	_ =	sdelay $0x1  }
0x71: {  	v6 =	vadd.s32 v3, v6;
	_ =	sdelay $0x1  }
0x72: {  	v5 =	vperm.xlane v5, v4;
	_ =	sdelay $0x1  }
0x73: {  	s6 =	simm.s32 $0x3400;
	v5 =	vadd.s32 v3, v5  }
0x74: {  	[tilespmem:s6], [sflag:$0x1] =	stream.indirect_vreg.gather [hbm4b:s3+s0], $0x80, v6, vm0, $0xb8;
	[tilespmem:$0x16900] =	vst v63  }
0x75: {  	s9 =	simm.s32 $0x3C00  }
0x76: {  	[tilespmem:s9], [sflag:$0x1] =	stream.indirect_vreg.gather [hbm4b:s13+s0], $0x80, v6, vm0, $0xb8;
	[tilespmem:$0x16900] =	vst v63  }
0x77: {  	s10 =	simm.s32 $0x4400  }
0x78: {  	[tilespmem:s10], [sflag:$0x1] =	stream.indirect_vreg.gather [hbm4b:s3+s0], $0x80, v5, vm0, $0xb8;
	[tilespmem:$0x16900] =	vst v63  }
0x79: {  	s15 =	simm.s32 $0x4C00  }
0x7a: {  	[tilespmem:s15], [sflag:$0x1] =	stream.indirect_vreg.gather [hbm4b:s13+s0], $0x80, v5, vm0, $0xb8;
	[tilespmem:$0x16900] =	vst v63  }
0x7b: {  	v5 =	vld [tilespmem:$0x10];
	_ =	sdelay $0x4  }
0x7c: {  	v6 =	vshll.u32 v5, $0x2  }
0x7d: {  	v5 =	vand.u32 $0x7, v5;
	v6 =	vand.u32 $0xFFFFFFE0, v6  }
0x7e: {  	v5 =	vor.u32 v5, v6  }
0x7f: {  	v6 =	vperm.xlane v5, v2;
	_ =	sdelay $0x1  }
0x80: {  	v6 =	vadd.s32 v3, v6;
	_ =	sdelay $0x1  }
0x81: {  	v5 =	vperm.xlane v5, v4;
	_ =	sdelay $0x1  }
0x82: {  	s6 =	simm.s32 $0x5400;
	v5 =	vadd.s32 v3, v5  }
0x83: {  	[tilespmem:s6], [sflag:$0x1] =	stream.indirect_vreg.gather [hbm4b:s3+s0], $0x80, v6, vm0, $0xb8;
	[tilespmem:$0x16900] =	vst v63  }
0x84: {  	s9 =	simm.s32 $0x5C00  }
0x85: {  	[tilespmem:s9], [sflag:$0x1] =	stream.indirect_vreg.gather [hbm4b:s13+s0], $0x80, v6, vm0, $0xb8;
	[tilespmem:$0x16900] =	vst v63  }
0x86: {  	s10 =	simm.s32 $0x6400  }
0x87: {  	[tilespmem:s10], [sflag:$0x1] =	stream.indirect_vreg.gather [hbm4b:s3+s0], $0x80, v5, vm0, $0xb8;
	[tilespmem:$0x16900] =	vst v63  }
0x88: {  	s15 =	simm.s32 $0x6C00  }
0x89: {  	[tilespmem:s15], [sflag:$0x1] =	stream.indirect_vreg.gather [hbm4b:s13+s0], $0x80, v5, vm0, $0xb8;
	[tilespmem:$0x16900] =	vst v63  }
0x8a: {  	v5 =	vld [tilespmem:$0x20];
	_ =	sdelay $0x4  }
0x8b: {  	v6 =	vshll.u32 v5, $0x2  }
0x8c: {  	v5 =	vand.u32 $0x7, v5;
	v6 =	vand.u32 $0xFFFFFFE0, v6  }
0x8d: {  	v5 =	vor.u32 v5, v6  }
0x8e: {  	v6 =	vperm.xlane v5, v2;
	_ =	sdelay $0x1  }
0x8f: {  	v6 =	vadd.s32 v3, v6;
	_ =	sdelay $0x1  }
0x90: {  	v5 =	vperm.xlane v5, v4;
	_ =	sdelay $0x1  }
0x91: {  	s6 =	simm.s32 $0x7400;
	v5 =	vadd.s32 v3, v5  }
0x92: {  	[tilespmem:s6], [sflag:$0x1] =	stream.indirect_vreg.gather [hbm4b:s3+s0], $0x80, v6, vm0, $0xb8;
	[tilespmem:$0x16900] =	vst v63  }
0x93: {  	s9 =	simm.s32 $0x7C00  }
0x94: {  	[tilespmem:s9], [sflag:$0x1] =	stream.indirect_vreg.gather [hbm4b:s13+s0], $0x80, v6, vm0, $0xb8;
	[tilespmem:$0x16900] =	vst v63  }
0x95: {  	s10 =	simm.s32 $0x8400  }
0x96: {  	[tilespmem:s10], [sflag:$0x1] =	stream.indirect_vreg.gather [hbm4b:s3+s0], $0x80, v5, vm0, $0xb8;
	[tilespmem:$0x16900] =	vst v63  }
0x97: {  	s15 =	simm.s32 $0x8C00  }
0x98: {  	[tilespmem:s15], [sflag:$0x1] =	stream.indirect_vreg.gather [hbm4b:s13+s0], $0x80, v5, vm0, $0xb8;
	[tilespmem:$0x16900] =	vst v63  }
0x99: {  	v5 =	vld [tilespmem:$0x30];
	_ =	sdelay $0x4  }
0x9a: {  	v6 =	vshll.u32 v5, $0x2  }
0x9b: {  	v5 =	vand.u32 $0x7, v5;
	v6 =	vand.u32 $0xFFFFFFE0, v6  }
0x9c: {  	v5 =	vor.u32 v5, v6  }
0x9d: {  	v6 =	vperm.xlane v5, v2;
	_ =	sdelay $0x1  }
0x9e: {  	v6 =	vadd.s32 v3, v6;
	_ =	sdelay $0x1  }
0x9f: {  	v5 =	vperm.xlane v5, v4;
	_ =	sdelay $0x1  }
0xa0: {  	s6 =	simm.s32 $0x9400;
	v5 =	vadd.s32 v3, v5  }
0xa1: {  	[tilespmem:s6], [sflag:$0x1] =	stream.indirect_vreg.gather [hbm4b:s3+s0], $0x80, v6, vm0, $0xb8;
	[tilespmem:$0x16900] =	vst v63  }
0xa2: {  	s9 =	simm.s32 $0x9C00  }
0xa3: {  	[tilespmem:s9], [sflag:$0x1] =	stream.indirect_vreg.gather [hbm4b:s13+s0], $0x80, v6, vm0, $0xb8;
	[tilespmem:$0x16900] =	vst v63  }
0xa4: {  	s10 =	simm.s32 $0xA400  }
0xa5: {  	[tilespmem:s10], [sflag:$0x1] =	stream.indirect_vreg.gather [hbm4b:s3+s0], $0x80, v5, vm0, $0xb8;
	[tilespmem:$0x16900] =	vst v63  }
0xa6: {  	s4 =	simm.s32 $0xB0;
	s15 =	simm.s32 $0xAC00;
	s6 =	sld [smem:$0x7FD]  }
0xa7: {  	[tilespmem:s15], [sflag:$0x1] =	stream.indirect_vreg.gather [hbm4b:s13+s0], $0x80, v5, vm0, $0xb8;
	[tilespmem:$0x16900] =	vst v63  }
.LBB2_4:
0xa8: {  	s9 =	simm.s32 $0x1  }
0xa9: {  	_ =	swait.ge [sflag:s9], $0x8000  }
0xaa: {  	p2 =	seq.s32 s0, $0x0;
	[sflag:s9] =	ssyncset.done $0x0  }
0xab: {  	[sflag:s9] =	ssyncadd.s32 $0xFFFF8000;
	s9 =	simm.s32 @!p2 $0x2  }
0xac: {  	_ =	swait.ge @!p2 [sflag:s9], $0x8000  }
0xad: {  	[sflag:s9] =	ssyncset.done @!p2 $0x0  }
0xae: {  	[sflag:s9] =	ssyncadd.s32 @!p2 $0xFFFF8000  }
0xaf: {  	v5 =	vld [tilespmem:s4+$0xFFFFFFD0];
	_ =	sdelay $0x4  }
0xb0: {  	v6 =	vshll.u32 v5, $0x2  }
0xb1: {  	v5 =	vand.u32 $0x7, v5;
	v6 =	vand.u32 $0xFFFFFFE0, v6  }
0xb2: {  	v5 =	vor.u32 v5, v6  }
0xb3: {  	v6 =	vperm.xlane v5, v2;
	_ =	sdelay $0x1  }
0xb4: {  	v6 =	vadd.s32 v3, v6  }
0xb5: {  	s15 =	sand.u32 $0x1, s0  }
0xb6: {  	s9 =	sshll.u32 s15, $0xF;
	v5 =	vperm.xlane v5, v4  }
0xb7: {  	s10 =	sxor.u32 $0x8000, s9  }
0xb8: {  	s15 =	sor.u32 $0x3400, s10;
	v5 =	vadd.s32 v3, v5  }
0xb9: {  	[tilespmem:s15], [sflag:$0x1] =	stream.indirect_vreg.gather [hbm4b:s3+s20], $0x80, v6, vm0, $0xb8;
	[tilespmem:$0x16900] =	vst v63  }
0xba: {  	s15 =	sor.u32 $0x3C00, s10  }
0xbb: {  	[tilespmem:s15], [sflag:$0x1] =	stream.indirect_vreg.gather [hbm4b:s13+s20], $0x80, v6, vm0, $0xb8;
	[tilespmem:$0x16900] =	vst v63  }
0xbc: {  	s15 =	sor.u32 $0x4400, s10  }
0xbd: {  	[tilespmem:s15], [sflag:$0x1] =	stream.indirect_vreg.gather [hbm4b:s3+s20], $0x80, v5, vm0, $0xb8;
	[tilespmem:$0x16900] =	vst v63  }
0xbe: {  	s15 =	sor.u32 $0x4C00, s10  }
0xbf: {  	[tilespmem:s15], [sflag:$0x1] =	stream.indirect_vreg.gather [hbm4b:s13+s20], $0x80, v5, vm0, $0xb8;
	[tilespmem:$0x16900] =	vst v63  }
0xc0: {  	v5 =	vld [tilespmem:s4+$0xFFFFFFE0];
	_ =	sdelay $0x4  }
0xc1: {  	v6 =	vshll.u32 v5, $0x2  }
0xc2: {  	v5 =	vand.u32 $0x7, v5;
	v6 =	vand.u32 $0xFFFFFFE0, v6  }
0xc3: {  	v5 =	vor.u32 v5, v6  }
0xc4: {  	v6 =	vperm.xlane v5, v2;
	_ =	sdelay $0x1  }
0xc5: {  	v6 =	vadd.s32 v3, v6;
	_ =	sdelay $0x1  }
0xc6: {  	v5 =	vperm.xlane v5, v4;
	_ =	sdelay $0x1  }
0xc7: {  	s15 =	sor.u32 $0x5400, s10;
	v5 =	vadd.s32 v3, v5  }
0xc8: {  	[tilespmem:s15], [sflag:$0x1] =	stream.indirect_vreg.gather [hbm4b:s3+s20], $0x80, v6, vm0, $0xb8;
	[tilespmem:$0x16900] =	vst v63  }
0xc9: {  	s15 =	sor.u32 $0x5C00, s10  }
0xca: {  	[tilespmem:s15], [sflag:$0x1] =	stream.indirect_vreg.gather [hbm4b:s13+s20], $0x80, v6, vm0, $0xb8;
	[tilespmem:$0x16900] =	vst v63  }
0xcb: {  	s15 =	sor.u32 $0x6400, s10  }
0xcc: {  	[tilespmem:s15], [sflag:$0x1] =	stream.indirect_vreg.gather [hbm4b:s3+s20], $0x80, v5, vm0, $0xb8;
	[tilespmem:$0x16900] =	vst v63  }
0xcd: {  	s15 =	sor.u32 $0x6C00, s10  }
0xce: {  	[tilespmem:s15], [sflag:$0x1] =	stream.indirect_vreg.gather [hbm4b:s13+s20], $0x80, v5, vm0, $0xb8;
	[tilespmem:$0x16900] =	vst v63  }
0xcf: {  	v5 =	vld [tilespmem:s4+$0xFFFFFFF0];
	_ =	sdelay $0x4  }
0xd0: {  	v6 =	vshll.u32 v5, $0x2  }
0xd1: {  	v5 =	vand.u32 $0x7, v5;
	v6 =	vand.u32 $0xFFFFFFE0, v6  }
0xd2: {  	v5 =	vor.u32 v5, v6  }
0xd3: {  	v6 =	vperm.xlane v5, v2;
	_ =	sdelay $0x1  }
0xd4: {  	v6 =	vadd.s32 v3, v6;
	_ =	sdelay $0x1  }
0xd5: {  	v5 =	vperm.xlane v5, v4;
	_ =	sdelay $0x1  }
0xd6: {  	s15 =	sor.u32 $0x7400, s10;
	v5 =	vadd.s32 v3, v5  }
0xd7: {  	[tilespmem:s15], [sflag:$0x1] =	stream.indirect_vreg.gather [hbm4b:s3+s20], $0x80, v6, vm0, $0xb8;
	[tilespmem:$0x16900] =	vst v63  }
0xd8: {  	s15 =	sor.u32 $0x7C00, s10  }
0xd9: {  	[tilespmem:s15], [sflag:$0x1] =	stream.indirect_vreg.gather [hbm4b:s13+s20], $0x80, v6, vm0, $0xb8;
	[tilespmem:$0x16900] =	vst v63  }
0xda: {  	s15 =	sadd.s32 $0x8400, s10  }
0xdb: {  	[tilespmem:s15], [sflag:$0x1] =	stream.indirect_vreg.gather [hbm4b:s3+s20], $0x80, v5, vm0, $0xb8;
	[tilespmem:$0x16900] =	vst v63  }
0xdc: {  	s15 =	sadd.s32 $0x8C00, s10  }
0xdd: {  	[tilespmem:s15], [sflag:$0x1] =	stream.indirect_vreg.gather [hbm4b:s13+s20], $0x80, v5, vm0, $0xb8;
	[tilespmem:$0x16900] =	vst v63  }
0xde: {  	v5 =	vld [tilespmem:s4+$0x0];
	_ =	sdelay $0x4  }
0xdf: {  	v6 =	vshll.u32 v5, $0x2  }
0xe0: {  	v5 =	vand.u32 $0x7, v5;
	v6 =	vand.u32 $0xFFFFFFE0, v6  }
0xe1: {  	v5 =	vor.u32 v5, v6  }
0xe2: {  	v6 =	vperm.xlane v5, v2;
	_ =	sdelay $0x1  }
0xe3: {  	v6 =	vadd.s32 v3, v6;
	_ =	sdelay $0x1  }
0xe4: {  	v5 =	vperm.xlane v5, v4;
	_ =	sdelay $0x1  }
0xe5: {  	s15 =	sadd.s32 $0x9400, s10;
	v5 =	vadd.s32 v3, v5  }
0xe6: {  	[tilespmem:s15], [sflag:$0x1] =	stream.indirect_vreg.gather [hbm4b:s3+s20], $0x80, v6, vm0, $0xb8;
	[tilespmem:$0x16900] =	vst v63  }
0xe7: {  	s0 =	sadd.s32 $0x1, s0;
	s15 =	sadd.s32 $0x9C00, s10  }
0xe8: {  	[tilespmem:s15], [sflag:$0x1] =	stream.indirect_vreg.gather [hbm4b:s13+s20], $0x80, v6, vm0, $0xb8;
	[tilespmem:$0x16900] =	vst v63  }
0xe9: {  	p2 =	sne.s32 s0, $0x26;
	s15 =	sadd.s32 $0xA400, s10  }
0xea: {  	[tilespmem:s15], [sflag:$0x1] =	stream.indirect_vreg.gather [hbm4b:s3+s20], $0x80, v5, vm0, $0xb8;
	[tilespmem:$0x16900] =	vst v63  }
.Ltmp3:
0xeb: {  	s10 =	sadd.s32 $0xAC00, s10;
	(pc) =	sbr.rel @p2 .LBB2_4-.Ltmp3, $4  }
0xec: {  	[tilespmem:s10], [sflag:$0x1] =	stream.indirect_vreg.gather [hbm4b:s13+s20], $0x80, v5, vm0, $0xb8;
	[tilespmem:$0x16900] =	vst v63  }
0xed: {  	s9 =	sor.u32 $0x3400, s9  }
0xee: {  	[hbm4b:s6+s20] =	stream.linear.scatter [tilespmem:s9], [sflag:$0x2], $0x8000, $0x38;
	[tilespmem:$0x16900] =	vst v63  }
0xef: {  	s4 =	sadd.s32 $0x80, s4;
	s6 =	sadd.s32 $0x1000, s6  }
0xf0: {  	s0 =	simm.s32 $0x1  }
0xf1: {  	_ =	swait.ge [sflag:s0], $0x8000  }
0xf2: {  	[sflag:s0] =	ssyncset.done $0x0  }
0xf3: {  	s4 =	simm.s32 $0x2;
	[sflag:s0] =	ssyncadd.s32 $0xFFFF8000  }
0xf4: {  	_ =	swait.ge [sflag:s4], $0x8000  }
0xf5: {  	s0 =	simm.s32 @p0 $0x0;
	[sflag:s4] =	ssyncset.done $0x0  }
0xf6: {  	s6 =	rddreg [dreg:$0x1d];
	[sflag:s4] =	ssyncadd.s32 $0xFFFF8000;
	s4 =	simm.s32 @p0 $0x3400  }
0xf7: {  	[hbm4b:s6+s0] =	stream.linear.scatter @p0 [tilespmem:s4], [sflag:$0x3], $0x3000, $0x38;
	[tilespmem:$0x16900] =	vst v63  }
0xf8: {  	s0 =	simm.s32 @p0 $0x3  }
0xf9: {  	_ =	swait.ge @p0 [sflag:s0], $0x3000  }
0xfa: {  	[sflag:s0] =	ssyncset.done @p0 $0x0  }
0xfb: {  	s4 =	simm.s32 @!p0 $0x3400;
	[sflag:s0] =	ssyncadd.s32 @p0 $0xFFFFD000;
	s0 =	simm.s32 @!p0 $0x0  }
0xfc: {  	[hbm4b:s6+s0] =	stream.linear.scatter @!p0 [tilespmem:s4], [sflag:$0x3], $0x4000, $0x38;
	[tilespmem:$0x16900] =	vst v63  }
0xfd: {  	s0 =	simm.s32 @!p0 $0x3  }
0xfe: {  	_ =	swait.ge @!p0 [sflag:s0], $0x4000  }
0xff: {  	[sflag:s0] =	ssyncset.done @!p0 $0x0  }
0x100: {  	[sflag:s0] =	ssyncadd.s32 @!p0 $0xFFFFC000  }
0x101: {  	[tilespmem:$0x13400] =	vst v1  }
0x102: {  	[tilespmem:$0x13410] =	vst v1  }
0x103: {  	[tilespmem:$0x13420] =	vst v1  }
0x104: {  	[tilespmem:$0x13430] =	vst v1  }
0x105: {  	[tilespmem:$0x13440] =	vst v1  }
0x106: {  	[tilespmem:$0x13450] =	vst v1  }
0x107: {  	[tilespmem:$0x13460] =	vst v1  }
0x108: {  	[tilespmem:$0x13470] =	vst v1  }
0x109: {  	[tilespmem:$0x13480] =	vst v1  }
0x10a: {  	[tilespmem:$0x13490] =	vst v1  }
0x10b: {  	[tilespmem:$0x134A0] =	vst v1  }
0x10c: {  	[tilespmem:$0x134B0] =	vst v1  }
0x10d: {  	[tilespmem:$0x134C0] =	vst v1  }
0x10e: {  	[tilespmem:$0x134D0] =	vst v1  }
0x10f: {  	[tilespmem:$0x134E0] =	vst v1  }
0x110: {  	[tilespmem:$0x134F0] =	vst v1  }
0x111: {  	[tilespmem:$0x13500] =	vst v1  }
0x112: {  	[tilespmem:$0x13510] =	vst v1;
	v5 =	vld [tilespmem:$0x1400]  }
0x113: {  	[tilespmem:$0x13520] =	vst v1  }
0x114: {  	[tilespmem:$0x13530] =	vst v1  }
0x115: {  	[tilespmem:$0x13540] =	vst v1  }
0x116: {  	[tilespmem:$0x13550] =	vst v1  }
0x117: {  	[tilespmem:$0x13560] =	vst v1;
	v6 =	vshll.u32 v5, $0x2  }
0x118: {  	[tilespmem:$0x13570] =	vst v1;
	v5 =	vand.u32 $0x7, v5;
	v6 =	vand.u32 $0xFFFFFFE0, v6  }
0x119: {  	[tilespmem:$0x13580] =	vst v1;
	v5 =	vor.u32 v5, v6  }
0x11a: {  	[tilespmem:$0x13590] =	vst v1;
	v6 =	vperm.xlane v5, v2  }
0x11b: {  	[tilespmem:$0x135A0] =	vst v1  }
0x11c: {  	[tilespmem:$0x135B0] =	vst v1;
	v6 =	vadd.s32 v3, v6  }
0x11d: {  	[tilespmem:$0x135C0] =	vst v1  }
0x11e: {  	[tilespmem:$0x135D0] =	vst v1;
	v5 =	vperm.xlane v5, v4  }
0x11f: {  	[tilespmem:$0x135E0] =	vst v1  }
0x120: {  	s6 =	simm.s32 $0x3400;
	s0 =	simm.s32 $0x0;
	[tilespmem:$0x135F0] =	vst v1;
	v5 =	vadd.s32 v3, v5  }
0x121: {  	[tilespmem:s6], [sflag:$0x1] =	stream.indirect_vreg.gather [hbm4b:s3+s0], $0x80, v6, vm0, $0xb8;
	[tilespmem:$0x16900] =	vst v63  }
0x122: {  	s9 =	simm.s32 $0x3C00  }
0x123: {  	[tilespmem:s9], [sflag:$0x1] =	stream.indirect_vreg.gather [hbm4b:s13+s0], $0x80, v6, vm0, $0xb8;
	[tilespmem:$0x16900] =	vst v63  }
0x124: {  	s10 =	simm.s32 $0x4400  }
0x125: {  	[tilespmem:s10], [sflag:$0x1] =	stream.indirect_vreg.gather [hbm4b:s3+s0], $0x80, v5, vm0, $0xb8;
	[tilespmem:$0x16900] =	vst v63  }
0x126: {  	s15 =	simm.s32 $0x4C00  }
0x127: {  	[tilespmem:s15], [sflag:$0x1] =	stream.indirect_vreg.gather [hbm4b:s13+s0], $0x80, v5, vm0, $0xb8;
	[tilespmem:$0x16900] =	vst v63  }
0x128: {  	v5 =	vld [tilespmem:$0x1410];
	_ =	sdelay $0x4  }
0x129: {  	v6 =	vshll.u32 v5, $0x2  }
0x12a: {  	v5 =	vand.u32 $0x7, v5;
	v6 =	vand.u32 $0xFFFFFFE0, v6  }
0x12b: {  	v5 =	vor.u32 v5, v6  }
0x12c: {  	v6 =	vperm.xlane v5, v2;
	_ =	sdelay $0x1  }
0x12d: {  	v6 =	vadd.s32 v3, v6;
	_ =	sdelay $0x1  }
0x12e: {  	v5 =	vperm.xlane v5, v4;
	_ =	sdelay $0x1  }
0x12f: {  	s6 =	simm.s32 $0x5400;
	v5 =	vadd.s32 v3, v5  }
0x130: {  	[tilespmem:s6], [sflag:$0x1] =	stream.indirect_vreg.gather [hbm4b:s3+s0], $0x80, v6, vm0, $0xb8;
	[tilespmem:$0x16900] =	vst v63  }
0x131: {  	s9 =	simm.s32 $0x5C00  }
0x132: {  	[tilespmem:s9], [sflag:$0x1] =	stream.indirect_vreg.gather [hbm4b:s13+s0], $0x80, v6, vm0, $0xb8;
	[tilespmem:$0x16900] =	vst v63  }
0x133: {  	s10 =	simm.s32 $0x6400  }
0x134: {  	[tilespmem:s10], [sflag:$0x1] =	stream.indirect_vreg.gather [hbm4b:s3+s0], $0x80, v5, vm0, $0xb8;
	[tilespmem:$0x16900] =	vst v63  }
0x135: {  	s15 =	simm.s32 $0x6C00  }
0x136: {  	[tilespmem:s15], [sflag:$0x1] =	stream.indirect_vreg.gather [hbm4b:s13+s0], $0x80, v5, vm0, $0xb8;
	[tilespmem:$0x16900] =	vst v63  }
0x137: {  	v5 =	vld [tilespmem:$0x1420];
	_ =	sdelay $0x4  }
0x138: {  	v6 =	vshll.u32 v5, $0x2  }
0x139: {  	v5 =	vand.u32 $0x7, v5;
	v6 =	vand.u32 $0xFFFFFFE0, v6  }
0x13a: {  	v5 =	vor.u32 v5, v6  }
0x13b: {  	v6 =	vperm.xlane v5, v2;
	_ =	sdelay $0x1  }
0x13c: {  	v6 =	vadd.s32 v3, v6;
	_ =	sdelay $0x1  }
0x13d: {  	v5 =	vperm.xlane v5, v4;
	_ =	sdelay $0x1  }
0x13e: {  	s6 =	simm.s32 $0x7400;
	v5 =	vadd.s32 v3, v5  }
0x13f: {  	[tilespmem:s6], [sflag:$0x1] =	stream.indirect_vreg.gather [hbm4b:s3+s0], $0x80, v6, vm0, $0xb8;
	[tilespmem:$0x16900] =	vst v63  }
0x140: {  	s9 =	simm.s32 $0x7C00  }
0x141: {  	[tilespmem:s9], [sflag:$0x1] =	stream.indirect_vreg.gather [hbm4b:s13+s0], $0x80, v6, vm0, $0xb8;
	[tilespmem:$0x16900] =	vst v63  }
0x142: {  	s10 =	simm.s32 $0x8400  }
0x143: {  	[tilespmem:s10], [sflag:$0x1] =	stream.indirect_vreg.gather [hbm4b:s3+s0], $0x80, v5, vm0, $0xb8;
	[tilespmem:$0x16900] =	vst v63  }
0x144: {  	s15 =	simm.s32 $0x8C00  }
0x145: {  	[tilespmem:s15], [sflag:$0x1] =	stream.indirect_vreg.gather [hbm4b:s13+s0], $0x80, v5, vm0, $0xb8;
	[tilespmem:$0x16900] =	vst v63  }
0x146: {  	v5 =	vld [tilespmem:$0x1430];
	_ =	sdelay $0x4  }
0x147: {  	v6 =	vshll.u32 v5, $0x2  }
0x148: {  	v5 =	vand.u32 $0x7, v5;
	v6 =	vand.u32 $0xFFFFFFE0, v6  }
0x149: {  	v5 =	vor.u32 v5, v6  }
0x14a: {  	v6 =	vperm.xlane v5, v2;
	_ =	sdelay $0x1  }
0x14b: {  	v6 =	vadd.s32 v3, v6;
	_ =	sdelay $0x1  }
0x14c: {  	v5 =	vperm.xlane v5, v4;
	_ =	sdelay $0x1  }
0x14d: {  	s6 =	simm.s32 $0x9400;
	v5 =	vadd.s32 v3, v5  }
0x14e: {  	[tilespmem:s6], [sflag:$0x1] =	stream.indirect_vreg.gather [hbm4b:s3+s0], $0x80, v6, vm0, $0xb8;
	[tilespmem:$0x16900] =	vst v63  }
0x14f: {  	s9 =	simm.s32 $0x9C00  }
0x150: {  	[tilespmem:s9], [sflag:$0x1] =	stream.indirect_vreg.gather [hbm4b:s13+s0], $0x80, v6, vm0, $0xb8;
	[tilespmem:$0x16900] =	vst v63  }
0x151: {  	s10 =	simm.s32 $0xA400  }
0x152: {  	[tilespmem:s10], [sflag:$0x1] =	stream.indirect_vreg.gather [hbm4b:s3+s0], $0x80, v5, vm0, $0xb8;
	[tilespmem:$0x16900] =	vst v63  }
0x153: {  	s15 =	simm.s32 $0xAC00;
	s6 =	simm.s32 $0x1  }
0x154: {  	[tilespmem:s15], [sflag:$0x1] =	stream.indirect_vreg.gather [hbm4b:s13+s0], $0x80, v5, vm0, $0xb8;
	[tilespmem:$0x16900] =	vst v63  }
.LBB2_7:
0x155: {  	p2 =	seq.s32 s0, $0x19  }
.Ltmp4:
0x156: {  	_ = 	snop;
	(pc) =	sbr.rel @p2 .LBB2_9-.Ltmp4, $4  }
0x157: {  	_ = 	snop  }
0x158: {  	_ =	swait.ge [sflag:s6], $0x8000  }
0x159: {  	[sflag:s6] =	ssyncset.done $0x0  }
0x15a: {  	s4 =	sand.u32 $0x1, s0;
	s15 =	sadd.s32 $0x1, s0;
	[sflag:s6] =	ssyncadd.s32 $0xFFFF8000  }
0x15b: {  	s6 =	sshll.u32 s15, $0x7  }
0x15c: {  	s6 =	sand.u32 $0x3FFFFF80, s6  }
0x15d: {  	v5 =	vld [tilespmem:s6+$0x1400];
	_ =	sdelay $0x4  }
0x15e: {  	v6 =	vshll.u32 v5, $0x2  }
0x15f: {  	v5 =	vand.u32 $0x7, v5;
	v6 =	vand.u32 $0xFFFFFFE0, v6  }
0x160: {  	v5 =	vor.u32 v5, v6  }
0x161: {  	v6 =	vperm.xlane v5, v2;
	_ =	sdelay $0x1  }
0x162: {  	v6 =	vadd.s32 v3, v6;
	_ =	sdelay $0x1  }
0x163: {  	s9 =	sshll.u32 s4, $0xF;
	v5 =	vperm.xlane v5, v4  }
0x164: {  	s9 =	sxor.u32 $0x8000, s9  }
0x165: {  	s10 =	sor.u32 $0x3400, s9;
	v5 =	vadd.s32 v3, v5  }
0x166: {  	[tilespmem:s10], [sflag:$0x1] =	stream.indirect_vreg.gather [hbm4b:s3+s20], $0x80, v6, vm0, $0xb8;
	[tilespmem:$0x16900] =	vst v63  }
0x167: {  	s10 =	sor.u32 $0x3C00, s9  }
0x168: {  	[tilespmem:s10], [sflag:$0x1] =	stream.indirect_vreg.gather [hbm4b:s13+s20], $0x80, v6, vm0, $0xb8;
	[tilespmem:$0x16900] =	vst v63  }
0x169: {  	s10 =	sor.u32 $0x4400, s9  }
0x16a: {  	[tilespmem:s10], [sflag:$0x1] =	stream.indirect_vreg.gather [hbm4b:s3+s20], $0x80, v5, vm0, $0xb8;
	[tilespmem:$0x16900] =	vst v63  }
0x16b: {  	s10 =	sor.u32 $0x4C00, s9  }
0x16c: {  	[tilespmem:s10], [sflag:$0x1] =	stream.indirect_vreg.gather [hbm4b:s13+s20], $0x80, v5, vm0, $0xb8;
	[tilespmem:$0x16900] =	vst v63  }
0x16d: {  	v5 =	vld [tilespmem:s6+$0x1410];
	_ =	sdelay $0x4  }
0x16e: {  	v6 =	vshll.u32 v5, $0x2  }
0x16f: {  	v5 =	vand.u32 $0x7, v5;
	v6 =	vand.u32 $0xFFFFFFE0, v6  }
0x170: {  	v5 =	vor.u32 v5, v6  }
0x171: {  	v6 =	vperm.xlane v5, v2;
	_ =	sdelay $0x1  }
0x172: {  	v6 =	vadd.s32 v3, v6;
	_ =	sdelay $0x1  }
0x173: {  	v5 =	vperm.xlane v5, v4;
	_ =	sdelay $0x1  }
0x174: {  	s10 =	sor.u32 $0x5400, s9;
	v5 =	vadd.s32 v3, v5  }
0x175: {  	[tilespmem:s10], [sflag:$0x1] =	stream.indirect_vreg.gather [hbm4b:s3+s20], $0x80, v6, vm0, $0xb8;
	[tilespmem:$0x16900] =	vst v63  }
0x176: {  	s10 =	sor.u32 $0x5C00, s9  }
0x177: {  	[tilespmem:s10], [sflag:$0x1] =	stream.indirect_vreg.gather [hbm4b:s13+s20], $0x80, v6, vm0, $0xb8;
	[tilespmem:$0x16900] =	vst v63  }
0x178: {  	s10 =	sor.u32 $0x6400, s9  }
0x179: {  	[tilespmem:s10], [sflag:$0x1] =	stream.indirect_vreg.gather [hbm4b:s3+s20], $0x80, v5, vm0, $0xb8;
	[tilespmem:$0x16900] =	vst v63  }
0x17a: {  	s10 =	sor.u32 $0x6C00, s9  }
0x17b: {  	[tilespmem:s10], [sflag:$0x1] =	stream.indirect_vreg.gather [hbm4b:s13+s20], $0x80, v5, vm0, $0xb8;
	[tilespmem:$0x16900] =	vst v63  }
0x17c: {  	v5 =	vld [tilespmem:s6+$0x1420];
	_ =	sdelay $0x4  }
0x17d: {  	v6 =	vshll.u32 v5, $0x2  }
0x17e: {  	v5 =	vand.u32 $0x7, v5;
	v6 =	vand.u32 $0xFFFFFFE0, v6  }
0x17f: {  	v5 =	vor.u32 v5, v6  }
0x180: {  	v6 =	vperm.xlane v5, v2;
	_ =	sdelay $0x1  }
0x181: {  	v6 =	vadd.s32 v3, v6;
	_ =	sdelay $0x1  }
0x182: {  	v5 =	vperm.xlane v5, v4;
	_ =	sdelay $0x1  }
0x183: {  	s10 =	sor.u32 $0x7400, s9;
	v5 =	vadd.s32 v3, v5  }
0x184: {  	[tilespmem:s10], [sflag:$0x1] =	stream.indirect_vreg.gather [hbm4b:s3+s20], $0x80, v6, vm0, $0xb8;
	[tilespmem:$0x16900] =	vst v63  }
0x185: {  	s10 =	sor.u32 $0x7C00, s9  }
0x186: {  	[tilespmem:s10], [sflag:$0x1] =	stream.indirect_vreg.gather [hbm4b:s13+s20], $0x80, v6, vm0, $0xb8;
	[tilespmem:$0x16900] =	vst v63  }
0x187: {  	s10 =	sadd.s32 $0x8400, s9  }
0x188: {  	[tilespmem:s10], [sflag:$0x1] =	stream.indirect_vreg.gather [hbm4b:s3+s20], $0x80, v5, vm0, $0xb8;
	[tilespmem:$0x16900] =	vst v63  }
0x189: {  	s10 =	sadd.s32 $0x8C00, s9  }
0x18a: {  	[tilespmem:s10], [sflag:$0x1] =	stream.indirect_vreg.gather [hbm4b:s13+s20], $0x80, v5, vm0, $0xb8;
	[tilespmem:$0x16900] =	vst v63  }
0x18b: {  	v5 =	vld [tilespmem:s6+$0x1430];
	_ =	sdelay $0x4  }
0x18c: {  	v6 =	vshll.u32 v5, $0x2  }
0x18d: {  	v5 =	vand.u32 $0x7, v5;
	v6 =	vand.u32 $0xFFFFFFE0, v6  }
0x18e: {  	v5 =	vor.u32 v5, v6  }
0x18f: {  	v6 =	vperm.xlane v5, v2;
	_ =	sdelay $0x1  }
0x190: {  	v6 =	vadd.s32 v3, v6;
	_ =	sdelay $0x1  }
0x191: {  	v5 =	vperm.xlane v5, v4;
	_ =	sdelay $0x1  }
0x192: {  	s10 =	sadd.s32 $0x9400, s9;
	v5 =	vadd.s32 v3, v5  }
0x193: {  	[tilespmem:s10], [sflag:$0x1] =	stream.indirect_vreg.gather [hbm4b:s3+s20], $0x80, v6, vm0, $0xb8;
	[tilespmem:$0x16900] =	vst v63  }
0x194: {  	s10 =	sadd.s32 $0x9C00, s9  }
0x195: {  	[tilespmem:s10], [sflag:$0x1] =	stream.indirect_vreg.gather [hbm4b:s13+s20], $0x80, v6, vm0, $0xb8;
	[tilespmem:$0x16900] =	vst v63  }
0x196: {  	s10 =	sadd.s32 $0xA400, s9  }
0x197: {  	[tilespmem:s10], [sflag:$0x1] =	stream.indirect_vreg.gather [hbm4b:s3+s20], $0x80, v5, vm0, $0xb8;
	[tilespmem:$0x16900] =	vst v63  }
0x198: {  	s10 =	sadd.s32 $0xAC00, s9  }
0x199: {  	[tilespmem:s10], [sflag:$0x1] =	stream.indirect_vreg.gather [hbm4b:s13+s20], $0x80, v5, vm0, $0xb8;
	[tilespmem:$0x16900] =	vst v63  }
.LBB2_9:
0x19a: {  	s6 =	simm.s32 $0x0  }
0x19b: {  	s0 =	sshll.u32 s0, $0x7;
	v6 =	vmov s6  }
0x19c: {  	v5 =	vmov s0;
	v6 =	vand.u32 $0x7F, v6  }
0x19d: {  	s10 =	sshll.u32 s4, $0xF;
	v6 =	vadd.s32 v5, v6  }
0x19e: {  	[smem:$0x7FA] =	sst s15;
	s0 =	sor.u32 $0x3400, s10;
	v6 =	vbroadcast v6, $0x0  }
0x19f: {  	[dreg:$0x7] =	wrdreg s0  }
0x1a0: {  	s15 =	sand.u32 $0x7000, s6;
	s0 =	rddreg [dreg:$0x7]  }
0x1a1: {  	s6 =	sand.u32 $0x380, s6;
	s0 =	sadd.s32 s15, s0  }
0x1a2: {  	s0 =	sadd.s32 s6, s0  }
0x1a3: {  	v7 =	vld [tilespmem:s0+$0x0]  }
0x1a4: {  	v6 =	vld.idx.msk [tilespmem:v6+s22+$0x0], $0xffff;
	_ =	sdelay $0x4  }
0x1a5: {  	v7 =	vmul.f32 v7, v6;
	_ =	sdelay $0x1  }
0x1a6: {  	[tilespmem:s11+$0x0] =	vst.add.f32.msk $0xffff, v7  }
0x1a7: {  	v7 =	vld [tilespmem:s0+$0x10];
	_ =	sdelay $0x4  }
0x1a8: {  	v7 =	vmul.f32 v7, v6  }
0x1a9: {  	s20 =	rddreg [dreg:$0x8]  }
0x1aa: {  	[tilespmem:s20+$0x0] =	vst.add.f32.msk $0xffff, v7  }
0x1ab: {  	v7 =	vld [tilespmem:s0+$0x20];
	_ =	sdelay $0x4  }
0x1ac: {  	v7 =	vmul.f32 v7, v6  }
0x1ad: {  	s3 =	rddreg [dreg:$0x9]  }
0x1ae: {  	[tilespmem:s3+$0x0] =	vst.add.f32.msk $0xffff, v7  }
0x1af: {  	v7 =	vld [tilespmem:s0+$0x30];
	_ =	sdelay $0x4  }
0x1b0: {  	v7 =	vmul.f32 v7, v6  }
0x1b1: {  	s6 =	rddreg [dreg:$0xa]  }
0x1b2: {  	[tilespmem:s6+$0x0] =	vst.add.f32.msk $0xffff, v7  }
0x1b3: {  	v7 =	vld [tilespmem:s0+$0x40];
	_ =	sdelay $0x4  }
0x1b4: {  	v7 =	vmul.f32 v7, v6  }
0x1b5: {  	s9 =	rddreg [dreg:$0xb]  }
0x1b6: {  	[tilespmem:s9+$0x0] =	vst.add.f32.msk $0xffff, v7  }
0x1b7: {  	v7 =	vld [tilespmem:s0+$0x50];
	_ =	sdelay $0x4  }
0x1b8: {  	v7 =	vmul.f32 v7, v6  }
0x1b9: {  	s10 =	rddreg [dreg:$0xc]  }
0x1ba: {  	[tilespmem:s10+$0x0] =	vst.add.f32.msk $0xffff, v7  }
0x1bb: {  	v7 =	vld [tilespmem:s0+$0x60];
	_ =	sdelay $0x4  }
0x1bc: {  	v7 =	vmul.f32 v7, v6  }
0x1bd: {  	s15 =	rddreg [dreg:$0xd]  }
0x1be: {  	[tilespmem:s15+$0x0] =	vst.add.f32.msk $0xffff, v7  }
0x1bf: {  	v7 =	vld [tilespmem:s0+$0x70];
	_ =	sdelay $0x4  }
0x1c0: {  	v7 =	vmul.f32 v7, v6  }
0x1c1: {  	s20 =	rddreg [dreg:$0xe]  }
0x1c2: {  	[tilespmem:s20+$0x0] =	vst.add.f32.msk $0xffff, v7  }
0x1c3: {  	v7 =	vld [tilespmem:s0+$0x400];
	_ =	sdelay $0x4  }
0x1c4: {  	v7 =	vmul.f32 v7, v6  }
0x1c5: {  	s3 =	rddreg [dreg:$0xf]  }
0x1c6: {  	[tilespmem:s3+$0x0] =	vst.add.f32.msk $0xffff, v7  }
0x1c7: {  	v7 =	vld [tilespmem:s0+$0x410];
	_ =	sdelay $0x4  }
0x1c8: {  	v7 =	vmul.f32 v7, v6  }
0x1c9: {  	s6 =	rddreg [dreg:$0x10]  }
0x1ca: {  	[tilespmem:s6+$0x0] =	vst.add.f32.msk $0xffff, v7  }
0x1cb: {  	v7 =	vld [tilespmem:s0+$0x420];
	_ =	sdelay $0x4  }
0x1cc: {  	v7 =	vmul.f32 v7, v6  }
0x1cd: {  	s9 =	rddreg [dreg:$0x11]  }
0x1ce: {  	[tilespmem:s9+$0x0] =	vst.add.f32.msk $0xffff, v7  }
0x1cf: {  	v7 =	vld [tilespmem:s0+$0x430];
	_ =	sdelay $0x4  }
0x1d0: {  	v7 =	vmul.f32 v7, v6  }
0x1d1: {  	s10 =	rddreg [dreg:$0x12]  }
0x1d2: {  	[tilespmem:s10+$0x0] =	vst.add.f32.msk $0xffff, v7  }
0x1d3: {  	v7 =	vld [tilespmem:s0+$0x440];
	_ =	sdelay $0x4  }
0x1d4: {  	v7 =	vmul.f32 v7, v6;
	_ =	sdelay $0x1  }
0x1d5: {  	[tilespmem:s12+$0x0] =	vst.add.f32.msk $0xffff, v7  }
0x1d6: {  	v7 =	vld [tilespmem:s0+$0x450];
	_ =	sdelay $0x4  }
0x1d7: {  	v7 =	vmul.f32 v7, v6;
	_ =	sdelay $0x1  }
0x1d8: {  	[tilespmem:s18+$0x0] =	vst.add.f32.msk $0xffff, v7  }
0x1d9: {  	v7 =	vld [tilespmem:s0+$0x460];
	_ =	sdelay $0x4  }
0x1da: {  	v7 =	vmul.f32 v7, v6;
	_ =	sdelay $0x1  }
0x1db: {  	[tilespmem:s29+$0x0] =	vst.add.f32.msk $0xffff, v7  }
0x1dc: {  	v7 =	vld [tilespmem:s0+$0x470];
	_ =	sdelay $0x4  }
0x1dd: {  	v7 =	vmul.f32 v7, v6;
	_ =	sdelay $0x1  }
0x1de: {  	[tilespmem:s30+$0x0] =	vst.add.f32.msk $0xffff, v7  }
0x1df: {  	v7 =	vld [tilespmem:s0+$0x800];
	_ =	sdelay $0x4  }
0x1e0: {  	v7 =	vmul.f32 v7, v6;
	_ =	sdelay $0x1  }
0x1e1: {  	[tilespmem:s31+$0x0] =	vst.add.f32.msk $0xffff, v7  }
0x1e2: {  	v7 =	vld [tilespmem:s0+$0x810];
	_ =	sdelay $0x4  }
0x1e3: {  	v7 =	vmul.f32 v7, v6;
	_ =	sdelay $0x1  }
0x1e4: {  	[tilespmem:s1+$0x0] =	vst.add.f32.msk $0xffff, v7  }
0x1e5: {  	v7 =	vld [tilespmem:s0+$0x820];
	_ =	sdelay $0x4  }
0x1e6: {  	v7 =	vmul.f32 v7, v6;
	_ =	sdelay $0x1  }
0x1e7: {  	[tilespmem:s2+$0x0] =	vst.add.f32.msk $0xffff, v7  }
0x1e8: {  	v7 =	vld [tilespmem:s0+$0x830];
	_ =	sdelay $0x4  }
0x1e9: {  	v7 =	vmul.f32 v7, v6;
	_ =	sdelay $0x1  }
0x1ea: {  	[tilespmem:s21+$0x0] =	vst.add.f32.msk $0xffff, v7  }
0x1eb: {  	v7 =	vld [tilespmem:s0+$0x840];
	_ =	sdelay $0x4  }
0x1ec: {  	v7 =	vmul.f32 v7, v6;
	_ =	sdelay $0x1  }
0x1ed: {  	[tilespmem:s23+$0x0] =	vst.add.f32.msk $0xffff, v7  }
0x1ee: {  	v7 =	vld [tilespmem:s0+$0x850];
	_ =	sdelay $0x4  }
0x1ef: {  	v7 =	vmul.f32 v7, v6;
	_ =	sdelay $0x1  }
0x1f0: {  	[tilespmem:s24+$0x0] =	vst.add.f32.msk $0xffff, v7  }
0x1f1: {  	v7 =	vld [tilespmem:s0+$0x860];
	_ =	sdelay $0x4  }
0x1f2: {  	v7 =	vmul.f32 v7, v6;
	_ =	sdelay $0x1  }
0x1f3: {  	[tilespmem:s16+$0x0] =	vst.add.f32.msk $0xffff, v7  }
0x1f4: {  	v7 =	vld [tilespmem:s0+$0x870];
	_ =	sdelay $0x4  }
0x1f5: {  	v7 =	vmul.f32 v7, v6;
	_ =	sdelay $0x1  }
0x1f6: {  	[tilespmem:s25+$0x0] =	vst.add.f32.msk $0xffff, v7  }
0x1f7: {  	v7 =	vld [tilespmem:s0+$0xC00];
	_ =	sdelay $0x4  }
0x1f8: {  	v7 =	vmul.f32 v7, v6;
	_ =	sdelay $0x1  }
0x1f9: {  	[tilespmem:s17+$0x0] =	vst.add.f32.msk $0xffff, v7  }
0x1fa: {  	v7 =	vld [tilespmem:s0+$0xC10];
	_ =	sdelay $0x4  }
0x1fb: {  	v7 =	vmul.f32 v7, v6;
	_ =	sdelay $0x1  }
0x1fc: {  	[tilespmem:s26+$0x0] =	vst.add.f32.msk $0xffff, v7  }
0x1fd: {  	v7 =	vld [tilespmem:s0+$0xC20];
	_ =	sdelay $0x4  }
0x1fe: {  	v7 =	vmul.f32 v7, v6;
	_ =	sdelay $0x1  }
0x1ff: {  	[tilespmem:s28+$0x0] =	vst.add.f32.msk $0xffff, v7  }
0x200: {  	v7 =	vld [tilespmem:s0+$0xC30];
	_ =	sdelay $0x4  }
0x201: {  	v7 =	vmul.f32 v7, v6;
	_ =	sdelay $0x1  }
0x202: {  	[tilespmem:s19+$0x0] =	vst.add.f32.msk $0xffff, v7  }
0x203: {  	v7 =	vld [tilespmem:s0+$0xC40];
	_ =	sdelay $0x4  }
0x204: {  	v7 =	vmul.f32 v7, v6;
	_ =	sdelay $0x1  }
0x205: {  	[tilespmem:s5+$0x0] =	vst.add.f32.msk $0xffff, v7  }
0x206: {  	v7 =	vld [tilespmem:s0+$0xC50];
	_ =	sdelay $0x4  }
0x207: {  	v7 =	vmul.f32 v7, v6;
	_ =	sdelay $0x1  }
0x208: {  	[tilespmem:s14+$0x0] =	vst.add.f32.msk $0xffff, v7  }
0x209: {  	v7 =	vld [tilespmem:s0+$0xC60];
	_ =	sdelay $0x4  }
0x20a: {  	v7 =	vmul.f32 v7, v6;
	_ =	sdelay $0x1  }
0x20b: {  	[tilespmem:s7+$0x0] =	vst.add.f32.msk $0xffff, v7  }
0x20c: {  	v8 =	vld [tilespmem:s0+$0xC70]  }
0x20d: {  	s15 =	simm.s32 $0x1  }
0x20e: {  	v7 =	vmov s15  }
0x20f: {  	s4 =	simm.s32 $0x200;
	v7 =	vand.u32 $0x7F, v7  }
0x210: {  	s20 =	simm.s32 $0x80;
	s6 =	simm.s32 $0x100;
	s9 =	rddreg [dreg:$0x7];
	v7 =	vadd.s32 v5, v7  }
0x211: {  	s10 =	sand.u32 $0x7000, s4;
	s15 =	sand.u32 $0x380, s20;
	s0 =	simm.s32 $0x2;
	v7 =	vbroadcast v7, $0x0;
	v6 =	vmul.f32 v8, v6  }
.LBB2_10:
0x212: {  	_ =	sdelay $0x3  }
0x213: {  	s10 =	sadd.s32 s10, s9;
	s9 =	smov.u32 s0;
	[tilespmem:s8+$0x0] =	vst.add.f32.msk $0xffff, v6  }
0x214: {  	s20 =	sadd.s32 $0x1, s0;
	p2 =	seq.s32 s0, $0x3F;
	s0 =	sadd.s32 s15, s10;
	v6 =	vld.idx.msk [tilespmem:v7+s22+$0x0], $0xffff  }
0x215: {  	v7 =	vld [tilespmem:s0+$0x0];
	_ =	sdelay $0x4  }
0x216: {  	v7 =	vmul.f32 v7, v6;
	_ =	sdelay $0x1  }
0x217: {  	[tilespmem:s11+$0x0] =	vst.add.f32.msk $0xffff, v7  }
0x218: {  	v7 =	vld [tilespmem:s0+$0x10];
	_ =	sdelay $0x4  }
0x219: {  	v7 =	vmul.f32 v7, v6  }
0x21a: {  	s10 =	rddreg [dreg:$0x8]  }
0x21b: {  	[tilespmem:s10+$0x0] =	vst.add.f32.msk $0xffff, v7  }
0x21c: {  	v7 =	vld [tilespmem:s0+$0x20];
	_ =	sdelay $0x4  }
0x21d: {  	v7 =	vmul.f32 v7, v6  }
0x21e: {  	s10 =	rddreg [dreg:$0x9]  }
0x21f: {  	[tilespmem:s10+$0x0] =	vst.add.f32.msk $0xffff, v7  }
0x220: {  	v7 =	vld [tilespmem:s0+$0x30];
	_ =	sdelay $0x4  }
0x221: {  	v7 =	vmul.f32 v7, v6  }
0x222: {  	s10 =	rddreg [dreg:$0xa]  }
0x223: {  	[tilespmem:s10+$0x0] =	vst.add.f32.msk $0xffff, v7  }
0x224: {  	v7 =	vld [tilespmem:s0+$0x40];
	_ =	sdelay $0x4  }
0x225: {  	v7 =	vmul.f32 v7, v6  }
0x226: {  	s10 =	rddreg [dreg:$0xb]  }
0x227: {  	[tilespmem:s10+$0x0] =	vst.add.f32.msk $0xffff, v7  }
0x228: {  	v7 =	vld [tilespmem:s0+$0x50];
	_ =	sdelay $0x4  }
0x229: {  	v7 =	vmul.f32 v7, v6  }
0x22a: {  	s10 =	rddreg [dreg:$0xc]  }
0x22b: {  	[tilespmem:s10+$0x0] =	vst.add.f32.msk $0xffff, v7  }
0x22c: {  	v7 =	vld [tilespmem:s0+$0x60];
	_ =	sdelay $0x4  }
0x22d: {  	v7 =	vmul.f32 v7, v6  }
0x22e: {  	s10 =	rddreg [dreg:$0xd]  }
0x22f: {  	[tilespmem:s10+$0x0] =	vst.add.f32.msk $0xffff, v7  }
0x230: {  	v7 =	vld [tilespmem:s0+$0x70];
	_ =	sdelay $0x4  }
0x231: {  	v7 =	vmul.f32 v7, v6  }
0x232: {  	s10 =	rddreg [dreg:$0xe]  }
0x233: {  	[tilespmem:s10+$0x0] =	vst.add.f32.msk $0xffff, v7  }
0x234: {  	v7 =	vld [tilespmem:s0+$0x400];
	_ =	sdelay $0x4  }
0x235: {  	v7 =	vmul.f32 v7, v6  }
0x236: {  	s10 =	rddreg [dreg:$0xf]  }
0x237: {  	[tilespmem:s10+$0x0] =	vst.add.f32.msk $0xffff, v7  }
0x238: {  	v7 =	vld [tilespmem:s0+$0x410];
	_ =	sdelay $0x4  }
0x239: {  	v7 =	vmul.f32 v7, v6  }
0x23a: {  	s10 =	rddreg [dreg:$0x10]  }
0x23b: {  	[tilespmem:s10+$0x0] =	vst.add.f32.msk $0xffff, v7  }
0x23c: {  	v7 =	vld [tilespmem:s0+$0x420];
	_ =	sdelay $0x4  }
0x23d: {  	v7 =	vmul.f32 v7, v6  }
0x23e: {  	s10 =	rddreg [dreg:$0x11]  }
0x23f: {  	[tilespmem:s10+$0x0] =	vst.add.f32.msk $0xffff, v7  }
0x240: {  	v7 =	vld [tilespmem:s0+$0x430];
	_ =	sdelay $0x4  }
0x241: {  	v7 =	vmul.f32 v7, v6  }
0x242: {  	s10 =	rddreg [dreg:$0x12]  }
0x243: {  	[tilespmem:s10+$0x0] =	vst.add.f32.msk $0xffff, v7  }
0x244: {  	v7 =	vld [tilespmem:s0+$0x440];
	_ =	sdelay $0x4  }
0x245: {  	v7 =	vmul.f32 v7, v6;
	_ =	sdelay $0x1  }
0x246: {  	[tilespmem:s12+$0x0] =	vst.add.f32.msk $0xffff, v7  }
0x247: {  	v7 =	vld [tilespmem:s0+$0x450];
	_ =	sdelay $0x4  }
0x248: {  	v7 =	vmul.f32 v7, v6;
	_ =	sdelay $0x1  }
0x249: {  	[tilespmem:s18+$0x0] =	vst.add.f32.msk $0xffff, v7  }
0x24a: {  	v7 =	vld [tilespmem:s0+$0x460];
	_ =	sdelay $0x4  }
0x24b: {  	v7 =	vmul.f32 v7, v6;
	_ =	sdelay $0x1  }
0x24c: {  	[tilespmem:s29+$0x0] =	vst.add.f32.msk $0xffff, v7  }
0x24d: {  	v7 =	vld [tilespmem:s0+$0x470];
	_ =	sdelay $0x4  }
0x24e: {  	v7 =	vmul.f32 v7, v6;
	_ =	sdelay $0x1  }
0x24f: {  	[tilespmem:s30+$0x0] =	vst.add.f32.msk $0xffff, v7  }
0x250: {  	v7 =	vld [tilespmem:s0+$0x800];
	_ =	sdelay $0x4  }
0x251: {  	v7 =	vmul.f32 v7, v6;
	_ =	sdelay $0x1  }
0x252: {  	[tilespmem:s31+$0x0] =	vst.add.f32.msk $0xffff, v7  }
0x253: {  	v7 =	vld [tilespmem:s0+$0x810];
	_ =	sdelay $0x4  }
0x254: {  	v7 =	vmul.f32 v7, v6;
	_ =	sdelay $0x1  }
0x255: {  	[tilespmem:s1+$0x0] =	vst.add.f32.msk $0xffff, v7  }
0x256: {  	v7 =	vld [tilespmem:s0+$0x820];
	_ =	sdelay $0x4  }
0x257: {  	v7 =	vmul.f32 v7, v6;
	_ =	sdelay $0x1  }
0x258: {  	[tilespmem:s2+$0x0] =	vst.add.f32.msk $0xffff, v7  }
0x259: {  	v7 =	vld [tilespmem:s0+$0x830];
	_ =	sdelay $0x4  }
0x25a: {  	v7 =	vmul.f32 v7, v6;
	_ =	sdelay $0x1  }
0x25b: {  	[tilespmem:s21+$0x0] =	vst.add.f32.msk $0xffff, v7  }
0x25c: {  	v7 =	vld [tilespmem:s0+$0x840];
	_ =	sdelay $0x4  }
0x25d: {  	v7 =	vmul.f32 v7, v6;
	_ =	sdelay $0x1  }
0x25e: {  	[tilespmem:s23+$0x0] =	vst.add.f32.msk $0xffff, v7  }
0x25f: {  	v7 =	vld [tilespmem:s0+$0x850];
	_ =	sdelay $0x4  }
0x260: {  	v7 =	vmul.f32 v7, v6;
	_ =	sdelay $0x1  }
0x261: {  	[tilespmem:s24+$0x0] =	vst.add.f32.msk $0xffff, v7  }
0x262: {  	v7 =	vld [tilespmem:s0+$0x860];
	_ =	sdelay $0x4  }
0x263: {  	v7 =	vmul.f32 v7, v6;
	_ =	sdelay $0x1  }
0x264: {  	[tilespmem:s16+$0x0] =	vst.add.f32.msk $0xffff, v7  }
0x265: {  	v7 =	vld [tilespmem:s0+$0x870];
	_ =	sdelay $0x4  }
0x266: {  	v7 =	vmul.f32 v7, v6;
	_ =	sdelay $0x1  }
0x267: {  	[tilespmem:s25+$0x0] =	vst.add.f32.msk $0xffff, v7  }
0x268: {  	v7 =	vld [tilespmem:s0+$0xC00];
	_ =	sdelay $0x4  }
0x269: {  	v7 =	vmul.f32 v7, v6;
	_ =	sdelay $0x1  }
0x26a: {  	[tilespmem:s17+$0x0] =	vst.add.f32.msk $0xffff, v7  }
0x26b: {  	v7 =	vld [tilespmem:s0+$0xC10];
	_ =	sdelay $0x4  }
0x26c: {  	v7 =	vmul.f32 v7, v6;
	_ =	sdelay $0x1  }
0x26d: {  	[tilespmem:s26+$0x0] =	vst.add.f32.msk $0xffff, v7  }
0x26e: {  	v7 =	vld [tilespmem:s0+$0xC20];
	_ =	sdelay $0x4  }
0x26f: {  	v7 =	vmul.f32 v7, v6;
	_ =	sdelay $0x1  }
0x270: {  	[tilespmem:s28+$0x0] =	vst.add.f32.msk $0xffff, v7  }
0x271: {  	v7 =	vld [tilespmem:s0+$0xC30];
	_ =	sdelay $0x4  }
0x272: {  	v7 =	vmul.f32 v7, v6;
	_ =	sdelay $0x1  }
0x273: {  	[tilespmem:s19+$0x0] =	vst.add.f32.msk $0xffff, v7  }
0x274: {  	v7 =	vld [tilespmem:s0+$0xC40];
	_ =	sdelay $0x4  }
0x275: {  	v7 =	vmul.f32 v7, v6;
	_ =	sdelay $0x1  }
0x276: {  	[tilespmem:s5+$0x0] =	vst.add.f32.msk $0xffff, v7  }
0x277: {  	v7 =	vld [tilespmem:s0+$0xC50];
	_ =	sdelay $0x4  }
0x278: {  	v7 =	vmul.f32 v7, v6;
	_ =	sdelay $0x1  }
0x279: {  	[tilespmem:s14+$0x0] =	vst.add.f32.msk $0xffff, v7  }
0x27a: {  	v7 =	vld [tilespmem:s0+$0xC60];
	_ =	sdelay $0x4  }
0x27b: {  	v7 =	vmul.f32 v7, v6;
	_ =	sdelay $0x1  }
0x27c: {  	v8 =	vmov s9;
	[tilespmem:s7+$0x0] =	vst.add.f32.msk $0xffff, v7  }
0x27d: {  	v7 =	vand.u32 $0x7F, v8;
	v8 =	vld [tilespmem:s0+$0xC70]  }
.Ltmp5:
0x27e: {  	_ = 	snop;
	(pc) =	sbr.rel @!p2 .LBB2_10-.Ltmp5, $4  }
0x27f: {  	_ = 	snop  }
0x280: {  	s3 =	sand.u32 $0x380, s6  }
0x281: {  	s4 =	sadd.s32 $0x200, s4;
	s6 =	sadd.s32 $0x80, s6;
	s15 =	smov.u32 s3;
	v7 =	vadd.s32 v5, v7  }
0x282: {  	s9 =	rddreg [dreg:$0x7];
	s10 =	sand.u32 $0x7000, s4;
	s0 =	smov.u32 s20;
	v7 =	vbroadcast v7, $0x0;
	v6 =	vmul.f32 v8, v6  }
0x283: {  	_ =	sdelay $0x3  }
0x284: {  	s0 =	sadd.s32 s10, s9;
	[tilespmem:s8+$0x0] =	vst.add.f32.msk $0xffff, v6  }
0x285: {  	s0 =	sadd.s32 s15, s0;
	v5 =	vld.idx.msk [tilespmem:v7+s22+$0x0], $0xffff  }
0x286: {  	v6 =	vld [tilespmem:s0+$0x0];
	_ =	sdelay $0x4  }
0x287: {  	v6 =	vmul.f32 v6, v5;
	_ =	sdelay $0x1  }
0x288: {  	[tilespmem:s11+$0x0] =	vst.add.f32.msk $0xffff, v6  }
0x289: {  	v6 =	vld [tilespmem:s0+$0x10];
	_ =	sdelay $0x4  }
0x28a: {  	v6 =	vmul.f32 v6, v5  }
0x28b: {  	s3 =	rddreg [dreg:$0x8]  }
0x28c: {  	[tilespmem:s3+$0x0] =	vst.add.f32.msk $0xffff, v6  }
0x28d: {  	v6 =	vld [tilespmem:s0+$0x20];
	_ =	sdelay $0x4  }
0x28e: {  	v6 =	vmul.f32 v6, v5  }
0x28f: {  	s9 =	rddreg [dreg:$0x9]  }
0x290: {  	[tilespmem:s9+$0x0] =	vst.add.f32.msk $0xffff, v6  }
0x291: {  	v6 =	vld [tilespmem:s0+$0x30];
	_ =	sdelay $0x4  }
0x292: {  	v6 =	vmul.f32 v6, v5  }
0x293: {  	s10 =	rddreg [dreg:$0xa]  }
0x294: {  	[tilespmem:s10+$0x0] =	vst.add.f32.msk $0xffff, v6  }
0x295: {  	v6 =	vld [tilespmem:s0+$0x40];
	_ =	sdelay $0x4  }
0x296: {  	v6 =	vmul.f32 v6, v5  }
0x297: {  	s15 =	rddreg [dreg:$0xb]  }
0x298: {  	[tilespmem:s15+$0x0] =	vst.add.f32.msk $0xffff, v6  }
0x299: {  	v6 =	vld [tilespmem:s0+$0x50];
	_ =	sdelay $0x4  }
0x29a: {  	v6 =	vmul.f32 v6, v5  }
0x29b: {  	s20 =	rddreg [dreg:$0xc]  }
0x29c: {  	[tilespmem:s20+$0x0] =	vst.add.f32.msk $0xffff, v6  }
0x29d: {  	v6 =	vld [tilespmem:s0+$0x60];
	_ =	sdelay $0x4  }
0x29e: {  	v6 =	vmul.f32 v6, v5  }
0x29f: {  	s4 =	rddreg [dreg:$0xd]  }
0x2a0: {  	[tilespmem:s4+$0x0] =	vst.add.f32.msk $0xffff, v6  }
0x2a1: {  	v6 =	vld [tilespmem:s0+$0x70];
	_ =	sdelay $0x4  }
0x2a2: {  	v6 =	vmul.f32 v6, v5  }
0x2a3: {  	s6 =	rddreg [dreg:$0xe]  }
0x2a4: {  	[tilespmem:s6+$0x0] =	vst.add.f32.msk $0xffff, v6  }
0x2a5: {  	v6 =	vld [tilespmem:s0+$0x400];
	_ =	sdelay $0x4  }
0x2a6: {  	v6 =	vmul.f32 v6, v5  }
0x2a7: {  	s9 =	rddreg [dreg:$0xf]  }
0x2a8: {  	[tilespmem:s9+$0x0] =	vst.add.f32.msk $0xffff, v6  }
0x2a9: {  	v6 =	vld [tilespmem:s0+$0x410];
	_ =	sdelay $0x4  }
0x2aa: {  	v6 =	vmul.f32 v6, v5  }
0x2ab: {  	s10 =	rddreg [dreg:$0x10]  }
0x2ac: {  	[tilespmem:s10+$0x0] =	vst.add.f32.msk $0xffff, v6  }
0x2ad: {  	v6 =	vld [tilespmem:s0+$0x420];
	_ =	sdelay $0x4  }
0x2ae: {  	v6 =	vmul.f32 v6, v5  }
0x2af: {  	s15 =	rddreg [dreg:$0x11]  }
0x2b0: {  	[tilespmem:s15+$0x0] =	vst.add.f32.msk $0xffff, v6  }
0x2b1: {  	v6 =	vld [tilespmem:s0+$0x430];
	_ =	sdelay $0x4  }
0x2b2: {  	v6 =	vmul.f32 v6, v5  }
0x2b3: {  	s20 =	rddreg [dreg:$0x12]  }
0x2b4: {  	[tilespmem:s20+$0x0] =	vst.add.f32.msk $0xffff, v6  }
0x2b5: {  	v6 =	vld [tilespmem:s0+$0x440];
	_ =	sdelay $0x4  }
0x2b6: {  	v6 =	vmul.f32 v6, v5;
	_ =	sdelay $0x1  }
0x2b7: {  	[tilespmem:s12+$0x0] =	vst.add.f32.msk $0xffff, v6  }
0x2b8: {  	v6 =	vld [tilespmem:s0+$0x450];
	_ =	sdelay $0x4  }
0x2b9: {  	v6 =	vmul.f32 v6, v5;
	_ =	sdelay $0x1  }
0x2ba: {  	[tilespmem:s18+$0x0] =	vst.add.f32.msk $0xffff, v6  }
0x2bb: {  	v6 =	vld [tilespmem:s0+$0x460];
	_ =	sdelay $0x4  }
0x2bc: {  	v6 =	vmul.f32 v6, v5;
	_ =	sdelay $0x1  }
0x2bd: {  	[tilespmem:s29+$0x0] =	vst.add.f32.msk $0xffff, v6  }
0x2be: {  	v6 =	vld [tilespmem:s0+$0x470];
	_ =	sdelay $0x4  }
0x2bf: {  	v6 =	vmul.f32 v6, v5;
	_ =	sdelay $0x1  }
0x2c0: {  	[tilespmem:s30+$0x0] =	vst.add.f32.msk $0xffff, v6  }
0x2c1: {  	v6 =	vld [tilespmem:s0+$0x800];
	_ =	sdelay $0x4  }
0x2c2: {  	v6 =	vmul.f32 v6, v5;
	_ =	sdelay $0x1  }
0x2c3: {  	[tilespmem:s31+$0x0] =	vst.add.f32.msk $0xffff, v6  }
0x2c4: {  	v6 =	vld [tilespmem:s0+$0x810];
	_ =	sdelay $0x4  }
0x2c5: {  	v6 =	vmul.f32 v6, v5;
	_ =	sdelay $0x1  }
0x2c6: {  	[tilespmem:s1+$0x0] =	vst.add.f32.msk $0xffff, v6  }
0x2c7: {  	v6 =	vld [tilespmem:s0+$0x820];
	_ =	sdelay $0x4  }
0x2c8: {  	v6 =	vmul.f32 v6, v5;
	_ =	sdelay $0x1  }
0x2c9: {  	[tilespmem:s2+$0x0] =	vst.add.f32.msk $0xffff, v6  }
0x2ca: {  	v6 =	vld [tilespmem:s0+$0x830];
	_ =	sdelay $0x4  }
0x2cb: {  	v6 =	vmul.f32 v6, v5;
	_ =	sdelay $0x1  }
0x2cc: {  	[tilespmem:s21+$0x0] =	vst.add.f32.msk $0xffff, v6  }
0x2cd: {  	v6 =	vld [tilespmem:s0+$0x840];
	_ =	sdelay $0x4  }
0x2ce: {  	v6 =	vmul.f32 v6, v5;
	_ =	sdelay $0x1  }
0x2cf: {  	[tilespmem:s23+$0x0] =	vst.add.f32.msk $0xffff, v6  }
0x2d0: {  	v6 =	vld [tilespmem:s0+$0x850];
	_ =	sdelay $0x4  }
0x2d1: {  	v6 =	vmul.f32 v6, v5;
	_ =	sdelay $0x1  }
0x2d2: {  	[tilespmem:s24+$0x0] =	vst.add.f32.msk $0xffff, v6  }
0x2d3: {  	v6 =	vld [tilespmem:s0+$0x860];
	_ =	sdelay $0x4  }
0x2d4: {  	v6 =	vmul.f32 v6, v5;
	_ =	sdelay $0x1  }
0x2d5: {  	[tilespmem:s16+$0x0] =	vst.add.f32.msk $0xffff, v6  }
0x2d6: {  	v6 =	vld [tilespmem:s0+$0x870];
	_ =	sdelay $0x4  }
0x2d7: {  	v6 =	vmul.f32 v6, v5;
	_ =	sdelay $0x1  }
0x2d8: {  	[tilespmem:s25+$0x0] =	vst.add.f32.msk $0xffff, v6  }
0x2d9: {  	v6 =	vld [tilespmem:s0+$0xC00];
	_ =	sdelay $0x4  }
0x2da: {  	v6 =	vmul.f32 v6, v5;
	_ =	sdelay $0x1  }
0x2db: {  	[tilespmem:s17+$0x0] =	vst.add.f32.msk $0xffff, v6  }
0x2dc: {  	v6 =	vld [tilespmem:s0+$0xC10];
	_ =	sdelay $0x4  }
0x2dd: {  	v6 =	vmul.f32 v6, v5;
	_ =	sdelay $0x1  }
0x2de: {  	[tilespmem:s26+$0x0] =	vst.add.f32.msk $0xffff, v6  }
0x2df: {  	v6 =	vld [tilespmem:s0+$0xC20];
	_ =	sdelay $0x4  }
0x2e0: {  	v6 =	vmul.f32 v6, v5;
	_ =	sdelay $0x1  }
0x2e1: {  	[tilespmem:s28+$0x0] =	vst.add.f32.msk $0xffff, v6  }
0x2e2: {  	v6 =	vld [tilespmem:s0+$0xC30];
	_ =	sdelay $0x4  }
0x2e3: {  	v6 =	vmul.f32 v6, v5;
	_ =	sdelay $0x1  }
0x2e4: {  	[tilespmem:s19+$0x0] =	vst.add.f32.msk $0xffff, v6  }
0x2e5: {  	v6 =	vld [tilespmem:s0+$0xC40];
	_ =	sdelay $0x4  }
0x2e6: {  	v6 =	vmul.f32 v6, v5;
	_ =	sdelay $0x1  }
0x2e7: {  	[tilespmem:s5+$0x0] =	vst.add.f32.msk $0xffff, v6  }
0x2e8: {  	v6 =	vld [tilespmem:s0+$0xC50];
	_ =	sdelay $0x4  }
0x2e9: {  	v6 =	vmul.f32 v6, v5;
	_ =	sdelay $0x1  }
0x2ea: {  	[tilespmem:s14+$0x0] =	vst.add.f32.msk $0xffff, v6  }
0x2eb: {  	v6 =	vld [tilespmem:s0+$0xC60];
	_ =	sdelay $0x4  }
0x2ec: {  	v6 =	vmul.f32 v6, v5;
	_ =	sdelay $0x1  }
0x2ed: {  	[tilespmem:s7+$0x0] =	vst.add.f32.msk $0xffff, v6  }
0x2ee: {  	v6 =	vld [tilespmem:s0+$0xC70];
	_ =	sdelay $0x4  }
0x2ef: {  	v5 =	vmul.f32 v6, v5;
	_ =	sdelay $0x1  }
0x2f0: {  	[tilespmem:s8+$0x0] =	vst.add.f32.msk $0xffff, v5  }
0x2f1: {  	s0 =	sld [smem:$0x7FA];
	_ =	sdelay $0x2  }
0x2f2: {  	p2 =	seq.s32 s0, $0x1A  }
.Ltmp6:
0x2f3: {  	_ = 	snop;
	(pc) =	sbr.rel @!p2 .LBB2_7-.Ltmp6, $2  }
0x2f4: {  	_ =	sdelay $0x2  }
0x2f5: {  	s3 =	rddreg [dreg:$0x0];
	s20 =	simm.s32 $0x0;
	s6 =	simm.s32 $0x1  }
0x2f6: {  	s0 =	rddreg [dreg:$0x1c];
	s15 =	simm.s32 $0x3  }
0x2f7: {  	[spmem:s0] =	stream.linear.scatter [tilespmem:s11], [sflag:$0x3], $0x200, $0x38;
	[tilespmem:$0x16900] =	vst v63  }
.Ltmp7:
0x2f8: {  	_ =	swait.ge [sflag:s15], $0x200;
	(pc) =	sbr.rel @p1 .LBB2_14-.Ltmp7, $4  }
0x2f9: {  	[sflag:s15] =	ssyncset.done $0x0  }
0x2fa: {  	[sflag:s15] =	ssyncadd.s32 $0xFFFFFE00  }
0x2fb: {  	[bflag:$0x0] =	sbarrier.arrive $0xFFFF  }
0x2fc: {  	s6 =	sld [smem:$0x7FB]  }
0x2fd: {  	s0 =	rddreg [dreg:$0x1e];
	s4 =	simm.s32 $0x13600  }
0x2fe: {  	[tilespmem:s4], [sflag:$0x3] =	stream.linear.gather [spmem:s0], $0x200, $0x38;
	[tilespmem:$0x16900] =	vst v63  }
0x2ff: {  	_ =	swait.ge [sflag:s15], $0x200  }
0x300: {  	[sflag:s15] =	ssyncset.done $0x0  }
0x301: {  	[sflag:s15] =	ssyncadd.s32 $0xFFFFFE00  }
0x302: {  	v5 =	vld [tilespmem:$0x13400]  }
0x303: {  	v6 =	vld [tilespmem:$0x13600]  }
0x304: {  	v7 =	vld [tilespmem:$0x13410]  }
0x305: {  	v8 =	vld [tilespmem:$0x13610]  }
0x306: {  	v9 =	vld [tilespmem:$0x13420]  }
0x307: {  	v10 =	vld [tilespmem:$0x13620]  }
0x308: {  	v11 =	vld [tilespmem:$0x13430]  }
0x309: {  	v12 =	vld [tilespmem:$0x13630]  }
0x30a: {  	v13 =	vld [tilespmem:$0x13440]  }
0x30b: {  	v14 =	vld [tilespmem:$0x13640]  }
0x30c: {  	v15 =	vld [tilespmem:$0x13450]  }
0x30d: {  	v16 =	vld [tilespmem:$0x13650]  }
0x30e: {  	v17 =	vld [tilespmem:$0x13460]  }
0x30f: {  	v18 =	vld [tilespmem:$0x13660]  }
0x310: {  	v19 =	vld [tilespmem:$0x13470]  }
0x311: {  	v20 =	vld [tilespmem:$0x13670]  }
0x312: {  	v21 =	vld [tilespmem:$0x13480]  }
0x313: {  	v22 =	vld [tilespmem:$0x13680]  }
0x314: {  	v23 =	vld [tilespmem:$0x13490]  }
0x315: {  	v24 =	vld [tilespmem:$0x13690]  }
0x316: {  	v25 =	vld [tilespmem:$0x134A0]  }
0x317: {  	v26 =	vld [tilespmem:$0x136A0]  }
0x318: {  	v27 =	vld [tilespmem:$0x134B0]  }
0x319: {  	v28 =	vld [tilespmem:$0x136B0]  }
0x31a: {  	v29 =	vld [tilespmem:$0x134C0]  }
0x31b: {  	v30 =	vld [tilespmem:$0x136C0]  }
0x31c: {  	v31 =	vld [tilespmem:$0x134D0]  }
0x31d: {  	v32 =	vld [tilespmem:$0x136D0]  }
0x31e: {  	v33 =	vld [tilespmem:$0x134E0]  }
0x31f: {  	v34 =	vld [tilespmem:$0x136E0]  }
0x320: {  	v35 =	vld [tilespmem:$0x134F0]  }
0x321: {  	v36 =	vld [tilespmem:$0x136F0]  }
0x322: {  	v37 =	vld [tilespmem:$0x13500]  }
0x323: {  	v38 =	vld [tilespmem:$0x13700]  }
0x324: {  	v39 =	vld [tilespmem:$0x13510]  }
0x325: {  	v40 =	vld [tilespmem:$0x13710]  }
0x326: {  	v41 =	vld [tilespmem:$0x13520]  }
0x327: {  	v61 =	vld [tilespmem:$0x13530];
	v5 =	vadd.f32 v6, v5  }
0x328: {  	v62 =	vld [tilespmem:$0x13730];
	v7 =	vadd.f32 v8, v7  }
0x329: {  	v63 =	vld [tilespmem:$0x13540];
	[tilespmem:$0x13400] =	vst v5;
	v5 =	vadd.f32 v10, v9  }
0x32a: {  	v42 =	vld [tilespmem:$0x13740];
	[tilespmem:$0x13410] =	vst v7;
	v7 =	vadd.f32 v12, v11  }
0x32b: {  	v43 =	vld [tilespmem:$0x13550];
	[tilespmem:$0x13420] =	vst v5;
	v5 =	vadd.f32 v14, v13  }
0x32c: {  	v44 =	vld [tilespmem:$0x13750];
	[tilespmem:$0x13430] =	vst v7;
	v7 =	vadd.f32 v16, v15  }
0x32d: {  	v45 =	vld [tilespmem:$0x13560];
	[tilespmem:$0x13440] =	vst v5;
	v5 =	vadd.f32 v18, v17  }
0x32e: {  	v46 =	vld [tilespmem:$0x13760];
	[tilespmem:$0x13450] =	vst v7;
	v7 =	vadd.f32 v20, v19  }
0x32f: {  	v47 =	vld [tilespmem:$0x13570];
	[tilespmem:$0x13460] =	vst v5;
	v5 =	vadd.f32 v22, v21  }
0x330: {  	v48 =	vld [tilespmem:$0x13770];
	[tilespmem:$0x13470] =	vst v7;
	v7 =	vadd.f32 v24, v23  }
0x331: {  	v49 =	vld [tilespmem:$0x13580];
	[tilespmem:$0x13480] =	vst v5;
	v5 =	vadd.f32 v26, v25  }
0x332: {  	v50 =	vld [tilespmem:$0x13780];
	[tilespmem:$0x13490] =	vst v7;
	v7 =	vadd.f32 v28, v27  }
0x333: {  	v51 =	vld [tilespmem:$0x13590];
	[tilespmem:$0x134A0] =	vst v5;
	v5 =	vadd.f32 v30, v29  }
0x334: {  	v6 =	vld [tilespmem:$0x13720];
	[tilespmem:$0x134B0] =	vst v7;
	v7 =	vadd.f32 v32, v31  }
0x335: {  	v52 =	vld [tilespmem:$0x13790];
	[tilespmem:$0x134C0] =	vst v5;
	v5 =	vadd.f32 v34, v33  }
0x336: {  	v53 =	vld [tilespmem:$0x135A0];
	[tilespmem:$0x134D0] =	vst v7;
	v7 =	vadd.f32 v36, v35  }
0x337: {  	v54 =	vld [tilespmem:$0x137A0];
	[tilespmem:$0x134E0] =	vst v5;
	v5 =	vadd.f32 v38, v37  }
0x338: {  	v55 =	vld [tilespmem:$0x135B0];
	[tilespmem:$0x134F0] =	vst v7;
	v7 =	vadd.f32 v40, v39  }
0x339: {  	v56 =	vld [tilespmem:$0x135C0];
	[tilespmem:$0x13500] =	vst v5;
	v5 =	vadd.f32 v6, v41  }
0x33a: {  	v6 =	vld [tilespmem:$0x137B0];
	[tilespmem:$0x13510] =	vst v7;
	v7 =	vadd.f32 v62, v61  }
0x33b: {  	v57 =	vld [tilespmem:$0x137C0];
	[tilespmem:$0x13520] =	vst v5;
	v5 =	vadd.f32 v42, v63  }
0x33c: {  	v58 =	vld [tilespmem:$0x135D0];
	[tilespmem:$0x13530] =	vst v7;
	v7 =	vadd.f32 v44, v43  }
0x33d: {  	v59 =	vld [tilespmem:$0x137D0];
	[tilespmem:$0x13540] =	vst v5;
	v5 =	vadd.f32 v46, v45  }
0x33e: {  	v60 =	vld [tilespmem:$0x135E0];
	[tilespmem:$0x13550] =	vst v7;
	v7 =	vadd.f32 v48, v47  }
0x33f: {  	v62 =	vld [tilespmem:$0x135F0];
	v6 =	vadd.f32 v6, v55;
	[tilespmem:$0x13560] =	vst v5  }
0x340: {  	v63 =	vld [tilespmem:$0x137F0];
	v5 =	vadd.f32 v50, v49;
	[tilespmem:$0x13570] =	vst v7  }
0x341: {  	v61 =	vld [tilespmem:$0x137E0];
	v7 =	vadd.f32 v52, v51;
	[tilespmem:$0x135B0] =	vst v6  }
0x342: {  	[tilespmem:$0x13580] =	vst v5;
	v5 =	vadd.f32 v54, v53  }
0x343: {  	v6 =	vadd.f32 v59, v58;
	[tilespmem:$0x13590] =	vst v7  }
0x344: {  	[tilespmem:$0x135A0] =	vst v5;
	v5 =	vadd.f32 v57, v56  }
0x345: {  	[tilespmem:$0x135D0] =	vst v6;
	v6 =	vadd.f32 v63, v62  }
0x346: {  	[tilespmem:$0x135C0] =	vst v5;
	v5 =	vadd.f32 v61, v60  }
0x347: {  	[tilespmem:$0x135F0] =	vst v6  }
.Ltmp8:
0x348: {  	s10 =	rddreg [dreg:$0x1f];
	[tilespmem:$0x135E0] =	vst v5;
	(pc) =	sbr.rel .LBB2_14-.Ltmp8, $4  }
0x349: {  	[hbm4b:s10+s20] =	stream.linear.scatter [tilespmem:s11], [sflag:$0x3], $0x200, $0x38;
	[tilespmem:$0x16900] =	vst v63  }
0x34a: {  	_ =	swait.ge [sflag:s15], $0x200  }
0x34b: {  	[sflag:s15] =	ssyncset.done $0x0  }
0x34c: {  	[sflag:s15] =	ssyncadd.s32 $0xFFFFFE00  }
.LBB2_15:
0x34d: {  	_ =	sfence.sel $0x180000  }
0x34e: {  	[bflag:$0x0] =	sbarrier.arrive $0xFFFF  }
0x34f: {  	_ =	strace $0x9000004A  }
0x350: {  	s0 =	stileid.u32;
	[bflag:$0x2] =	sbarrier.arrive $0xFFFF  }
0x351: {  	p0 =	sne.s32 s0, $0x0;
	s0 =	rddreg [dreg:$0x6]  }
0x352: {  	s0 =	sadd.s32 @!p0 $0x100000, s0  }
0x353: {  	[sflag:s0] =	ssyncadd.tile.s32 @!p0 $0x1;
	_ =	shalt  }
.Lfunc_end2:
_tile_overlayer_lowered:
.L_overlay_start_2:
0x354: {  	(tag) =	ssettag $0x2  }
0x355: {  	s0 =	rddreg [dreg:$0x0];
	s2 =	stileid.u32  }
0x356: {  	s1 =	rddreg [dreg:$0x1];
	p0 =	sne.s32 s2, $0x0  }
0x357: {  	s3 =	rddreg [dreg:$0x2];
	[bflag:$0x3] =	sbarrier.arrive $0xFFFF;
	s2 =	simm.s32 @!p0 $0x1C03  }
0x358: {  	[timem:s3], [sflag:s2] =	dma.local @!p0 [hbm:s0], s1  }
0x359: {  	s0 =	simm.s32 @!p0 $0x3  }
0x35a: {  	_ =	swait.ge @!p0 [sflag:s0], s1  }
0x35b: {  	s1 =	ssub.s32 @!p0 $0x0, s1;
	[sflag:s0] =	ssyncset.done @!p0 $0x0  }
0x35c: {  	[sflag:s0] =	ssyncadd.s32 @!p0 s1  }
0x35d: {  	[bflag:$0x3] =	sbarrier.arrive $0xFFFF  }
0x35e: {  	_ =	shalt  }

// kernel: sparse-core-data-format-call.cloned.1.call-start
scs
called_computation_lowered:
.L_overlay_start_0:
0x0: {  	s2 =	sld [smem:$0x3FD9]  }
0x1: {  	s3 =	sld [smem:$0x3FFE];
	_ =	sdelay $0x1  }
0x2: {  	s1 =	srdreg.scid  }
0x3: {  	s0 =	sand.u32 $0x1, s1  }
0x4: {  	s15 =	sshll.u32 s0, $0xA;
	s2 =	sadd.s32 s3, s2  }
0x5: {  	s2 =	sadd.s32 s2, s15  }
0x6: {  	[smem:$0x3FC5] =	sst s2  }
0x7: {  	_ = 	snop  }
0x8: {  	s2 =	sld [smem:$0x3FD0];
	_ =	sdelay $0x2  }
0x9: {  	s16 =	simm.s32 $0xA;
	s4 =	simm.s32 $0x10  }
0xa: {  	[smem:s4], [sflag:s16] =	dma.local [hbm:s2], $0x1  }
0xb: {  	_ =	swait.eq [sflag:s16], $0x1  }
0xc: {  	[sflag:s16] =	ssyncset.done $0x0  }
0xd: {  	[sflag:s16] =	ssyncadd.s32 $0xFFFFFFFF  }
0xe: {  	s17 =	sld [smem:$0x10];
	(tm) =	ssettm $0x1  }
0xf: {  	s18 =	sld [smem:$0x3FFB];
	_ =	sdelay $0x3  }
0x10: {  	_ =	strace s18  }
0x11: {  	s3 =	sld [smem:$0x3FFC];
	_ =	sdelay $0x3  }
0x12: {  	_ =	strace s3  }
0x13: {  	s3 =	sld [smem:$0x3FFD];
	_ =	sdelay $0x3  }
0x14: {  	_ =	strace s3  }
0x15: {  	_ =	strace $0x8FFFFFFF  }
0x16: {  	s19 =	sld [smem:$0x3FDB];
	_ =	sdelay $0x1  }
0x17: {  	s20 =	simm.s32 $_scs_section_size  }
0x18: {  	s5 =	simm.s32 $_size__tile_overlayer_lowered;
	s6 =	simm.s32 $_tile_overlayer_lowered  }
0x19: {  	s23 =	simm.s32 $0x1BFF;
	s22 =	sshll.u32 s6, $0x1;
	s3 =	sadd.s32 s20, s19  }
0x1a: {  	s7 =	simm.s32 $0x0;
	s21 =	sshll.u32 s5, $0x1;
	s5 =	sadd.s32 s22, s3  }
0x1b: {  	[timem:s7], [sflag:s23] =	dma.local [hbm:s5], s21  }
0x1c: {  	_ =	swait.ge [sflag:s23], s21  }
0x1d: {  	s4 =	ssub.s32 $0x0, s21;
	[sflag:s23] =	ssyncset.done $0x0  }
0x1e: {  	[sflag:s23] =	ssyncadd.s32 s4;
	_ =	sdelay $0x1  }
0x1f: {  	s24 =	simm.s32 $0x1B8B  }
0x20: {  	_ =	swait.ge [sflag:s24], $0x1  }
0x21: {  	[sflag:s24] =	ssyncset.done $0x0  }
0x22: {  	s26 =	simm.s32 $0x1B8E;
	s25 =	sld [smem:$0x3FFE];
	[sflag:s24] =	ssyncadd.s32 $0xFFFFFFFF  }
0x23: {  	s27 =	simm.s32 $execute0_lowered;
	[smem:$0x3FD2] =	sst s26  }
0x24: {  	s5 =	sshll.u32 s27, $0x1;
	_ =	strace $0x8000004C;
	[dreg:$0x1] =	wrdreg $0xFFFFFFFF  }
0x25: {  	s28 =	simm.s32 $_size_execute0_lowered;
	s3 =	sadd.s32 s3, s5;
	[dreg:$0x0] =	wrdreg $0x0  }
0x26: {  	s5 =	sshll.u32 s28, $0x1;
	[dreg:$0x2] =	wrdreg s3  }
0x27: {  	[dreg:$0x3] =	wrdreg s5  }
0x28: {  	[dreg:$0x4] =	wrdreg $0xC0  }
0x29: {  	_ =	task [dreg:s7], $0x5FFFF  }
0x2a: {  	[dreg:$0x1] =	wrdreg $0xFFFFFFFF  }
0x2b: {  	[dreg:$0x0] =	wrdreg $0x60  }
0x2c: {  	[dreg:$0x2] =	wrdreg s25  }
0x2d: {  	[dreg:$0x3] =	wrdreg s17  }
0x2e: {  	[dreg:$0x4] =	wrdreg $0x9  }
0x2f: {  	_ =	task.clear_ibuf [dreg:s7], $0x5FFFF;
	_ =	strace $0x9000004C  }
0x30: {  	s29 =	simm.s32 $0x9;
	_ =	strace $0x8000004E  }
0x31: {  	_ =	swait.ge [sflag:s29], $0x1  }
0x32: {  	[sflag:s29] =	ssyncadd.s32 $0xFFFFFFFF  }
0x33: {  	_ =	strace $0x9000004E  }
0x34: {  	_ =	sfence  }
0x35: {  	s30 =	sld [smem:$0x0];
	_ =	sdelay $0x2  }
0x36: {  	s31 =	sshll.u32 s1, $0xD;
	s1 =	sshrl.u32 s1, $0x2  }
0x37: {  	s3 =	sand.u32 $0x4000, s31;
	s1 =	sadd.s32 s1, s30  }
0x38: {  	s0 =	sor.u32 s3, s0;
	s1 =	sshll.u32 s1, $0x11  }
0x39: {  	s0 =	sor.u32 s1, s0  }
0x3a: {  	s0 =	sadd.s32 $0x8F2B, s0  }
0x3b: {  	[sflag:s0] =	ssyncadd.remote.s32 $0x1  }
0x3c: {  	_ =	sfence.sel $0xFFFF  }
0x3d: {  	[dreg:$0x0] =	wrdreg $0xFFFFFFFF;
	(pc) =	sbr.abs _section_cstart, $3  }
0x3e: {  	[dreg:$0x1] =	wrdreg $0xFFFFFFFF  }
0x3f: {  	_ =	task.clear_ibuf [dreg:s7], $0x2FFFF;
	_ =	strace $0x9FFFFFFF  }
0x40: {  	(tm) =	ssettm $0x7FFFFFFF  }
0x41: {  	_ =	shalt  }
tec
execute0_lowered:
.L_overlay_start_1:
0x0: {  	(tag) =	ssettag $0x1  }
0x1: {  	s0 =	rddreg [dreg:$0x0];
	s3 =	stileid.u32  }
0x2: {  	s1 =	srdreg.scid;
	_ =	strace $0x8000004D;
	s31 =	simm.s32 $0x2  }
0x3: {  	s20 =	simm.s32 $0x0;
	s12 =	simm.s32 $0x2000;
	s13 =	simm.s32 $0x0  }
0x4: {  	s19 =	simm.s32 $0x0;
	s21 =	simm.s32 $0x0;
	s2 =	sshll.u32 s3, $0x3  }
0x5: {  	s14 =	simm.s32 $0x0;
	s3 =	sshll.u32 s3, $0x2;
	s2 =	sand.u32 $0x8, s2  }
0x6: {  	s1 =	sshll.u32 s1, $0x8;
	s3 =	sand.u32 $0x38, s3;
	s26 =	ssub.s32 $0x10, s2  }
0x7: {  	s4 =	sand.u32 $0x100, s1;
	s6 =	ssub.s32 $0x1330, s3;
	s1 =	sshrl.u32 s26, $0x3  }
0x8: {  	s5 =	sshrl.u32 s26, $0x4;
	s6 =	sshrl.u32 s6, $0x6;
	s1 =	sand.u32 $0x1, s1  }
0x9: {  	s7 =	ssub.s32 $0x200, s4;
	s28 =	sadd.s32 $0x1, s6;
	s1 =	sadd.s32 s5, s1  }
0xa: {  	s15 =	simm.s32 $0x0;
	s29 =	sshrl.u32 s7, $0x8;
	s1 =	smul.u32 s28, s1  }
.Ltmp0:
0xb: {  	s7 =	sshrl.u32 s7, $0x9;
	s6 =	sand.u32 $0x1, s29;
	(pc) =	sbr.rel .LBB1_1-.Ltmp0, $4  }
0xc: {  	s18 =	simm.s32 $0x0;
	s27 =	simm.s32 $0x0;
	s30 =	sadd.s32 s7, s6  }
0xd: {  	s8 =	sadd.s32 $0x19200, s0;
	s6 =	simm.s32 $0x1;
	s7 =	smul.u32 s30, s1  }
0xe: {  	s9 =	sshll.u32 s4, $0x3;
	s16 =	smov.u32 s3;
	[sflag:s6] =	ssyncpa.u1 $0x0  }
0xf: {  	s17 =	smov.u32 s2;
	[sflag:s31] =	ssyncpa.u1 $0x0;
	s10 =	sadd.s32 $0x1, s7  }
.LBB1_7:
0x10: {  	p0 =	slt.u32 s18, $0x2  }
0x11: {  	p1 =	sgt.s32 @!p0 s20, $0x132C  }
0x12: {  	s0 =	smov.u32 s20;
	s5 =	smov.u32 s19;
	p1 =	por !p1, p0  }
0x13: {  	s1 =	sshra.s32 @!p0 s20, $0x1F;
	s0 =	simm.s32 @p1 $0x132C;
	p1 =	sgt.s32 @!p0 s19, $0x8  }
0x14: {  	s11 =	sshra.s32 @!p0 s19, $0x1F;
	s1 =	sand.u32 @!p0 s1, s20;
	p1 =	por !p1, p0  }
0x15: {  	s0 =	ssub.s32 @!p0 s0, s1;
	s1 =	sand.u32 @!p0 s11, s19;
	s5 =	simm.s32 @p1 $0x8  }
0x16: {  	s1 =	ssub.s32 @!p0 s5, s1  }
0x17: {  	s11 =	sadd.s32 @!p0 $0xFFFFECD4, s0;
	s0 =	ssub.s32 @!p0 $0x1334, s0;
	s1 =	sadd.s32 @!p0 $0xFFFFFFF8, s1  }
0x18: {  	p1 =	sgt.s32 @!p0 s11, $0x7;
	p2 =	sgt.s32 @!p0 s1, $0x7;
	s1 =	sshll.u32 @!p0 s1, $0x8  }
0x19: {  	p1 =	por !p1, p0;
	s1 =	ssub.s32 @!p0 $0x800, s1;
	p2 =	por !p2, p0  }
0x1a: {  	s0 =	simm.s32 @!p1 $0x0;
	s1 =	simm.s32 @!p2 $0x0  }
0x1b: {  	s0 =	smul.u32 @!p0 s0, s1;
	s1 =	sadd.s32 $0x40, s16  }
0x1c: {  	s22 =	smov.u32 s17;
	s11 =	sadd.s32 $0x10, s17;
	p1 =	sgt.s32 s1, $0x1333  }
0x1d: {  	s22 =	smov.u32 @p1 s11  }
0x1e: {  	s1 =	smov.u32 @p1 s3;
	p1 =	sgt.s32 s22, $0xF  }
0x1f: {  	s13 =	sadd.s32 $0x4000, s13;
	s22 =	smov.u32 @p1 s2;
	p1 =	sne.s32 s18, s10  }
.Ltmp1:
0x20: {  	s21 =	smov.u32 s4;
	s20 =	smov.u32 s14;
	(pc) =	sbr.rel @!p1 .LBB1_8-.Ltmp1, $4  }
0x21: {  	s14 =	smov.u32 s16;
	s5 =	simm.s32 @!p0 $0x2;
	s0 =	sand.u32 @!p0 $0x3FFFFF00, s0  }
0x22: {  	s19 =	smov.u32 s15;
	s15 =	smov.u32 s17;
	_ =	swait.ge @!p0 [sflag:s5], s0  }
0x23: {  	s0 =	ssub.s32 @!p0 $0x0, s0;
	s16 =	smov.u32 s1;
	[sflag:s5] =	ssyncset.done @!p0 $0x0  }
0x24: {  	s18 =	sadd.s32 $0x1, s18;
	[sflag:s5] =	ssyncadd.s32 @!p0 s0;
	s17 =	smov.u32 s22  }
.LBB1_1:
0x25: {  	p0 =	sge.u32 s18, s7  }
0x26: {  	s0 =	sshll.u32 @!p0 s16, $0x9  }
0x27: {  	s1 =	sshll.u32 @!p0 s16, $0x7;
	s0 =	sand.u32 @!p0 $0xFFFFF000, s0  }
0x28: {  	s1 =	sand.u32 @!p0 $0x200, s1;
	s0 =	sor.u32 @!p0 s9, s0  }
0x29: {  	s0 =	sor.u32 @!p0 s1, s0  }
0x2a: {  	s0 =	sshrl.u32 @!p0 s0, $0x9  }
0x2b: {  	s1 =	smulhi.u32 @!p0 $0x6A9007, s0;
	_ =	sdelay $0x1  }
0x2c: {  	s1 =	sshrl.u32 @!p0 s1, $0x3  }
0x2d: {  	s1 =	smul.u32 @!p0 $0x1338, s1  }
0x2e: {  	s31 =	sadd.s32 $0xFFFFFFFF, s18;
	s5 =	smul.u32 @!p0 $0x4CE00, s17  }
0x2f: {  	s11 =	sxor.u32 @!p0 $0xFFFFFFFF, s18;
	s0 =	ssub.s32 @!p0 s0, s1;
	s1 =	sshll.u32 @!p0 s16, $0x4  }
0x30: {  	s11 =	sshll.u32 @!p0 s11, $0xE;
	s5 =	sadd.s32 @!p0 s8, s5;
	s1 =	sand.u32 @!p0 $0x30, s1  }
0x31: {  	s11 =	sand.u32 @!p0 $0x4000, s11;
	s0 =	sshll.u32 @!p0 s0, $0x6;
	s1 =	sadd.s32 @!p0 s1, s5  }
0x32: {  	s5 =	simm.s32 @!p0 $0x267000;
	s0 =	sadd.s32 @!p0 s0, s1;
	s1 =	simm.s32 @!p0 $0x800  }
0x33: {  	[tilespmem:s11], [sflag:$0x1] =	stream.strided.gather @!p0 [hbm4b:s0+s1], $0x4000, s5, s1, $0x38;
	[tilespmem:$0x10000] =	vst v63  }
0x34: {  	p0 =	sge.u32 s31, s7  }
.Ltmp2:
0x35: {  	_ = 	snop;
	(pc) =	sbr.rel @p0 .LBB1_7-.Ltmp2, $1  }
0x36: {  	_ =	sdelay $0x3  }
0x37: {  	s0 =	sshll.u32 s13, $0x2;
	_ =	swait.ge [sflag:s6], $0x4000;
	s1 =	sshll.u32 s18, $0xE  }
0x38: {  	p0 =	por $0x0, $0x0;
	s28 =	simm.s32 $0x0;
	s29 =	simm.s32 $0x0  }
0x39: {  	s0 =	sand.u32 $0x10000, s0;
	[sflag:s6] =	ssyncset.done $0x0;
	s25 =	sand.u32 $0x4000, s1  }
0x3a: {  	s0 =	sshrl.u32 s0, $0x2;
	[sflag:s6] =	ssyncadd.s32 $0xFFFFC000;
	s22 =	sor.u32 $0x8000, s25  }
0x3b: {  	s23 =	sor.u32 $0x40, s0;
	s5 =	sor.u32 $0x8410, s0;
	s26 =	sadd.s32 $0x8400, s0  }
.LBB1_3:
0x3c: {  	v1 =	vld [tilespmem:s23+$0xFFFFFFD0]  }
0x3d: {  	v2 =	vld [tilespmem:s23+$0x430]  }
0x3e: {  	s0 =	sshll.u32 s29, $0xB;
	v4 =	vld [tilespmem:s23+$0xFFFFFFE0]  }
0x3f: {  	v7 =	vld [tilespmem:s23+$0xFFFFFFF0];
	v0 =	vmov s0  }
0x40: {  	v8 =	vld [tilespmem:s23+$0x0]  }
0x41: {  	s11 =	sand.u32 $0x300, s27;
	v9 =	vld [tilespmem:s23+$0x10]  }
0x42: {  	s1 =	sand.u32 $0x80, s27;
	v10 =	vld [tilespmem:s23+$0x20];
	s0 =	sadd.s32 s11, s25  }
0x43: {  	v11 =	vld [tilespmem:s23+$0x30];
	s0 =	sadd.s32 s1, s0;
	s1 =	simm.s32 $0x1;
	[tilespmem:s5+$0x60] =	vst v2  }
0x44: {  	s24 =	sshll.u32 s28, $0x2;
	s1 =	simm.s32 @!p0 $0x0;
	[tilespmem:s5+$0xFFFFFC00] =	vst v1;
	v3 =	vld.idx.msk [tilespmem:v0+s0+$0x400 ss:$0x1], $0xffff  }
0x45: {  	v6 =	vld [tilespmem:s23+$0x3D0];
	s1 =	sshll.u32 s1, $0x9;
	[tilespmem:s5+$0xFFFFFC10] =	vst v4;
	s0 =	sand.u32 $0xFFFFFC00, s24  }
0x46: {  	v5 =	vld [tilespmem:s23+$0x3E0];
	[tilespmem:s5+$0xFFFFFC20] =	vst v7;
	s0 =	sor.u32 s1, s0  }
0x47: {  	[tilespmem:s5+$0xFFFFFC30] =	vst v8;
	v4 =	vld [tilespmem:s23+$0x400];
	s0 =	sshrl.u32 s0, $0x2  }
0x48: {  	[tilespmem:s5+$0xFFFFFC40] =	vst v9;
	v1 =	vld [tilespmem:s23+$0x410];
	s30 =	sadd.s32 s0, s26  }
0x49: {  	[tilespmem:s30+$0x0] =	vst v3;
	v3 =	vld [tilespmem:s23+$0x3F0]  }
0x4a: {  	s31 =	sadd.s32 $0x80, s23;
	[tilespmem:s5+$0xFFFFFC50] =	vst v10;
	v2 =	vld [tilespmem:s23+$0x420];
	s1 =	simm.s32 $0x80  }
0x4b: {  	v7 =	vld [tilespmem:s23+$0xFFFFFFC0];
	[tilespmem:s5+$0xFFFFFC60] =	vst v11;
	s24 =	smov.u32 s5;
	s11 =	sand.u32 $0x300, s1;
	s0 =	simm.s32 $0x100  }
.LBB1_4:
0x4c: {  	p1 =	sne.s32 s0, $0x380;
	v8 =	vld [tilespmem:s31+$0xFFFFFFD0];
	s1 =	sand.u32 $0x80, s1;
	s11 =	sadd.s32 s11, s25;
	[tilespmem:s24+$0x0] =	vst v6  }
0x4d: {  	s11 =	sadd.s32 s1, s11;
	v6 =	vld [tilespmem:s31+$0x430];
	[tilespmem:s24+$0x10] =	vst v5;
	s1 =	smov.u32 s0  }
0x4e: {  	v5 =	vld.idx.msk [tilespmem:v0+s11+$0x400 ss:$0x1], $0xffff;
	[tilespmem:s24+$0x20] =	vst v3  }
0x4f: {  	v3 =	vld [tilespmem:s31+$0xFFFFFFE0];
	[tilespmem:s24+$0x30] =	vst v4  }
0x50: {  	v4 =	vld [tilespmem:s31+$0xFFFFFFF0];
	[tilespmem:s24+$0xFFFFFBF0] =	vst v7  }
0x51: {  	v7 =	vld [tilespmem:s31+$0x0];
	[tilespmem:s24+$0x40] =	vst v1  }
0x52: {  	v1 =	vld [tilespmem:s31+$0x10];
	[tilespmem:s24+$0x50] =	vst v2;
	s24 =	sadd.s32 $0x800, s24  }
0x53: {  	s30 =	sadd.s32 $0x800, s30;
	v2 =	vld [tilespmem:s31+$0x20];
	[tilespmem:s24+$0x60] =	vst v6  }
0x54: {  	v9 =	vld [tilespmem:s31+$0x30];
	[tilespmem:s30+$0x0] =	vst v5  }
0x55: {  	[tilespmem:s24+$0xFFFFFC00] =	vst v8;
	v6 =	vld [tilespmem:s31+$0x3D0]  }
0x56: {  	[tilespmem:s24+$0xFFFFFC10] =	vst v3;
	v5 =	vld [tilespmem:s31+$0x3E0]  }
.Ltmp3:
0x57: {  	[tilespmem:s24+$0xFFFFFC20] =	vst v4;
	v3 =	vld [tilespmem:s31+$0x3F0];
	(pc) =	sbr.rel @p1 .LBB1_4-.Ltmp3, $4  }
0x58: {  	[tilespmem:s24+$0xFFFFFC30] =	vst v7;
	v4 =	vld [tilespmem:s31+$0x400]  }
0x59: {  	[tilespmem:s24+$0xFFFFFC40] =	vst v1;
	v1 =	vld [tilespmem:s31+$0x410]  }
0x5a: {  	[tilespmem:s24+$0xFFFFFC50] =	vst v2;
	v2 =	vld [tilespmem:s31+$0x420]  }
0x5b: {  	s0 =	sadd.s32 $0x80, s0;
	s11 =	sand.u32 $0x300, s1;
	v7 =	vld [tilespmem:s31+$0xFFFFFFC0];
	[tilespmem:s24+$0xFFFFFC60] =	vst v9;
	s31 =	sadd.s32 $0x80, s31  }
0x5c: {  	[tilespmem:s24+$0x0] =	vst v6  }
0x5d: {  	[tilespmem:s24+$0x10] =	vst v5  }
0x5e: {  	v49 =	vld [tilespmem:s31+$0x430];
	[tilespmem:s24+$0x20] =	vst v3  }
0x5f: {  	v50 =	vld [tilespmem:s31+$0xFFFFFFD0];
	[tilespmem:s24+$0x30] =	vst v4  }
0x60: {  	v51 =	vld [tilespmem:s31+$0xFFFFFFE0];
	[tilespmem:s24+$0x40] =	vst v1  }
0x61: {  	v52 =	vld [tilespmem:s31+$0xFFFFFFF0];
	[tilespmem:s24+$0x50] =	vst v2  }
0x62: {  	v53 =	vld [tilespmem:s31+$0x0];
	[tilespmem:s24+$0xFFFFFBF0] =	vst v7;
	s24 =	sadd.s32 $0x800, s24  }
0x63: {  	v54 =	vld [tilespmem:s31+$0x10];
	[tilespmem:s24+$0x60] =	vst v49  }
0x64: {  	v55 =	vld [tilespmem:s31+$0x20];
	[tilespmem:s24+$0xFFFFFC00] =	vst v50  }
0x65: {  	v56 =	vld [tilespmem:s31+$0x30];
	[tilespmem:s24+$0xFFFFFC10] =	vst v51  }
0x66: {  	v57 =	vld [tilespmem:s31+$0x3D0];
	[tilespmem:s24+$0xFFFFFC20] =	vst v52  }
0x67: {  	v58 =	vld [tilespmem:s31+$0x3E0];
	[tilespmem:s24+$0xFFFFFC30] =	vst v53  }
0x68: {  	v59 =	vld [tilespmem:s31+$0x3F0];
	[tilespmem:s24+$0xFFFFFC40] =	vst v54  }
0x69: {  	v60 =	vld [tilespmem:s31+$0x400];
	[tilespmem:s24+$0xFFFFFC50] =	vst v55  }
0x6a: {  	v61 =	vld [tilespmem:s31+$0xFFFFFFC0];
	[tilespmem:s24+$0xFFFFFC60] =	vst v56  }
0x6b: {  	s0 =	sand.u32 $0x80, s1;
	s11 =	sadd.s32 s11, s25;
	v62 =	vld [tilespmem:s31+$0x410];
	[tilespmem:s24+$0x0] =	vst v57  }
0x6c: {  	v63 =	vld [tilespmem:s31+$0x420];
	s29 =	sadd.s32 $0x1, s29;
	s0 =	sadd.s32 s0, s11;
	[tilespmem:s24+$0x10] =	vst v58  }
0x6d: {  	p1 =	sne.s32 s29, $0x8;
	v0 =	vld.idx.msk [tilespmem:v0+s0+$0x400 ss:$0x1], $0xffff;
	[tilespmem:s24+$0x20] =	vst v59  }
.Ltmp4:
0x6e: {  	[tilespmem:s24+$0x30] =	vst v60;
	(pc) =	sbr.rel @p1 .LBB1_3-.Ltmp4, $4  }
0x6f: {  	[tilespmem:s24+$0xFFFFFBF0] =	vst v61  }
0x70: {  	[tilespmem:s24+$0x40] =	vst v62  }
0x71: {  	s30 =	sadd.s32 $0x800, s30;
	s23 =	sadd.s32 $0x800, s23;
	[tilespmem:s24+$0x50] =	vst v63  }
0x72: {  	s28 =	sadd.s32 $0x80, s28;
	p0 =	por !p0, !p0;
	s5 =	sadd.s32 $0x80, s5;
	[tilespmem:s30+$0x0] =	vst v0  }
0x73: {  	p0 =	sgt.s32 s14, $0x132C;
	s0 =	smov.u32 s14;
	s1 =	sshra.s32 s14, $0x1F  }
0x74: {  	s5 =	sshll.u32 s15, $0x9;
	s11 =	sshra.s32 s15, $0x1F;
	s21 =	sshll.u32 s21, $0x3  }
0x75: {  	s26 =	sshll.u32 s15, $0x7;
	s28 =	sshll.u32 s14, $0xA;
	s29 =	sshll.u32 s15, $0x4  }
0x76: {  	s30 =	rddreg [dreg:$0x1];
	s0 =	simm.s32 @!p0 $0x132C;
	s1 =	sand.u32 s1, s14  }
0x77: {  	p0 =	sgt.s32 s15, $0x8;
	s0 =	ssub.s32 s0, s1;
	s1 =	smov.u32 s15  }
0x78: {  	s5 =	sand.u32 $0x1000, s5;
	s11 =	sand.u32 s11, s15;
	s1 =	simm.s32 @!p0 $0x8  }
0x79: {  	s5 =	sor.u32 s5, s21;
	s25 =	sadd.s32 $0xFFFFECD4, s0;
	s1 =	ssub.s32 s1, s11  }
0x7a: {  	s0 =	ssub.s32 $0x1334, s0;
	p0 =	sgt.s32 s25, $0x7;
	s1 =	sadd.s32 $0xFFFFFFF8, s1  }
0x7b: {  	s11 =	sand.u32 $0x200, s26;
	p1 =	sgt.s32 s1, $0x7;
	s1 =	sshll.u32 s1, $0x8  }
0x7c: {  	s0 =	simm.s32 @p0 $0x0;
	s5 =	sor.u32 s11, s5;
	s1 =	ssub.s32 $0x800, s1  }
.Ltmp5:
0x7d: {  	s11 =	sand.u32 $0x30, s29;
	s1 =	simm.s32 @p1 $0x0;
	(pc) =	sbr.rel .LBB1_7-.Ltmp5, $4  }
0x7e: {  	s5 =	sshrl.u32 s5, $0x3;
	s0 =	smul.u32 s0, s1;
	s1 =	sadd.s32 s30, s28  }
0x7f: {  	s5 =	sand.u32 $0x3C0, s5;
	s1 =	sadd.s32 s11, s1  }
0x80: {  	s31 =	simm.s32 $0x800;
	s0 =	sand.u32 $0x3FFFFF00, s0;
	s1 =	sadd.s32 s5, s1  }
0x81: {  	[hbm4b:s1+s31] =	stream.strided.scatter [tilespmem:s22], [sflag:$0x2], s0, s12, s31, $0x38;
	[tilespmem:$0x10000] =	vst v63  }
.LBB1_8:
0x82: {  	_ =	sfence.sel $0x180000  }
0x83: {  	s0 =	simm.s32 $0x1;
	[bflag:$0x0] =	sbarrier.arrive $0xFFFF  }
0x84: {  	s30 =	simm.s32 $0x2;
	[sflag:s0] =	ssyncpa.u1 $0x1  }
0x85: {  	[sflag:s30] =	ssyncpa.u1 $0x1  }
0x86: {  	_ =	strace $0x9000004D  }
0x87: {  	s31 =	stileid.u32;
	[bflag:$0x2] =	sbarrier.arrive $0xFFFF  }
0x88: {  	p0 =	sne.s32 s31, $0x0;
	s0 =	rddreg [dreg:$0x2]  }
0x89: {  	s0 =	sadd.s32 @!p0 $0x100000, s0  }
0x8a: {  	[sflag:s0] =	ssyncadd.tile.s32 @!p0 $0x1;
	_ =	shalt  }
.Lfunc_end1:
_tile_overlayer_lowered:
.L_overlay_start_2:
0x8b: {  	(tag) =	ssettag $0x2  }
0x8c: {  	s0 =	rddreg [dreg:$0x0];
	s2 =	stileid.u32  }
0x8d: {  	s1 =	rddreg [dreg:$0x1];
	p0 =	sne.s32 s2, $0x0  }
0x8e: {  	s3 =	rddreg [dreg:$0x2];
	[bflag:$0x3] =	sbarrier.arrive $0xFFFF;
	s2 =	simm.s32 @!p0 $0x1C01  }
0x8f: {  	[timem:s3], [sflag:s2] =	dma.local @!p0 [hbm:s0], s1  }
0x90: {  	s0 =	simm.s32 @!p0 $0x1  }
0x91: {  	_ =	swait.ge @!p0 [sflag:s0], s1  }
0x92: {  	s1 =	ssub.s32 @!p0 $0x0, s1;
	[sflag:s0] =	ssyncset.done @!p0 $0x0  }
0x93: {  	[sflag:s0] =	ssyncadd.s32 @!p0 s1  }
0x94: {  	[bflag:$0x3] =	sbarrier.arrive $0xFFFF  }
0x95: {  	_ =	shalt  }

</sc_bundles>
